<compile_context>
chip_gen: v7x
topology: tpu7x:2x2x1
jax: 0.10.2.dev20260603
libtpu: 0.0.44.dev20260713+nightly
codegen_flags: <defaults>
</compile_context>

<pallas_src>
import functools

import jax
import jax.numpy as jnp
from jax import lax
from jax.experimental import pallas as pl
from jax.experimental.pallas import tpu as pltpu
from jax.experimental.pallas import tpu_sc as plsc

K = 64
N = 4096
D = 512
B = 8
NPAD = 72
NROW = 2 * B


def _row_cumsum(x):
    n = x.shape[1]
    sh = 1
    while sh < n:
        x = x + jnp.pad(x, ((0, 0), (sh, 0)))[:, :n]
        sh *= 2
    return x


def _topk_body(s_ref, vals_ref, ids_ref):
    sc0 = s_ref[...]
    col = lax.broadcasted_iota(jnp.int32, (NROW, N), 1)
    lane_k = lax.broadcasted_iota(jnp.int32, (NROW, K), 1)

    def step(k, carry):
        sc, vals, ids = carry
        f = jnp.maximum(sc[:, :N // 2], sc[:, N // 2:])
        f = jnp.maximum(f[:, :N // 4], f[:, N // 4:])
        f = jnp.maximum(f[:, :N // 8], f[:, N // 8:])
        m = jnp.max(f, axis=1, keepdims=True)
        cand = jnp.where(sc >= m, col, jnp.int32(N))
        idx = jnp.min(cand, axis=1, keepdims=True)
        vals = jnp.where(lane_k == k, m, vals)
        ids = jnp.where(lane_k == k, idx, ids)
        sc = jnp.where(col == idx, -jnp.inf, sc)
        return sc, vals, ids

    vals0 = jnp.zeros((NROW, K), jnp.float32)
    ids0 = jnp.zeros((NROW, K), jnp.int32)
    _, vals, ids = lax.fori_loop(0, K, step, (sc0, vals0, ids0))
    vals_ref[...] = vals
    row = lax.broadcasted_iota(jnp.int32, (NROW, K), 0)
    ids_ref[...] = ids + (row % B) * N


def _topk(scores_stacked):
    return pl.pallas_call(
        _topk_body,
        out_shape=[
            jax.ShapeDtypeStruct((NROW, K), jnp.float32),
            jax.ShapeDtypeStruct((NROW, K), jnp.int32),
        ],
    )(scores_stacked)


def _sc_gather(table, idx_flat):
    n_idx = NROW * K
    nw = 32
    bpw = n_idx // nw
    mesh = plsc.VectorSubcoreMesh(core_axis_name="c", subcore_axis_name="s")

    @functools.partial(
        pl.kernel,
        mesh=mesh,
        out_type=jax.ShapeDtypeStruct((n_idx, D), jnp.float32),
        scratch_types=[
            pltpu.VMEM((bpw,), jnp.int32),
            pltpu.VMEM((bpw, D), jnp.float32),
            pltpu.SemaphoreType.DMA,
        ],
    )
    def gk(table_hbm, idx_hbm, out_hbm, idx_v, rows_v, sem):
        wid = lax.axis_index("s") * 2 + lax.axis_index("c")
        base = wid * bpw
        pltpu.sync_copy(idx_hbm.at[pl.ds(base, bpw)], idx_v)
        pltpu.async_copy(table_hbm.at[idx_v], rows_v, sem).wait()
        pltpu.sync_copy(rows_v, out_hbm.at[pl.ds(base, bpw)])

    return gk(table, idx_flat)


def _mlp_body(ra_ref, ro_ref, na_ref, no_ref, w1_ref, b1_ref, wc_ref, bc_ref,
              cat_ref, sent_ref):
    ra = ra_ref[0]
    ro = ro_ref[0]
    w1a = w1_ref[:D, :]
    w1b = w1_ref[D:, :]
    pa = jnp.dot(ra, w1a, preferred_element_type=jnp.float32)
    pan = jnp.dot(na_ref[0], w1a, preferred_element_type=jnp.float32)
    o65 = jnp.concatenate([ro, no_ref[0]], axis=0)
    po = jnp.dot(o65, w1b, preferred_element_type=jnp.float32)
    po = po + b1_ref[...]
    wc = wc_ref[...].astype(jnp.bfloat16)
    bc = bc_ref[...]
    for i in range(K):
        h = jax.nn.relu(pa[i:i + 1, :] + po)
        out = jnp.dot(h.astype(jnp.bfloat16), wc,
                      preferred_element_type=jnp.float32) + bc
        cat_ref[0, i * 65:(i + 1) * 65, :] = out[:, :13]
        sent_ref[0, i * 65:(i + 1) * 65, :] = out[:, 13:16]
    h = jax.nn.relu(pan + po[:K, :])
    out = jnp.dot(h.astype(jnp.bfloat16), wc,
                  preferred_element_type=jnp.float32) + bc
    cat_ref[0, K * 65:K * 65 + K, :] = out[:, :13]
    sent_ref[0, K * 65:K * 65 + K, :] = out[:, 13:16]


def _mlp(rows16, null_asp, null_opn, w1, b1r, wc, bcr):
    npairs = (K + 1) * (K + 1) - 1
    return pl.pallas_call(
        _mlp_body,
        grid=(B,),
        in_specs=[
            pl.BlockSpec((1, K, D), lambda b: (b, 0, 0)),
            pl.BlockSpec((1, K, D), lambda b: (b + B, 0, 0)),
            pl.BlockSpec((1, 1, D), lambda b: (b, 0, 0)),
            pl.BlockSpec((1, 1, D), lambda b: (b, 0, 0)),
            pl.BlockSpec((2 * D, D), lambda b: (0, 0)),
            pl.BlockSpec((1, D), lambda b: (0, 0)),
            pl.BlockSpec((D, 16), lambda b: (0, 0)),
            pl.BlockSpec((1, 16), lambda b: (0, 0)),
        ],
        out_specs=[
            pl.BlockSpec((1, npairs, 13), lambda b: (b, 0, 0)),
            pl.BlockSpec((1, npairs, 3), lambda b: (b, 0, 0)),
        ],
        out_shape=[
            jax.ShapeDtypeStruct((B, npairs, 13), jnp.float32),
            jax.ShapeDtypeStruct((B, npairs, 3), jnp.float32),
        ],
    )(rows16, rows16, null_asp.reshape(B, 1, D), null_opn.reshape(B, 1, D),
      w1, b1r, wc, bcr)


def kernel(asp_scores, opn_scores, span_reprs, null_asp_repr, null_opn_repr,
           W1, b1, W_cat, b_cat, W_sent, b_sent):
    scores = jnp.concatenate([asp_scores, opn_scores], axis=0)
    vals, ids = _topk(scores)
    asp_topk_scores = vals[:B]
    opn_topk_scores = vals[B:]
    table = span_reprs.reshape(B * N, D)
    rows = _sc_gather(table, ids.reshape(-1))
    rows16 = rows.reshape(2 * B, K, D)

    wc = jnp.concatenate([W_cat, W_sent], axis=1)
    bc = jnp.concatenate([b_cat, b_sent], axis=0).reshape(1, 16)
    cat_logits, sent_logits = _mlp(rows16, null_asp_repr, null_opn_repr,
                                   W1, b1.reshape(1, D), wc, bc)
    return asp_topk_scores, opn_topk_scores, cat_logits, sent_logits

# --- scband reference (transcript-rebuilt; emitter-appended) ---
"""Pipeline reference for scband-bsparstage1-64811056497252 (READ-ONLY COPY).

The authoritative reference and input builder live on the scoring server;
editing this copy changes nothing except your own understanding.
"""

import jax, jax.numpy as jnp
import numpy as np

K_A = 64
K_O = 64


def setup_inputs(seed: int = 0) -> dict:
    key = jax.random.key(seed)
    ks = jax.random.split(key, 12)
    B, N, D = 8, 4096, 512
    H = 512
    NC, NS = 13, 3
    return {
        "asp_scores": jax.random.normal(ks[0], (B, N), dtype=jnp.float32),
        "opn_scores": jax.random.normal(ks[1], (B, N), dtype=jnp.float32),
        "span_reprs": jax.random.normal(ks[2], (B, N, D), dtype=jnp.float32),
        "null_asp_repr": jax.random.normal(ks[3], (B, D), dtype=jnp.float32),
        "null_opn_repr": jax.random.normal(ks[4], (B, D), dtype=jnp.float32),
        "W1": jax.random.normal(ks[5], (2 * D, H), dtype=jnp.float32) * 0.02,
        "b1": jnp.zeros((H,), dtype=jnp.float32),
        "W_cat": jax.random.normal(ks[6], (H, NC), dtype=jnp.float32) * 0.02,
        "b_cat": jnp.zeros((NC,), dtype=jnp.float32),
        "W_sent": jax.random.normal(ks[7], (H, NS), dtype=jnp.float32) * 0.02,
        "b_sent": jnp.zeros((NS,), dtype=jnp.float32),
    }


def reference(asp_scores, opn_scores, span_reprs, null_asp_repr, null_opn_repr, W1, b1, W_cat, b_cat, W_sent, b_sent):
    # _prune_spans: top-K spans by unary score, gather reprs, append NULL span
    asp_topk_scores, asp_ids = jax.lax.top_k(asp_scores, K_A)
    opn_topk_scores, opn_ids = jax.lax.top_k(opn_scores, K_O)
    asp_reprs = jnp.take_along_axis(span_reprs, asp_ids[..., None], axis=1)
    opn_reprs = jnp.take_along_axis(span_reprs, opn_ids[..., None], axis=1)
    asp_reprs = jnp.concatenate([asp_reprs, null_asp_repr[:, None, :]], axis=1)  # [B, K_A+1, D]
    opn_reprs = jnp.concatenate([opn_reprs, null_opn_repr[:, None, :]], axis=1)  # [B, K_O+1, D]
    B, n_asp, D = asp_reprs.shape
    n_opn = opn_reprs.shape[1]
    # _construct_pairs: Cartesian product aspect x opinion
    asp_exp = jnp.broadcast_to(asp_reprs[:, :, None, :], (B, n_asp, n_opn, D)).reshape(B, n_asp * n_opn, D)
    opn_exp = jnp.broadcast_to(opn_reprs[:, None, :, :], (B, n_asp, n_opn, D)).reshape(B, n_asp * n_opn, D)
    # exclude NULL x NULL pair; mask is True everywhere except the last flat position,
    # so boolean masking is exactly a slice off the last pair
    asp_pairs = asp_exp[:, :-1, :]
    opn_pairs = opn_exp[:, :-1, :]
    # PairModule: MLP over concatenated pair reprs -> category / sentiment logits
    pair = jnp.concatenate([asp_pairs, opn_pairs], axis=-1)  # [B, P, 2D]
    h = jax.nn.relu(pair @ W1 + b1)                          # [B, P, H]
    cat_logits = h @ W_cat + b_cat                           # [B, P, 13]
    sent_logits = h @ W_sent + b_sent                        # [B, P, 3]
    return asp_topk_scores, opn_topk_scores, cat_logits, sent_logits

if __name__ == "__main__":
    import jax
    _d = setup_inputs()
    print(jax.jit(kernel)(*tuple(_d.values())))

</pallas_src>

<mosaic_0001>
#map = affine_map<(d0, d1) -> (0, 0)>
#map1 = affine_map<(d0, d1) -> (0)>
module attributes {stable_mosaic.version = 14 : i64} {
  func.func @gk(%arg0: i32, %arg1: i32, %arg2: memref<32768x512xf32, #tpu.memory_space<hbm>>, %arg3: memref<1024xi32, #tpu.memory_space<hbm>>, %arg4: memref<1024x512xf32, #tpu.memory_space<hbm>>, %arg5: memref<32xi32, #tpu.memory_space<vmem>>, %arg6: memref<32x512xf32, #tpu.memory_space<vmem>>, %arg7: memref<!tpu.dma_semaphore, #tpu.memory_space<semaphore_mem>>) attributes {dimension_semantics = [#tpu.dimension_semantics<core_parallel>, #tpu.dimension_semantics<subcore_parallel>], iteration_bounds = array<i64: 2, 16>, scalar_prefetch = 0 : i64, scratch_operands = 3 : i64, tpu.core_type = #tpu.core_type<sc_vector_subcore>, window_params = [{transform_indices = #map}, {transform_indices = #map1}, {transform_indices = #map}]} {
    %mul3A = arith.constant 2 : i32
    %mul3A_0 = arith.muli %arg1, %mul3A : i32
    %add3A = arith.addi %mul3A_0, %arg0 : i32
    %mul3A_1 = arith.constant 32 : i32
    %mul3A_2 = arith.muli %add3A, %mul3A_1 : i32
    "tpu.region"() ({
      %run_scoped3A = tpu.sem_alloc : memref<!tpu.dma_semaphore, #tpu.memory_space<semaphore_mem>>
      %dma_start3A_7 = tpu.memref_slice %arg3[%mul3A_2] : memref<1024xi32, #tpu.memory_space<hbm>> -> memref<32xi32, #tpu.memory_space<hbm>>
      %dma_start3A_8 = tpu.memref_slice %arg3[%mul3A_2] : memref<1024xi32, #tpu.memory_space<hbm>> -> memref<32xi32, #tpu.memory_space<hbm>>
      tpu.enqueue_dma source(%dma_start3A_8 : memref<32xi32, #tpu.memory_space<hbm>>) target(%arg5 : memref<32xi32, #tpu.memory_space<vmem>>) target_semaphore(%run_scoped3A : memref<!tpu.dma_semaphore, #tpu.memory_space<semaphore_mem>>)
      %dma_wait3A_9 = tpu.memref_slice %arg3[%mul3A_2] : memref<1024xi32, #tpu.memory_space<hbm>> -> memref<32xi32, #tpu.memory_space<hbm>>
      %dma_wait3A_10 = tpu.memref_slice %arg3[%mul3A_2] : memref<1024xi32, #tpu.memory_space<hbm>> -> memref<32xi32, #tpu.memory_space<hbm>>
      tpu.wait_dma2 semaphore(%run_scoped3A : memref<!tpu.dma_semaphore, #tpu.memory_space<semaphore_mem>>) src(%dma_wait3A_10 : memref<32xi32, #tpu.memory_space<hbm>>) dst(%arg5 : memref<32xi32, #tpu.memory_space<vmem>>)
      tpu.yield
    }) : () -> ()
    %dma_start3A = arith.constant 0 : i32
    %dma_start3A_3 = arith.constant 0 : i32
    %dma_start3A_4 = tpu.memref_slice %arg2[%dma_start3A, %dma_start3A_3] : memref<32768x512xf32, #tpu.memory_space<hbm>> -> memref<32768x512xf32, #tpu.memory_space<hbm>>
    tpu.enqueue_indirect_dma source(%dma_start3A_4 : memref<32768x512xf32, #tpu.memory_space<hbm>>) target(%arg6 : memref<32x512xf32, #tpu.memory_space<vmem>>) offsets(%arg5 : memref<32xi32, #tpu.memory_space<vmem>>) semaphore(%arg7 : memref<!tpu.dma_semaphore, #tpu.memory_space<semaphore_mem>>)
    %dma_wait3A = arith.constant 0 : i32
    %dma_wait3A_5 = arith.constant 0 : i32
    %dma_wait3A_6 = tpu.memref_slice %arg2[%dma_wait3A, %dma_wait3A_5] : memref<32768x512xf32, #tpu.memory_space<hbm>> -> memref<32768x512xf32, #tpu.memory_space<hbm>>
    tpu.wait_indirect_dma semaphore(%arg7 : memref<!tpu.dma_semaphore, #tpu.memory_space<semaphore_mem>>) src(%dma_wait3A_6 : memref<32768x512xf32, #tpu.memory_space<hbm>>) dst(%arg6 : memref<32x512xf32, #tpu.memory_space<vmem>>)
    "tpu.region"() ({
      %run_scoped3A = tpu.sem_alloc : memref<!tpu.dma_semaphore, #tpu.memory_space<semaphore_mem>>
      %dma_start3A_7 = arith.constant 0 : i32
      %dma_start3A_8 = tpu.memref_slice %arg4[%mul3A_2, %dma_start3A_7] : memref<1024x512xf32, #tpu.memory_space<hbm>> -> memref<32x512xf32, #tpu.memory_space<hbm>>
      %dma_start3A_9 = arith.constant 0 : i32
      %dma_start3A_10 = tpu.memref_slice %arg4[%mul3A_2, %dma_start3A_9] : memref<1024x512xf32, #tpu.memory_space<hbm>> -> memref<32x512xf32, #tpu.memory_space<hbm>>
      tpu.enqueue_dma source(%arg6 : memref<32x512xf32, #tpu.memory_space<vmem>>) target(%dma_start3A_10 : memref<32x512xf32, #tpu.memory_space<hbm>>) target_semaphore(%run_scoped3A : memref<!tpu.dma_semaphore, #tpu.memory_space<semaphore_mem>>)
      %dma_wait3A_11 = arith.constant 0 : i32
      %dma_wait3A_12 = tpu.memref_slice %arg4[%mul3A_2, %dma_wait3A_11] : memref<1024x512xf32, #tpu.memory_space<hbm>> -> memref<32x512xf32, #tpu.memory_space<hbm>>
      %dma_wait3A_13 = arith.constant 0 : i32
      %dma_wait3A_14 = tpu.memref_slice %arg4[%mul3A_2, %dma_wait3A_13] : memref<1024x512xf32, #tpu.memory_space<hbm>> -> memref<32x512xf32, #tpu.memory_space<hbm>>
      tpu.wait_dma2 semaphore(%run_scoped3A : memref<!tpu.dma_semaphore, #tpu.memory_space<semaphore_mem>>) src(%arg6 : memref<32x512xf32, #tpu.memory_space<vmem>>) dst(%dma_wait3A_14 : memref<32x512xf32, #tpu.memory_space<hbm>>)
      tpu.yield
    }) : () -> ()
    return
  }
}

module attributes {stable_mosaic.version = 14 : i64} {
  func.func @_topk_body(%arg0: memref<16x4096xf32, #tpu.memory_space<vmem>>, %arg1: memref<16x64xf32, #tpu.memory_space<vmem>>, %arg2: memref<16x64xi32, #tpu.memory_space<vmem>>) attributes {dimension_semantics = [], scalar_prefetch = 0 : i64, scratch_operands = 0 : i64, tpu.core_type = #tpu.core_type<tc>} {
    %get3A = arith.constant 0 : index
    %get3A_0 = arith.constant 0 : index
    %get3A_1 = vector.load %arg0[%get3A, %get3A_0] : memref<16x4096xf32, #tpu.memory_space<vmem>>, vector<16x4096xf32>
    %iota3A = tpu.iota {dimensions = array<i32: 1>} : vector<16x4096xi32>
    %iota3A_2 = tpu.iota {dimensions = array<i32: 1>} : vector<16x64xi32>
    %broadcast_in_dim3A = arith.constant 0.000000e+00 : f32
    %broadcast_in_dim3A_3 = vector.broadcast %broadcast_in_dim3A : f32 to vector<16x64xf32>
    %broadcast_in_dim3A_4 = arith.constant 0 : i32
    %broadcast_in_dim3A_5 = vector.broadcast %broadcast_in_dim3A_4 : i32 to vector<16x64xi32>
    %scan3A = arith.constant 0 : i32
    %scan3A_6 = arith.constant 64 : i32
    %scan3A_7 = arith.addi %scan3A, %scan3A_6 : i32
    %scan3A_8 = arith.constant 1 : i32
    %scan3A_9:3 = scf.for %scan3A_34 = %scan3A to %scan3A_7 step %scan3A_8 iter_args(%scan3A_35 = %get3A_1, %scan3A_36 = %broadcast_in_dim3A_3, %scan3A_37 = %broadcast_in_dim3A_5) -> (vector<16x4096xf32>, vector<16x64xf32>, vector<16x64xi32>)  : i32 {
      %slice3A = vector.extract_strided_slice %scan3A_35 {offsets = [0, 0], sizes = [16, 2048], strides = [1, 1]} : vector<16x4096xf32> to vector<16x2048xf32>
      %slice3A_38 = vector.extract_strided_slice %scan3A_35 {offsets = [0, 2048], sizes = [16, 2048], strides = [1, 1]} : vector<16x4096xf32> to vector<16x2048xf32>
      %max3A = arith.maximumf %slice3A, %slice3A_38 : vector<16x2048xf32>
      %slice3A_39 = vector.extract_strided_slice %max3A {offsets = [0, 0], sizes = [16, 1024], strides = [1, 1]} : vector<16x2048xf32> to vector<16x1024xf32>
      %slice3A_40 = vector.extract_strided_slice %max3A {offsets = [0, 1024], sizes = [16, 1024], strides = [1, 1]} : vector<16x2048xf32> to vector<16x1024xf32>
      %max3A_41 = arith.maximumf %slice3A_39, %slice3A_40 : vector<16x1024xf32>
      %slice3A_42 = vector.extract_strided_slice %max3A_41 {offsets = [0, 0], sizes = [16, 512], strides = [1, 1]} : vector<16x1024xf32> to vector<16x512xf32>
      %slice3A_43 = vector.extract_strided_slice %max3A_41 {offsets = [0, 512], sizes = [16, 512], strides = [1, 1]} : vector<16x1024xf32> to vector<16x512xf32>
      %max3A_44 = arith.maximumf %slice3A_42, %slice3A_43 : vector<16x512xf32>
      %reduce_max3A = arith.constant dense<0xFF800000> : vector<16xf32>
      %reduce_max3A_45 = vector.multi_reduction <maximumf>, %max3A_44, %reduce_max3A [1] : vector<16x512xf32> to vector<16xf32>
      %broadcast_in_dim3A_46 = vector.shape_cast %reduce_max3A_45 : vector<16xf32> to vector<16x1xf32>
      %ge3A = vector.broadcast %broadcast_in_dim3A_46 : vector<16x1xf32> to vector<16x4096xf32>
      %ge3A_47 = arith.cmpf oge, %scan3A_35, %ge3A : vector<16x4096xf32>
      %jit3A_48 = arith.constant 4096 : i32
      %broadcast_in_dim3A_49 = vector.broadcast %jit3A_48 : i32 to vector<16x4096xi32>
      %select_n3A_50 = arith.select %ge3A_47, %iota3A, %broadcast_in_dim3A_49 : vector<16x4096xi1>, vector<16x4096xi32>
      %reduce_min3A = arith.constant dense<2147483647> : vector<16xi32>
      %reduce_min3A_51 = vector.multi_reduction <minsi>, %select_n3A_50, %reduce_min3A [1] : vector<16x4096xi32> to vector<16xi32>
      %broadcast_in_dim3A_52 = vector.shape_cast %reduce_min3A_51 : vector<16xi32> to vector<16x1xi32>
      %eq3A_53 = vector.broadcast %scan3A_34 : i32 to vector<16x64xi32>
      %eq3A_54 = arith.cmpi eq, %iota3A_2, %eq3A_53 : vector<16x64xi32>
      %broadcast_in_dim3A_55 = vector.shape_cast %broadcast_in_dim3A_46 : vector<16x1xf32> to vector<16x1xf32>
      %broadcast_in_dim3A_56 = vector.broadcast %broadcast_in_dim3A_55 : vector<16x1xf32> to vector<16x64xf32>
      %select_n3A_57 = arith.select %eq3A_54, %broadcast_in_dim3A_56, %scan3A_36 : vector<16x64xi1>, vector<16x64xf32>
      %eq3A_58 = vector.broadcast %scan3A_34 : i32 to vector<16x64xi32>
      %eq3A_59 = arith.cmpi eq, %iota3A_2, %eq3A_58 : vector<16x64xi32>
      %broadcast_in_dim3A_60 = vector.shape_cast %broadcast_in_dim3A_52 : vector<16x1xi32> to vector<16x1xi32>
      %broadcast_in_dim3A_61 = vector.broadcast %broadcast_in_dim3A_60 : vector<16x1xi32> to vector<16x64xi32>
      %select_n3A_62 = arith.select %eq3A_59, %broadcast_in_dim3A_61, %scan3A_37 : vector<16x64xi1>, vector<16x64xi32>
      %eq3A_63 = vector.broadcast %broadcast_in_dim3A_52 : vector<16x1xi32> to vector<16x4096xi32>
      %eq3A_64 = arith.cmpi eq, %iota3A, %eq3A_63 : vector<16x4096xi32>
      %jit3A_65 = arith.constant 0xFF800000 : f32
      %broadcast_in_dim3A_66 = vector.broadcast %jit3A_65 : f32 to vector<16x4096xf32>
      %select_n3A_67 = arith.select %eq3A_64, %broadcast_in_dim3A_66, %scan3A_35 : vector<16x4096xi1>, vector<16x4096xf32>
      scf.yield %select_n3A_67, %select_n3A_57, %select_n3A_62 : vector<16x4096xf32>, vector<16x64xf32>, vector<16x64xi32>
    }
    %scan3A_10 = arith.constant 64 : i32
    %swap3A = arith.constant 0 : index
    %swap3A_11 = arith.constant 0 : index
    %swap3A_12 = vector.load %arg1[%swap3A, %swap3A_11] : memref<16x64xf32, #tpu.memory_space<vmem>>, vector<16x64xf32>
    tpu.vector_store %arg1[%swap3A, %swap3A_11], %scan3A_9#1 {strides = array<i32>} : memref<16x64xf32, #tpu.memory_space<vmem>>, vector<16x64xf32>,
    %iota3A_13 = tpu.iota {dimensions = array<i32: 0>} : vector<16x64xi32>
    %jit3A = arith.constant 8 : i32
    %eq3A = arith.constant 0 : i32
    %eq3A_14 = arith.cmpi eq, %jit3A, %eq3A : i32
    %jit3A_15 = arith.constant 1 : i32
    %select_n3A = arith.select %eq3A_14, %jit3A_15, %jit3A : i32
    %rem3A = vector.broadcast %select_n3A : i32 to vector<16x64xi32>
    %rem3A_16 = arith.remsi %iota3A_13, %rem3A : vector<16x64xi32>
    %ne3A = arith.constant 0 : i32
    %ne3A_17 = vector.broadcast %ne3A : i32 to vector<16x64xi32>
    %ne3A_18 = arith.cmpi ne, %rem3A_16, %ne3A_17 : vector<16x64xi32>
    %lt3A = arith.constant 0 : i32
    %lt3A_19 = vector.broadcast %lt3A : i32 to vector<16x64xi32>
    %lt3A_20 = arith.cmpi slt, %rem3A_16, %lt3A_19 : vector<16x64xi32>
    %lt3A_21 = arith.constant 0 : i32
    %lt3A_22 = arith.cmpi slt, %select_n3A, %lt3A_21 : i32
    %ne3A_23 = vector.broadcast %lt3A_22 : i1 to vector<16x64xi1>
    %ne3A_24 = vector.broadcast %ne3A_23 : vector<16x64xi1> to vector<16x64xi1>
    %ne3A_25 = arith.xori %lt3A_20, %ne3A_24 : vector<16x64xi1>
    %and3A = arith.andi %ne3A_25, %ne3A_18 : vector<16x64xi1>
    %add3A = vector.broadcast %select_n3A : i32 to vector<16x64xi32>
    %add3A_26 = arith.addi %rem3A_16, %add3A : vector<16x64xi32>
    %select_n3A_27 = arith.select %and3A, %add3A_26, %rem3A_16 : vector<16x64xi1>, vector<16x64xi32>
    %mul3A = arith.constant 4096 : i32
    %mul3A_28 = vector.broadcast %mul3A : i32 to vector<16x64xi32>
    %mul3A_29 = arith.muli %select_n3A_27, %mul3A_28 : vector<16x64xi32>
    %add3A_30 = arith.addi %scan3A_9#2, %mul3A_29 : vector<16x64xi32>
    %swap3A_31 = arith.constant 0 : index
    %swap3A_32 = arith.constant 0 : index
    %swap3A_33 = vector.load %arg2[%swap3A_31, %swap3A_32] : memref<16x64xi32, #tpu.memory_space<vmem>>, vector<16x64xi32>
    tpu.vector_store %arg2[%swap3A_31, %swap3A_32], %add3A_30 {strides = array<i32>} : memref<16x64xi32, #tpu.memory_space<vmem>>, vector<16x64xi32>,
    return
  }
}

module attributes {stable_mosaic.version = 14 : i64} {
  func.func @_mlp_body(%arg0: i32, %arg1: memref<1x64x512xf32, #tpu.memory_space<vmem>>, %arg2: memref<1x64x512xf32, #tpu.memory_space<vmem>>, %arg3: memref<1x1x512xf32, #tpu.memory_space<vmem>>, %arg4: memref<1x1x512xf32, #tpu.memory_space<vmem>>, %arg5: memref<1024x512xf32, #tpu.memory_space<vmem>>, %arg6: memref<1x512xf32, #tpu.memory_space<vmem>>, %arg7: memref<512x16xf32, #tpu.memory_space<vmem>>, %arg8: memref<1x16xf32, #tpu.memory_space<vmem>>, %arg9: memref<1x4224x13xf32, #tpu.memory_space<vmem>>, %arg10: memref<1x4224x3xf32, #tpu.memory_space<vmem>>) attributes {dimension_semantics = [#tpu.dimension_semantics<arbitrary>], iteration_bounds = array<i64: 8>, scalar_prefetch = 0 : i64, scratch_operands = 0 : i64, tpu.core_type = #tpu.core_type<tc>, window_params = [{transform_indices = @transform_0, window_bounds = array<i64: 1, 64, 512>}, {transform_indices = @transform_1, window_bounds = array<i64: 1, 64, 512>}, {transform_indices = @transform_2, window_bounds = array<i64: 1, 1, 512>}, {transform_indices = @transform_3, window_bounds = array<i64: 1, 1, 512>}, {pipeline_mode = #tpu.pipeline_mode<synchronous>, transform_indices = @transform_4, window_bounds = array<i64: 1024, 512>}, {pipeline_mode = #tpu.pipeline_mode<synchronous>, transform_indices = @transform_5, window_bounds = array<i64: 1, 512>}, {pipeline_mode = #tpu.pipeline_mode<synchronous>, transform_indices = @transform_6, window_bounds = array<i64: 512, 16>}, {pipeline_mode = #tpu.pipeline_mode<synchronous>, transform_indices = @transform_7, window_bounds = array<i64: 1, 16>}, {transform_indices = @transform_8, window_bounds = array<i64: 1, 4224, 13>}, {transform_indices = @transform_9, window_bounds = array<i64: 1, 4224, 3>}]} {
    %get3A = arith.constant 0 : index
    %get3A_0 = arith.constant 0 : index
    %get3A_1 = arith.constant 0 : index
    %get3A_2 = vector.load %arg1[%get3A, %get3A_0, %get3A_1] : memref<1x64x512xf32, #tpu.memory_space<vmem>>, vector<1x64x512xf32>
    %get3A_3 = vector.shape_cast %get3A_2 : vector<1x64x512xf32> to vector<64x512xf32>
    %get3A_4 = arith.constant 0 : index
    %get3A_5 = arith.constant 0 : index
    %get3A_6 = arith.constant 0 : index
    %get3A_7 = vector.load %arg2[%get3A_4, %get3A_5, %get3A_6] : memref<1x64x512xf32, #tpu.memory_space<vmem>>, vector<1x64x512xf32>
    %get3A_8 = vector.shape_cast %get3A_7 : vector<1x64x512xf32> to vector<64x512xf32>
    %get3A_9 = arith.constant 0 : index
    %get3A_10 = arith.constant 0 : index
    %get3A_11 = vector.load %arg5[%get3A_9, %get3A_10] : memref<1024x512xf32, #tpu.memory_space<vmem>>, vector<512x512xf32>
    %get3A_12 = arith.constant 512 : index
    %get3A_13 = arith.constant 0 : index
    %get3A_14 = vector.load %arg5[%get3A_12, %get3A_13] : memref<1024x512xf32, #tpu.memory_space<vmem>>, vector<512x512xf32>
    %dot_general3A = arith.constant dense<0.000000e+00> : vector<64x512xf32>
    %dot_general3A_15 = tpu.matmul %get3A_3, %get3A_11, %dot_general3A {dimension_numbers = #tpu.dot_dimension_numbers<[1], [0], [0], [1], [0, 0, 1, 1], [], []>, transpose_lhs_hint = false} : vector<64x512xf32>, vector<512x512xf32>, vector<64x512xf32> -> vector<64x512xf32>
    %get3A_16 = arith.constant 0 : index
    %get3A_17 = arith.constant 0 : index
    %get3A_18 = arith.constant 0 : index
    %get3A_19 = vector.load %arg3[%get3A_16, %get3A_17, %get3A_18] : memref<1x1x512xf32, #tpu.memory_space<vmem>>, vector<1x1x512xf32>
    %get3A_20 = vector.shape_cast %get3A_19 : vector<1x1x512xf32> to vector<1x512xf32>
    %dot_general3A_21 = arith.constant dense<0.000000e+00> : vector<1x512xf32>
    %dot_general3A_22 = tpu.matmul %get3A_20, %get3A_11, %dot_general3A_21 {dimension_numbers = #tpu.dot_dimension_numbers<[1], [0], [0], [1], [0, 0, 1, 1], [], []>, transpose_lhs_hint = false} : vector<1x512xf32>, vector<512x512xf32>, vector<1x512xf32> -> vector<1x512xf32>
    %get3A_23 = arith.constant 0 : index
    %get3A_24 = arith.constant 0 : index
    %get3A_25 = arith.constant 0 : index
    %get3A_26 = vector.load %arg4[%get3A_23, %get3A_24, %get3A_25] : memref<1x1x512xf32, #tpu.memory_space<vmem>>, vector<1x1x512xf32>
    %get3A_27 = vector.shape_cast %get3A_26 : vector<1x1x512xf32> to vector<1x512xf32>
    %concatenate3A = tpu.concatenate %get3A_8, %get3A_27 in 0 : vector<64x512xf32>, vector<1x512xf32> -> vector<65x512xf32>
    %dot_general3A_28 = arith.constant dense<0.000000e+00> : vector<65x512xf32>
    %dot_general3A_29 = tpu.matmul %concatenate3A, %get3A_14, %dot_general3A_28 {dimension_numbers = #tpu.dot_dimension_numbers<[1], [0], [0], [1], [0, 0, 1, 1], [], []>, transpose_lhs_hint = false} : vector<65x512xf32>, vector<512x512xf32>, vector<65x512xf32> -> vector<65x512xf32>
    %get3A_30 = arith.constant 0 : index
    %get3A_31 = arith.constant 0 : index
    %get3A_32 = vector.load %arg6[%get3A_30, %get3A_31] : memref<1x512xf32, #tpu.memory_space<vmem>>, vector<1x512xf32>
    %add3A = vector.broadcast %get3A_32 : vector<1x512xf32> to vector<65x512xf32>
    %add3A_33 = arith.addf %dot_general3A_29, %add3A : vector<65x512xf32>
    %get3A_34 = arith.constant 0 : index
    %get3A_35 = arith.constant 0 : index
    %get3A_36 = vector.load %arg7[%get3A_34, %get3A_35] : memref<512x16xf32, #tpu.memory_space<vmem>>, vector<512x16xf32>
    %convert_element_type3A = arith.truncf %get3A_36 : vector<512x16xf32> to vector<512x16xbf16>
    %get3A_37 = arith.constant 0 : index
    %get3A_38 = arith.constant 0 : index
    %get3A_39 = vector.load %arg8[%get3A_37, %get3A_38] : memref<1x16xf32, #tpu.memory_space<vmem>>, vector<1x16xf32>
    %slice3A = vector.extract_strided_slice %dot_general3A_15 {offsets = [0, 0], sizes = [1, 512], strides = [1, 1]} : vector<64x512xf32> to vector<1x512xf32>
    %add3A_40 = vector.broadcast %slice3A : vector<1x512xf32> to vector<65x512xf32>
    %add3A_41 = arith.addf %add3A_40, %add3A_33 : vector<65x512xf32>
    %max3A = arith.constant 0.000000e+00 : f32
    %max3A_42 = vector.broadcast %max3A : f32 to vector<65x512xf32>
    %max3A_43 = arith.maximumf %add3A_41, %max3A_42 : vector<65x512xf32>
    %convert_element_type3A_44 = arith.truncf %max3A_43 : vector<65x512xf32> to vector<65x512xbf16>
    %dot_general3A_45 = arith.constant dense<0.000000e+00> : vector<65x16xf32>
    %dot_general3A_46 = tpu.matmul %convert_element_type3A_44, %convert_element_type3A, %dot_general3A_45 {dimension_numbers = #tpu.dot_dimension_numbers<[1], [0], [0], [1], [0, 0, 1, 1], [], []>, transpose_lhs_hint = false} : vector<65x512xbf16>, vector<512x16xbf16>, vector<65x16xf32> -> vector<65x16xf32>
    %add3A_47 = vector.broadcast %get3A_39 : vector<1x16xf32> to vector<65x16xf32>
    %add3A_48 = arith.addf %dot_general3A_46, %add3A_47 : vector<65x16xf32>
    %slice3A_49 = vector.extract_strided_slice %add3A_48 {offsets = [0, 0], sizes = [65, 13], strides = [1, 1]} : vector<65x16xf32> to vector<65x13xf32>
    %swap3A = arith.constant 0 : index
    %swap3A_50 = arith.constant 0 : index
    %swap3A_51 = arith.constant 0 : index
    %swap3A_52 = vector.load %arg9[%swap3A, %swap3A_50, %swap3A_51] : memref<1x4224x13xf32, #tpu.memory_space<vmem>>, vector<1x65x13xf32>
    %swap3A_53 = vector.shape_cast %swap3A_52 : vector<1x65x13xf32> to vector<65x13xf32>
    %swap3A_54 = vector.shape_cast %slice3A_49 : vector<65x13xf32> to vector<1x65x13xf32>
    tpu.vector_store %arg9[%swap3A, %swap3A_50, %swap3A_51], %swap3A_54 {strides = array<i32>} : memref<1x4224x13xf32, #tpu.memory_space<vmem>>, vector<1x65x13xf32>,
    %slice3A_55 = vector.extract_strided_slice %add3A_48 {offsets = [0, 13], sizes = [65, 3], strides = [1, 1]} : vector<65x16xf32> to vector<65x3xf32>
    %swap3A_56 = arith.constant 0 : index
    %swap3A_57 = arith.constant 0 : index
    %swap3A_58 = arith.constant 0 : index
    %swap3A_59 = vector.load %arg10[%swap3A_56, %swap3A_57, %swap3A_58] : memref<1x4224x3xf32, #tpu.memory_space<vmem>>, vector<1x65x3xf32>
    %swap3A_60 = vector.shape_cast %swap3A_59 : vector<1x65x3xf32> to vector<65x3xf32>
    %swap3A_61 = vector.shape_cast %slice3A_55 : vector<65x3xf32> to vector<1x65x3xf32>
    tpu.vector_store %arg10[%swap3A_56, %swap3A_57, %swap3A_58], %swap3A_61 {strides = array<i32>} : memref<1x4224x3xf32, #tpu.memory_space<vmem>>, vector<1x65x3xf32>,
    %slice3A_62 = vector.extract_strided_slice %dot_general3A_15 {offsets = [1, 0], sizes = [1, 512], strides = [1, 1]} : vector<64x512xf32> to vector<1x512xf32>
    %add3A_63 = vector.broadcast %slice3A_62 : vector<1x512xf32> to vector<65x512xf32>
    %add3A_64 = arith.addf %add3A_63, %add3A_33 : vector<65x512xf32>
    %max3A_65 = arith.constant 0.000000e+00 : f32
    %max3A_66 = vector.broadcast %max3A_65 : f32 to vector<65x512xf32>
    %max3A_67 = arith.maximumf %add3A_64, %max3A_66 : vector<65x512xf32>
    %convert_element_type3A_68 = arith.truncf %max3A_67 : vector<65x512xf32> to vector<65x512xbf16>
    %dot_general3A_69 = arith.constant dense<0.000000e+00> : vector<65x16xf32>
    %dot_general3A_70 = tpu.matmul %convert_element_type3A_68, %convert_element_type3A, %dot_general3A_69 {dimension_numbers = #tpu.dot_dimension_numbers<[1], [0], [0], [1], [0, 0, 1, 1], [], []>, transpose_lhs_hint = false} : vector<65x512xbf16>, vector<512x16xbf16>, vector<65x16xf32> -> vector<65x16xf32>
    %add3A_71 = vector.broadcast %get3A_39 : vector<1x16xf32> to vector<65x16xf32>
    %add3A_72 = arith.addf %dot_general3A_70, %add3A_71 : vector<65x16xf32>
    %slice3A_73 = vector.extract_strided_slice %add3A_72 {offsets = [0, 0], sizes = [65, 13], strides = [1, 1]} : vector<65x16xf32> to vector<65x13xf32>
    %swap3A_74 = arith.constant 0 : index
    %swap3A_75 = arith.constant 65 : index
    %swap3A_76 = arith.constant 0 : index
    %swap3A_77 = vector.load %arg9[%swap3A_74, %swap3A_75, %swap3A_76] : memref<1x4224x13xf32, #tpu.memory_space<vmem>>, vector<1x65x13xf32>
    %swap3A_78 = vector.shape_cast %swap3A_77 : vector<1x65x13xf32> to vector<65x13xf32>
    %swap3A_79 = vector.shape_cast %slice3A_73 : vector<65x13xf32> to vector<1x65x13xf32>
    tpu.vector_store %arg9[%swap3A_74, %swap3A_75, %swap3A_76], %swap3A_79 {strides = array<i32>} : memref<1x4224x13xf32, #tpu.memory_space<vmem>>, vector<1x65x13xf32>,
    %slice3A_80 = vector.extract_strided_slice %add3A_72 {offsets = [0, 13], sizes = [65, 3], strides = [1, 1]} : vector<65x16xf32> to vector<65x3xf32>
    %swap3A_81 = arith.constant 0 : index
    %swap3A_82 = arith.constant 65 : index
    %swap3A_83 = arith.constant 0 : index
    %swap3A_84 = vector.load %arg10[%swap3A_81, %swap3A_82, %swap3A_83] : memref<1x4224x3xf32, #tpu.memory_space<vmem>>, vector<1x65x3xf32>
    %swap3A_85 = vector.shape_cast %swap3A_84 : vector<1x65x3xf32> to vector<65x3xf32>
    %swap3A_86 = vector.shape_cast %slice3A_80 : vector<65x3xf32> to vector<1x65x3xf32>
    tpu.vector_store %arg10[%swap3A_81, %swap3A_82, %swap3A_83], %swap3A_86 {strides = array<i32>} : memref<1x4224x3xf32, #tpu.memory_space<vmem>>, vector<1x65x3xf32>,
    %slice3A_87 = vector.extract_strided_slice %dot_general3A_15 {offsets = [2, 0], sizes = [1, 512], strides = [1, 1]} : vector<64x512xf32> to vector<1x512xf32>
    %add3A_88 = vector.broadcast %slice3A_87 : vector<1x512xf32> to vector<65x512xf32>
    %add3A_89 = arith.addf %add3A_88, %add3A_33 : vector<65x512xf32>
    %max3A_90 = arith.constant 0.000000e+00 : f32
    %max3A_91 = vector.broadcast %max3A_90 : f32 to vector<65x512xf32>
    %max3A_92 = arith.maximumf %add3A_89, %max3A_91 : vector<65x512xf32>
    %convert_element_type3A_93 = arith.truncf %max3A_92 : vector<65x512xf32> to vector<65x512xbf16>
    %dot_general3A_94 = arith.constant dense<0.000000e+00> : vector<65x16xf32>
    %dot_general3A_95 = tpu.matmul %convert_element_type3A_93, %convert_element_type3A, %dot_general3A_94 {dimension_numbers = #tpu.dot_dimension_numbers<[1], [0], [0], [1], [0, 0, 1, 1], [], []>, transpose_lhs_hint = false} : vector<65x512xbf16>, vector<512x16xbf16>, vector<65x16xf32> -> vector<65x16xf32>
    %add3A_96 = vector.broadcast %get3A_39 : vector<1x16xf32> to vector<65x16xf32>
    %add3A_97 = arith.addf %dot_general3A_95, %add3A_96 : vector<65x16xf32>
    %slice3A_98 = vector.extract_strided_slice %add3A_97 {offsets = [0, 0], sizes = [65, 13], strides = [1, 1]} : vector<65x16xf32> to vector<65x13xf32>
    %swap3A_99 = arith.constant 0 : index
    %swap3A_100 = arith.constant 130 : index
    %swap3A_101 = arith.constant 0 : index
    %swap3A_102 = vector.load %arg9[%swap3A_99, %swap3A_100, %swap3A_101] : memref<1x4224x13xf32, #tpu.memory_space<vmem>>, vector<1x65x13xf32>
    %swap3A_103 = vector.shape_cast %swap3A_102 : vector<1x65x13xf32> to vector<65x13xf32>
    %swap3A_104 = vector.shape_cast %slice3A_98 : vector<65x13xf32> to vector<1x65x13xf32>
    tpu.vector_store %arg9[%swap3A_99, %swap3A_100, %swap3A_101], %swap3A_104 {strides = array<i32>} : memref<1x4224x13xf32, #tpu.memory_space<vmem>>, vector<1x65x13xf32>,
    %slice3A_105 = vector.extract_strided_slice %add3A_97 {offsets = [0, 13], sizes = [65, 3], strides = [1, 1]} : vector<65x16xf32> to vector<65x3xf32>
    %swap3A_106 = arith.constant 0 : index
    %swap3A_107 = arith.constant 130 : index
    %swap3A_108 = arith.constant 0 : index
    %swap3A_109 = vector.load %arg10[%swap3A_106, %swap3A_107, %swap3A_108] : memref<1x4224x3xf32, #tpu.memory_space<vmem>>, vector<1x65x3xf32>
    %swap3A_110 = vector.shape_cast %swap3A_109 : vector<1x65x3xf32> to vector<65x3xf32>
    %swap3A_111 = vector.shape_cast %slice3A_105 : vector<65x3xf32> to vector<1x65x3xf32>
    tpu.vector_store %arg10[%swap3A_106, %swap3A_107, %swap3A_108], %swap3A_111 {strides = array<i32>} : memref<1x4224x3xf32, #tpu.memory_space<vmem>>, vector<1x65x3xf32>,
    %slice3A_112 = vector.extract_strided_slice %dot_general3A_15 {offsets = [3, 0], sizes = [1, 512], strides = [1, 1]} : vector<64x512xf32> to vector<1x512xf32>
    %add3A_113 = vector.broadcast %slice3A_112 : vector<1x512xf32> to vector<65x512xf32>
    %add3A_114 = arith.addf %add3A_113, %add3A_33 : vector<65x512xf32>
    %max3A_115 = arith.constant 0.000000e+00 : f32
    %max3A_116 = vector.broadcast %max3A_115 : f32 to vector<65x512xf32>
    %max3A_117 = arith.maximumf %add3A_114, %max3A_116 : vector<65x512xf32>
    %convert_element_type3A_118 = arith.truncf %max3A_117 : vector<65x512xf32> to vector<65x512xbf16>
    %dot_general3A_119 = arith.constant dense<0.000000e+00> : vector<65x16xf32>
    %dot_general3A_120 = tpu.matmul %convert_element_type3A_118, %convert_element_type3A, %dot_general3A_119 {dimension_numbers = #tpu.dot_dimension_numbers<[1], [0], [0], [1], [0, 0, 1, 1], [], []>, transpose_lhs_hint = false} : vector<65x512xbf16>, vector<512x16xbf16>, vector<65x16xf32> -> vector<65x16xf32>
    %add3A_121 = vector.broadcast %get3A_39 : vector<1x16xf32> to vector<65x16xf32>
    %add3A_122 = arith.addf %dot_general3A_120, %add3A_121 : vector<65x16xf32>
    %slice3A_123 = vector.extract_strided_slice %add3A_122 {offsets = [0, 0], sizes = [65, 13], strides = [1, 1]} : vector<65x16xf32> to vector<65x13xf32>
    %swap3A_124 = arith.constant 0 : index
    %swap3A_125 = arith.constant 195 : index
    %swap3A_126 = arith.constant 0 : index
    %swap3A_127 = vector.load %arg9[%swap3A_124, %swap3A_125, %swap3A_126] : memref<1x4224x13xf32, #tpu.memory_space<vmem>>, vector<1x65x13xf32>
    %swap3A_128 = vector.shape_cast %swap3A_127 : vector<1x65x13xf32> to vector<65x13xf32>
    %swap3A_129 = vector.shape_cast %slice3A_123 : vector<65x13xf32> to vector<1x65x13xf32>
    tpu.vector_store %arg9[%swap3A_124, %swap3A_125, %swap3A_126], %swap3A_129 {strides = array<i32>} : memref<1x4224x13xf32, #tpu.memory_space<vmem>>, vector<1x65x13xf32>,
    %slice3A_130 = vector.extract_strided_slice %add3A_122 {offsets = [0, 13], sizes = [65, 3], strides = [1, 1]} : vector<65x16xf32> to vector<65x3xf32>
    %swap3A_131 = arith.constant 0 : index
    %swap3A_132 = arith.constant 195 : index
    %swap3A_133 = arith.constant 0 : index
    %swap3A_134 = vector.load %arg10[%swap3A_131, %swap3A_132, %swap3A_133] : memref<1x4224x3xf32, #tpu.memory_space<vmem>>, vector<1x65x3xf32>
    %swap3A_135 = vector.shape_cast %swap3A_134 : vector<1x65x3xf32> to vector<65x3xf32>
    %swap3A_136 = vector.shape_cast %slice3A_130 : vector<65x3xf32> to vector<1x65x3xf32>
    tpu.vector_store %arg10[%swap3A_131, %swap3A_132, %swap3A_133], %swap3A_136 {strides = array<i32>} : memref<1x4224x3xf32, #tpu.memory_space<vmem>>, vector<1x65x3xf32>,
    %slice3A_137 = vector.extract_strided_slice %dot_general3A_15 {offsets = [4, 0], sizes = [1, 512], strides = [1, 1]} : vector<64x512xf32> to vector<1x512xf32>
    %add3A_138 = vector.broadcast %slice3A_137 : vector<1x512xf32> to vector<65x512xf32>
    %add3A_139 = arith.addf %add3A_138, %add3A_33 : vector<65x512xf32>
    %max3A_140 = arith.constant 0.000000e+00 : f32
    %max3A_141 = vector.broadcast %max3A_140 : f32 to vector<65x512xf32>
    %max3A_142 = arith.maximumf %add3A_139, %max3A_141 : vector<65x512xf32>
    %convert_element_type3A_143 = arith.truncf %max3A_142 : vector<65x512xf32> to vector<65x512xbf16>
    %dot_general3A_144 = arith.constant dense<0.000000e+00> : vector<65x16xf32>
    %dot_general3A_145 = tpu.matmul %convert_element_type3A_143, %convert_element_type3A, %dot_general3A_144 {dimension_numbers = #tpu.dot_dimension_numbers<[1], [0], [0], [1], [0, 0, 1, 1], [], []>, transpose_lhs_hint = false} : vector<65x512xbf16>, vector<512x16xbf16>, vector<65x16xf32> -> vector<65x16xf32>
    %add3A_146 = vector.broadcast %get3A_39 : vector<1x16xf32> to vector<65x16xf32>
    %add3A_147 = arith.addf %dot_general3A_145, %add3A_146 : vector<65x16xf32>
    %slice3A_148 = vector.extract_strided_slice %add3A_147 {offsets = [0, 0], sizes = [65, 13], strides = [1, 1]} : vector<65x16xf32> to vector<65x13xf32>
    %swap3A_149 = arith.constant 0 : index
    %swap3A_150 = arith.constant 260 : index
    %swap3A_151 = arith.constant 0 : index
    %swap3A_152 = vector.load %arg9[%swap3A_149, %swap3A_150, %swap3A_151] : memref<1x4224x13xf32, #tpu.memory_space<vmem>>, vector<1x65x13xf32>
    %swap3A_153 = vector.shape_cast %swap3A_152 : vector<1x65x13xf32> to vector<65x13xf32>
    %swap3A_154 = vector.shape_cast %slice3A_148 : vector<65x13xf32> to vector<1x65x13xf32>
    tpu.vector_store %arg9[%swap3A_149, %swap3A_150, %swap3A_151], %swap3A_154 {strides = array<i32>} : memref<1x4224x13xf32, #tpu.memory_space<vmem>>, vector<1x65x13xf32>,
    %slice3A_155 = vector.extract_strided_slice %add3A_147 {offsets = [0, 13], sizes = [65, 3], strides = [1, 1]} : vector<65x16xf32> to vector<65x3xf32>
    %swap3A_156 = arith.constant 0 : index
    %swap3A_157 = arith.constant 260 : index
    %swap3A_158 = arith.constant 0 : index
    %swap3A_159 = vector.load %arg10[%swap3A_156, %swap3A_157, %swap3A_158] : memref<1x4224x3xf32, #tpu.memory_space<vmem>>, vector<1x65x3xf32>
    %swap3A_160 = vector.shape_cast %swap3A_159 : vector<1x65x3xf32> to vector<65x3xf32>
    %swap3A_161 = vector.shape_cast %slice3A_155 : vector<65x3xf32> to vector<1x65x3xf32>
    tpu.vector_store %arg10[%swap3A_156, %swap3A_157, %swap3A_158], %swap3A_161 {strides = array<i32>} : memref<1x4224x3xf32, #tpu.memory_space<vmem>>, vector<1x65x3xf32>,
    %slice3A_162 = vector.extract_strided_slice %dot_general3A_15 {offsets = [5, 0], sizes = [1, 512], strides = [1, 1]} : vector<64x512xf32> to vector<1x512xf32>
    %add3A_163 = vector.broadcast %slice3A_162 : vector<1x512xf32> to vector<65x512xf32>
    %add3A_164 = arith.addf %add3A_163, %add3A_33 : vector<65x512xf32>
    %max3A_165 = arith.constant 0.000000e+00 : f32
    %max3A_166 = vector.broadcast %max3A_165 : f32 to vector<65x512xf32>
    %max3A_167 = arith.maximumf %add3A_164, %max3A_166 : vector<65x512xf32>
    %convert_element_type3A_168 = arith.truncf %max3A_167 : vector<65x512xf32> to vector<65x512xbf16>
    %dot_general3A_169 = arith.constant dense<0.000000e+00> : vector<65x16xf32>
    %dot_general3A_170 = tpu.matmul %convert_element_type3A_168, %convert_element_type3A, %dot_general3A_169 {dimension_numbers = #tpu.dot_dimension_numbers<[1], [0], [0], [1], [0, 0, 1, 1], [], []>, transpose_lhs_hint = false} : vector<65x512xbf16>, vector<512x16xbf16>, vector<65x16xf32> -> vector<65x16xf32>
    %add3A_171 = vector.broadcast %get3A_39 : vector<1x16xf32> to vector<65x16xf32>
    %add3A_172 = arith.addf %dot_general3A_170, %add3A_171 : vector<65x16xf32>
    %slice3A_173 = vector.extract_strided_slice %add3A_172 {offsets = [0, 0], sizes = [65, 13], strides = [1, 1]} : vector<65x16xf32> to vector<65x13xf32>
    %swap3A_174 = arith.constant 0 : index
    %swap3A_175 = arith.constant 325 : index
    %swap3A_176 = arith.constant 0 : index
    %swap3A_177 = vector.load %arg9[%swap3A_174, %swap3A_175, %swap3A_176] : memref<1x4224x13xf32, #tpu.memory_space<vmem>>, vector<1x65x13xf32>
    %swap3A_178 = vector.shape_cast %swap3A_177 : vector<1x65x13xf32> to vector<65x13xf32>
    %swap3A_179 = vector.shape_cast %slice3A_173 : vector<65x13xf32> to vector<1x65x13xf32>
    tpu.vector_store %arg9[%swap3A_174, %swap3A_175, %swap3A_176], %swap3A_179 {strides = array<i32>} : memref<1x4224x13xf32, #tpu.memory_space<vmem>>, vector<1x65x13xf32>,
    %slice3A_180 = vector.extract_strided_slice %add3A_172 {offsets = [0, 13], sizes = [65, 3], strides = [1, 1]} : vector<65x16xf32> to vector<65x3xf32>
    %swap3A_181 = arith.constant 0 : index
    %swap3A_182 = arith.constant 325 : index
    %swap3A_183 = arith.constant 0 : index
    %swap3A_184 = vector.load %arg10[%swap3A_181, %swap3A_182, %swap3A_183] : memref<1x4224x3xf32, #tpu.memory_space<vmem>>, vector<1x65x3xf32>
    %swap3A_185 = vector.shape_cast %swap3A_184 : vector<1x65x3xf32> to vector<65x3xf32>
    %swap3A_186 = vector.shape_cast %slice3A_180 : vector<65x3xf32> to vector<1x65x3xf32>
    tpu.vector_store %arg10[%swap3A_181, %swap3A_182, %swap3A_183], %swap3A_186 {strides = array<i32>} : memref<1x4224x3xf32, #tpu.memory_space<vmem>>, vector<1x65x3xf32>,
    %slice3A_187 = vector.extract_strided_slice %dot_general3A_15 {offsets = [6, 0], sizes = [1, 512], strides = [1, 1]} : vector<64x512xf32> to vector<1x512xf32>
    %add3A_188 = vector.broadcast %slice3A_187 : vector<1x512xf32> to vector<65x512xf32>
    %add3A_189 = arith.addf %add3A_188, %add3A_33 : vector<65x512xf32>
    %max3A_190 = arith.constant 0.000000e+00 : f32
    %max3A_191 = vector.broadcast %max3A_190 : f32 to vector<65x512xf32>
    %max3A_192 = arith.maximumf %add3A_189, %max3A_191 : vector<65x512xf32>
    %convert_element_type3A_193 = arith.truncf %max3A_192 : vector<65x512xf32> to vector<65x512xbf16>
    %dot_general3A_194 = arith.constant dense<0.000000e+00> : vector<65x16xf32>
    %dot_general3A_195 = tpu.matmul %convert_element_type3A_193, %convert_element_type3A, %dot_general3A_194 {dimension_numbers = #tpu.dot_dimension_numbers<[1], [0], [0], [1], [0, 0, 1, 1], [], []>, transpose_lhs_hint = false} : vector<65x512xbf16>, vector<512x16xbf16>, vector<65x16xf32> -> vector<65x16xf32>
    %add3A_196 = vector.broadcast %get3A_39 : vector<1x16xf32> to vector<65x16xf32>
    %add3A_197 = arith.addf %dot_general3A_195, %add3A_196 : vector<65x16xf32>
    %slice3A_198 = vector.extract_strided_slice %add3A_197 {offsets = [0, 0], sizes = [65, 13], strides = [1, 1]} : vector<65x16xf32> to vector<65x13xf32>
    %swap3A_199 = arith.constant 0 : index
    %swap3A_200 = arith.constant 390 : index
    %swap3A_201 = arith.constant 0 : index
    %swap3A_202 = vector.load %arg9[%swap3A_199, %swap3A_200, %swap3A_201] : memref<1x4224x13xf32, #tpu.memory_space<vmem>>, vector<1x65x13xf32>
    %swap3A_203 = vector.shape_cast %swap3A_202 : vector<1x65x13xf32> to vector<65x13xf32>
    %swap3A_204 = vector.shape_cast %slice3A_198 : vector<65x13xf32> to vector<1x65x13xf32>
    tpu.vector_store %arg9[%swap3A_199, %swap3A_200, %swap3A_201], %swap3A_204 {strides = array<i32>} : memref<1x4224x13xf32, #tpu.memory_space<vmem>>, vector<1x65x13xf32>,
    %slice3A_205 = vector.extract_strided_slice %add3A_197 {offsets = [0, 13], sizes = [65, 3], strides = [1, 1]} : vector<65x16xf32> to vector<65x3xf32>
    %swap3A_206 = arith.constant 0 : index
    %swap3A_207 = arith.constant 390 : index
    %swap3A_208 = arith.constant 0 : index
    %swap3A_209 = vector.load %arg10[%swap3A_206, %swap3A_207, %swap3A_208] : memref<1x4224x3xf32, #tpu.memory_space<vmem>>, vector<1x65x3xf32>
    %swap3A_210 = vector.shape_cast %swap3A_209 : vector<1x65x3xf32> to vector<65x3xf32>
    %swap3A_211 = vector.shape_cast %slice3A_205 : vector<65x3xf32> to vector<1x65x3xf32>
    tpu.vector_store %arg10[%swap3A_206, %swap3A_207, %swap3A_208], %swap3A_211 {strides = array<i32>} : memref<1x4224x3xf32, #tpu.memory_space<vmem>>, vector<1x65x3xf32>,
    %slice3A_212 = vector.extract_strided_slice %dot_general3A_15 {offsets = [7, 0], sizes = [1, 512], strides = [1, 1]} : vector<64x512xf32> to vector<1x512xf32>
    %add3A_213 = vector.broadcast %slice3A_212 : vector<1x512xf32> to vector<65x512xf32>
    %add3A_214 = arith.addf %add3A_213, %add3A_33 : vector<65x512xf32>
    %max3A_215 = arith.constant 0.000000e+00 : f32
    %max3A_216 = vector.broadcast %max3A_215 : f32 to vector<65x512xf32>
    %max3A_217 = arith.maximumf %add3A_214, %max3A_216 : vector<65x512xf32>
    %convert_element_type3A_218 = arith.truncf %max3A_217 : vector<65x512xf32> to vector<65x512xbf16>
    %dot_general3A_219 = arith.constant dense<0.000000e+00> : vector<65x16xf32>
    %dot_general3A_220 = tpu.matmul %convert_element_type3A_218, %convert_element_type3A, %dot_general3A_219 {dimension_numbers = #tpu.dot_dimension_numbers<[1], [0], [0], [1], [0, 0, 1, 1], [], []>, transpose_lhs_hint = false} : vector<65x512xbf16>, vector<512x16xbf16>, vector<65x16xf32> -> vector<65x16xf32>
    %add3A_221 = vector.broadcast %get3A_39 : vector<1x16xf32> to vector<65x16xf32>
    %add3A_222 = arith.addf %dot_general3A_220, %add3A_221 : vector<65x16xf32>
    %slice3A_223 = vector.extract_strided_slice %add3A_222 {offsets = [0, 0], sizes = [65, 13], strides = [1, 1]} : vector<65x16xf32> to vector<65x13xf32>
    %swap3A_224 = arith.constant 0 : index
    %swap3A_225 = arith.constant 455 : index
    %swap3A_226 = arith.constant 0 : index
    %swap3A_227 = vector.load %arg9[%swap3A_224, %swap3A_225, %swap3A_226] : memref<1x4224x13xf32, #tpu.memory_space<vmem>>, vector<1x65x13xf32>
    %swap3A_228 = vector.shape_cast %swap3A_227 : vector<1x65x13xf32> to vector<65x13xf32>
    %swap3A_229 = vector.shape_cast %slice3A_223 : vector<65x13xf32> to vector<1x65x13xf32>
    tpu.vector_store %arg9[%swap3A_224, %swap3A_225, %swap3A_226], %swap3A_229 {strides = array<i32>} : memref<1x4224x13xf32, #tpu.memory_space<vmem>>, vector<1x65x13xf32>,
    %slice3A_230 = vector.extract_strided_slice %add3A_222 {offsets = [0, 13], sizes = [65, 3], strides = [1, 1]} : vector<65x16xf32> to vector<65x3xf32>
    %swap3A_231 = arith.constant 0 : index
    %swap3A_232 = arith.constant 455 : index
    %swap3A_233 = arith.constant 0 : index
    %swap3A_234 = vector.load %arg10[%swap3A_231, %swap3A_232, %swap3A_233] : memref<1x4224x3xf32, #tpu.memory_space<vmem>>, vector<1x65x3xf32>
    %swap3A_235 = vector.shape_cast %swap3A_234 : vector<1x65x3xf32> to vector<65x3xf32>
    %swap3A_236 = vector.shape_cast %slice3A_230 : vector<65x3xf32> to vector<1x65x3xf32>
    tpu.vector_store %arg10[%swap3A_231, %swap3A_232, %swap3A_233], %swap3A_236 {strides = array<i32>} : memref<1x4224x3xf32, #tpu.memory_space<vmem>>, vector<1x65x3xf32>,
    %slice3A_237 = vector.extract_strided_slice %dot_general3A_15 {offsets = [8, 0], sizes = [1, 512], strides = [1, 1]} : vector<64x512xf32> to vector<1x512xf32>
    %add3A_238 = vector.broadcast %slice3A_237 : vector<1x512xf32> to vector<65x512xf32>
    %add3A_239 = arith.addf %add3A_238, %add3A_33 : vector<65x512xf32>
    %max3A_240 = arith.constant 0.000000e+00 : f32
    %max3A_241 = vector.broadcast %max3A_240 : f32 to vector<65x512xf32>
    %max3A_242 = arith.maximumf %add3A_239, %max3A_241 : vector<65x512xf32>
    %convert_element_type3A_243 = arith.truncf %max3A_242 : vector<65x512xf32> to vector<65x512xbf16>
    %dot_general3A_244 = arith.constant dense<0.000000e+00> : vector<65x16xf32>
    %dot_general3A_245 = tpu.matmul %convert_element_type3A_243, %convert_element_type3A, %dot_general3A_244 {dimension_numbers = #tpu.dot_dimension_numbers<[1], [0], [0], [1], [0, 0, 1, 1], [], []>, transpose_lhs_hint = false} : vector<65x512xbf16>, vector<512x16xbf16>, vector<65x16xf32> -> vector<65x16xf32>
    %add3A_246 = vector.broadcast %get3A_39 : vector<1x16xf32> to vector<65x16xf32>
    %add3A_247 = arith.addf %dot_general3A_245, %add3A_246 : vector<65x16xf32>
    %slice3A_248 = vector.extract_strided_slice %add3A_247 {offsets = [0, 0], sizes = [65, 13], strides = [1, 1]} : vector<65x16xf32> to vector<65x13xf32>
    %swap3A_249 = arith.constant 0 : index
    %swap3A_250 = arith.constant 520 : index
    %swap3A_251 = arith.constant 0 : index
    %swap3A_252 = vector.load %arg9[%swap3A_249, %swap3A_250, %swap3A_251] : memref<1x4224x13xf32, #tpu.memory_space<vmem>>, vector<1x65x13xf32>
    %swap3A_253 = vector.shape_cast %swap3A_252 : vector<1x65x13xf32> to vector<65x13xf32>
    %swap3A_254 = vector.shape_cast %slice3A_248 : vector<65x13xf32> to vector<1x65x13xf32>
    tpu.vector_store %arg9[%swap3A_249, %swap3A_250, %swap3A_251], %swap3A_254 {strides = array<i32>} : memref<1x4224x13xf32, #tpu.memory_space<vmem>>, vector<1x65x13xf32>,
    %slice3A_255 = vector.extract_strided_slice %add3A_247 {offsets = [0, 13], sizes = [65, 3], strides = [1, 1]} : vector<65x16xf32> to vector<65x3xf32>
    %swap3A_256 = arith.constant 0 : index
    %swap3A_257 = arith.constant 520 : index
    %swap3A_258 = arith.constant 0 : index
    %swap3A_259 = vector.load %arg10[%swap3A_256, %swap3A_257, %swap3A_258] : memref<1x4224x3xf32, #tpu.memory_space<vmem>>, vector<1x65x3xf32>
    %swap3A_260 = vector.shape_cast %swap3A_259 : vector<1x65x3xf32> to vector<65x3xf32>
    %swap3A_261 = vector.shape_cast %slice3A_255 : vector<65x3xf32> to vector<1x65x3xf32>
    tpu.vector_store %arg10[%swap3A_256, %swap3A_257, %swap3A_258], %swap3A_261 {strides = array<i32>} : memref<1x4224x3xf32, #tpu.memory_space<vmem>>, vector<1x65x3xf32>,
    %slice3A_262 = vector.extract_strided_slice %dot_general3A_15 {offsets = [9, 0], sizes = [1, 512], strides = [1, 1]} : vector<64x512xf32> to vector<1x512xf32>
    %add3A_263 = vector.broadcast %slice3A_262 : vector<1x512xf32> to vector<65x512xf32>
    %add3A_264 = arith.addf %add3A_263, %add3A_33 : vector<65x512xf32>
    %max3A_265 = arith.constant 0.000000e+00 : f32
    %max3A_266 = vector.broadcast %max3A_265 : f32 to vector<65x512xf32>
    %max3A_267 = arith.maximumf %add3A_264, %max3A_266 : vector<65x512xf32>
    %convert_element_type3A_268 = arith.truncf %max3A_267 : vector<65x512xf32> to vector<65x512xbf16>
    %dot_general3A_269 = arith.constant dense<0.000000e+00> : vector<65x16xf32>
    %dot_general3A_270 = tpu.matmul %convert_element_type3A_268, %convert_element_type3A, %dot_general3A_269 {dimension_numbers = #tpu.dot_dimension_numbers<[1], [0], [0], [1], [0, 0, 1, 1], [], []>, transpose_lhs_hint = false} : vector<65x512xbf16>, vector<512x16xbf16>, vector<65x16xf32> -> vector<65x16xf32>
    %add3A_271 = vector.broadcast %get3A_39 : vector<1x16xf32> to vector<65x16xf32>
    %add3A_272 = arith.addf %dot_general3A_270, %add3A_271 : vector<65x16xf32>
    %slice3A_273 = vector.extract_strided_slice %add3A_272 {offsets = [0, 0], sizes = [65, 13], strides = [1, 1]} : vector<65x16xf32> to vector<65x13xf32>
    %swap3A_274 = arith.constant 0 : index
    %swap3A_275 = arith.constant 585 : index
    %swap3A_276 = arith.constant 0 : index
    %swap3A_277 = vector.load %arg9[%swap3A_274, %swap3A_275, %swap3A_276] : memref<1x4224x13xf32, #tpu.memory_space<vmem>>, vector<1x65x13xf32>
    %swap3A_278 = vector.shape_cast %swap3A_277 : vector<1x65x13xf32> to vector<65x13xf32>
    %swap3A_279 = vector.shape_cast %slice3A_273 : vector<65x13xf32> to vector<1x65x13xf32>
    tpu.vector_store %arg9[%swap3A_274, %swap3A_275, %swap3A_276], %swap3A_279 {strides = array<i32>} : memref<1x4224x13xf32, #tpu.memory_space<vmem>>, vector<1x65x13xf32>,
    %slice3A_280 = vector.extract_strided_slice %add3A_272 {offsets = [0, 13], sizes = [65, 3], strides = [1, 1]} : vector<65x16xf32> to vector<65x3xf32>
    %swap3A_281 = arith.constant 0 : index
    %swap3A_282 = arith.constant 585 : index
    %swap3A_283 = arith.constant 0 : index
    %swap3A_284 = vector.load %arg10[%swap3A_281, %swap3A_282, %swap3A_283] : memref<1x4224x3xf32, #tpu.memory_space<vmem>>, vector<1x65x3xf32>
    %swap3A_285 = vector.shape_cast %swap3A_284 : vector<1x65x3xf32> to vector<65x3xf32>
    %swap3A_286 = vector.shape_cast %slice3A_280 : vector<65x3xf32> to vector<1x65x3xf32>
    tpu.vector_store %arg10[%swap3A_281, %swap3A_282, %swap3A_283], %swap3A_286 {strides = array<i32>} : memref<1x4224x3xf32, #tpu.memory_space<vmem>>, vector<1x65x3xf32>,
    %slice3A_287 = vector.extract_strided_slice %dot_general3A_15 {offsets = [10, 0], sizes = [1, 512], strides = [1, 1]} : vector<64x512xf32> to vector<1x512xf32>
    %add3A_288 = vector.broadcast %slice3A_287 : vector<1x512xf32> to vector<65x512xf32>
    %add3A_289 = arith.addf %add3A_288, %add3A_33 : vector<65x512xf32>
    %max3A_290 = arith.constant 0.000000e+00 : f32
    %max3A_291 = vector.broadcast %max3A_290 : f32 to vector<65x512xf32>
    %max3A_292 = arith.maximumf %add3A_289, %max3A_291 : vector<65x512xf32>
    %convert_element_type3A_293 = arith.truncf %max3A_292 : vector<65x512xf32> to vector<65x512xbf16>
    %dot_general3A_294 = arith.constant dense<0.000000e+00> : vector<65x16xf32>
    %dot_general3A_295 = tpu.matmul %convert_element_type3A_293, %convert_element_type3A, %dot_general3A_294 {dimension_numbers = #tpu.dot_dimension_numbers<[1], [0], [0], [1], [0, 0, 1, 1], [], []>, transpose_lhs_hint = false} : vector<65x512xbf16>, vector<512x16xbf16>, vector<65x16xf32> -> vector<65x16xf32>
    %add3A_296 = vector.broadcast %get3A_39 : vector<1x16xf32> to vector<65x16xf32>
    %add3A_297 = arith.addf %dot_general3A_295, %add3A_296 : vector<65x16xf32>
    %slice3A_298 = vector.extract_strided_slice %add3A_297 {offsets = [0, 0], sizes = [65, 13], strides = [1, 1]} : vector<65x16xf32> to vector<65x13xf32>
    %swap3A_299 = arith.constant 0 : index
    %swap3A_300 = arith.constant 650 : index
    %swap3A_301 = arith.constant 0 : index
    %swap3A_302 = vector.load %arg9[%swap3A_299, %swap3A_300, %swap3A_301] : memref<1x4224x13xf32, #tpu.memory_space<vmem>>, vector<1x65x13xf32>
    %swap3A_303 = vector.shape_cast %swap3A_302 : vector<1x65x13xf32> to vector<65x13xf32>
    %swap3A_304 = vector.shape_cast %slice3A_298 : vector<65x13xf32> to vector<1x65x13xf32>
    tpu.vector_store %arg9[%swap3A_299, %swap3A_300, %swap3A_301], %swap3A_304 {strides = array<i32>} : memref<1x4224x13xf32, #tpu.memory_space<vmem>>, vector<1x65x13xf32>,
    %slice3A_305 = vector.extract_strided_slice %add3A_297 {offsets = [0, 13], sizes = [65, 3], strides = [1, 1]} : vector<65x16xf32> to vector<65x3xf32>
    %swap3A_306 = arith.constant 0 : index
    %swap3A_307 = arith.constant 650 : index
    %swap3A_308 = arith.constant 0 : index
    %swap3A_309 = vector.load %arg10[%swap3A_306, %swap3A_307, %swap3A_308] : memref<1x4224x3xf32, #tpu.memory_space<vmem>>, vector<1x65x3xf32>
    %swap3A_310 = vector.shape_cast %swap3A_309 : vector<1x65x3xf32> to vector<65x3xf32>
    %swap3A_311 = vector.shape_cast %slice3A_305 : vector<65x3xf32> to vector<1x65x3xf32>
    tpu.vector_store %arg10[%swap3A_306, %swap3A_307, %swap3A_308], %swap3A_311 {strides = array<i32>} : memref<1x4224x3xf32, #tpu.memory_space<vmem>>, vector<1x65x3xf32>,
    %slice3A_312 = vector.extract_strided_slice %dot_general3A_15 {offsets = [11, 0], sizes = [1, 512], strides = [1, 1]} : vector<64x512xf32> to vector<1x512xf32>
    %add3A_313 = vector.broadcast %slice3A_312 : vector<1x512xf32> to vector<65x512xf32>
    %add3A_314 = arith.addf %add3A_313, %add3A_33 : vector<65x512xf32>
    %max3A_315 = arith.constant 0.000000e+00 : f32
    %max3A_316 = vector.broadcast %max3A_315 : f32 to vector<65x512xf32>
    %max3A_317 = arith.maximumf %add3A_314, %max3A_316 : vector<65x512xf32>
    %convert_element_type3A_318 = arith.truncf %max3A_317 : vector<65x512xf32> to vector<65x512xbf16>
    %dot_general3A_319 = arith.constant dense<0.000000e+00> : vector<65x16xf32>
    %dot_general3A_320 = tpu.matmul %convert_element_type3A_318, %convert_element_type3A, %dot_general3A_319 {dimension_numbers = #tpu.dot_dimension_numbers<[1], [0], [0], [1], [0, 0, 1, 1], [], []>, transpose_lhs_hint = false} : vector<65x512xbf16>, vector<512x16xbf16>, vector<65x16xf32> -> vector<65x16xf32>
    %add3A_321 = vector.broadcast %get3A_39 : vector<1x16xf32> to vector<65x16xf32>
    %add3A_322 = arith.addf %dot_general3A_320, %add3A_321 : vector<65x16xf32>
    %slice3A_323 = vector.extract_strided_slice %add3A_322 {offsets = [0, 0], sizes = [65, 13], strides = [1, 1]} : vector<65x16xf32> to vector<65x13xf32>
    %swap3A_324 = arith.constant 0 : index
    %swap3A_325 = arith.constant 715 : index
    %swap3A_326 = arith.constant 0 : index
    %swap3A_327 = vector.load %arg9[%swap3A_324, %swap3A_325, %swap3A_326] : memref<1x4224x13xf32, #tpu.memory_space<vmem>>, vector<1x65x13xf32>
    %swap3A_328 = vector.shape_cast %swap3A_327 : vector<1x65x13xf32> to vector<65x13xf32>
    %swap3A_329 = vector.shape_cast %slice3A_323 : vector<65x13xf32> to vector<1x65x13xf32>
    tpu.vector_store %arg9[%swap3A_324, %swap3A_325, %swap3A_326], %swap3A_329 {strides = array<i32>} : memref<1x4224x13xf32, #tpu.memory_space<vmem>>, vector<1x65x13xf32>,
    %slice3A_330 = vector.extract_strided_slice %add3A_322 {offsets = [0, 13], sizes = [65, 3], strides = [1, 1]} : vector<65x16xf32> to vector<65x3xf32>
    %swap3A_331 = arith.constant 0 : index
    %swap3A_332 = arith.constant 715 : index
    %swap3A_333 = arith.constant 0 : index
    %swap3A_334 = vector.load %arg10[%swap3A_331, %swap3A_332, %swap3A_333] : memref<1x4224x3xf32, #tpu.memory_space<vmem>>, vector<1x65x3xf32>
    %swap3A_335 = vector.shape_cast %swap3A_334 : vector<1x65x3xf32> to vector<65x3xf32>
    %swap3A_336 = vector.shape_cast %slice3A_330 : vector<65x3xf32> to vector<1x65x3xf32>
    tpu.vector_store %arg10[%swap3A_331, %swap3A_332, %swap3A_333], %swap3A_336 {strides = array<i32>} : memref<1x4224x3xf32, #tpu.memory_space<vmem>>, vector<1x65x3xf32>,
    %slice3A_337 = vector.extract_strided_slice %dot_general3A_15 {offsets = [12, 0], sizes = [1, 512], strides = [1, 1]} : vector<64x512xf32> to vector<1x512xf32>
    %add3A_338 = vector.broadcast %slice3A_337 : vector<1x512xf32> to vector<65x512xf32>
    %add3A_339 = arith.addf %add3A_338, %add3A_33 : vector<65x512xf32>
    %max3A_340 = arith.constant 0.000000e+00 : f32
    %max3A_341 = vector.broadcast %max3A_340 : f32 to vector<65x512xf32>
    %max3A_342 = arith.maximumf %add3A_339, %max3A_341 : vector<65x512xf32>
    %convert_element_type3A_343 = arith.truncf %max3A_342 : vector<65x512xf32> to vector<65x512xbf16>
    %dot_general3A_344 = arith.constant dense<0.000000e+00> : vector<65x16xf32>
    %dot_general3A_345 = tpu.matmul %convert_element_type3A_343, %convert_element_type3A, %dot_general3A_344 {dimension_numbers = #tpu.dot_dimension_numbers<[1], [0], [0], [1], [0, 0, 1, 1], [], []>, transpose_lhs_hint = false} : vector<65x512xbf16>, vector<512x16xbf16>, vector<65x16xf32> -> vector<65x16xf32>
    %add3A_346 = vector.broadcast %get3A_39 : vector<1x16xf32> to vector<65x16xf32>
    %add3A_347 = arith.addf %dot_general3A_345, %add3A_346 : vector<65x16xf32>
    %slice3A_348 = vector.extract_strided_slice %add3A_347 {offsets = [0, 0], sizes = [65, 13], strides = [1, 1]} : vector<65x16xf32> to vector<65x13xf32>
    %swap3A_349 = arith.constant 0 : index
    %swap3A_350 = arith.constant 780 : index
    %swap3A_351 = arith.constant 0 : index
    %swap3A_352 = vector.load %arg9[%swap3A_349, %swap3A_350, %swap3A_351] : memref<1x4224x13xf32, #tpu.memory_space<vmem>>, vector<1x65x13xf32>
    %swap3A_353 = vector.shape_cast %swap3A_352 : vector<1x65x13xf32> to vector<65x13xf32>
    %swap3A_354 = vector.shape_cast %slice3A_348 : vector<65x13xf32> to vector<1x65x13xf32>
    tpu.vector_store %arg9[%swap3A_349, %swap3A_350, %swap3A_351], %swap3A_354 {strides = array<i32>} : memref<1x4224x13xf32, #tpu.memory_space<vmem>>, vector<1x65x13xf32>,
    %slice3A_355 = vector.extract_strided_slice %add3A_347 {offsets = [0, 13], sizes = [65, 3], strides = [1, 1]} : vector<65x16xf32> to vector<65x3xf32>
    %swap3A_356 = arith.constant 0 : index
    %swap3A_357 = arith.constant 780 : index
    %swap3A_358 = arith.constant 0 : index
    %swap3A_359 = vector.load %arg10[%swap3A_356, %swap3A_357, %swap3A_358] : memref<1x4224x3xf32, #tpu.memory_space<vmem>>, vector<1x65x3xf32>
    %swap3A_360 = vector.shape_cast %swap3A_359 : vector<1x65x3xf32> to vector<65x3xf32>
    %swap3A_361 = vector.shape_cast %slice3A_355 : vector<65x3xf32> to vector<1x65x3xf32>
    tpu.vector_store %arg10[%swap3A_356, %swap3A_357, %swap3A_358], %swap3A_361 {strides = array<i32>} : memref<1x4224x3xf32, #tpu.memory_space<vmem>>, vector<1x65x3xf32>,
    %slice3A_362 = vector.extract_strided_slice %dot_general3A_15 {offsets = [13, 0], sizes = [1, 512], strides = [1, 1]} : vector<64x512xf32> to vector<1x512xf32>
    %add3A_363 = vector.broadcast %slice3A_362 : vector<1x512xf32> to vector<65x512xf32>
    %add3A_364 = arith.addf %add3A_363, %add3A_33 : vector<65x512xf32>
    %max3A_365 = arith.constant 0.000000e+00 : f32
    %max3A_366 = vector.broadcast %max3A_365 : f32 to vector<65x512xf32>
    %max3A_367 = arith.maximumf %add3A_364, %max3A_366 : vector<65x512xf32>
    %convert_element_type3A_368 = arith.truncf %max3A_367 : vector<65x512xf32> to vector<65x512xbf16>
    %dot_general3A_369 = arith.constant dense<0.000000e+00> : vector<65x16xf32>
    %dot_general3A_370 = tpu.matmul %convert_element_type3A_368, %convert_element_type3A, %dot_general3A_369 {dimension_numbers = #tpu.dot_dimension_numbers<[1], [0], [0], [1], [0, 0, 1, 1], [], []>, transpose_lhs_hint = false} : vector<65x512xbf16>, vector<512x16xbf16>, vector<65x16xf32> -> vector<65x16xf32>
    %add3A_371 = vector.broadcast %get3A_39 : vector<1x16xf32> to vector<65x16xf32>
    %add3A_372 = arith.addf %dot_general3A_370, %add3A_371 : vector<65x16xf32>
    %slice3A_373 = vector.extract_strided_slice %add3A_372 {offsets = [0, 0], sizes = [65, 13], strides = [1, 1]} : vector<65x16xf32> to vector<65x13xf32>
    %swap3A_374 = arith.constant 0 : index
    %swap3A_375 = arith.constant 845 : index
    %swap3A_376 = arith.constant 0 : index
    %swap3A_377 = vector.load %arg9[%swap3A_374, %swap3A_375, %swap3A_376] : memref<1x4224x13xf32, #tpu.memory_space<vmem>>, vector<1x65x13xf32>
    %swap3A_378 = vector.shape_cast %swap3A_377 : vector<1x65x13xf32> to vector<65x13xf32>
    %swap3A_379 = vector.shape_cast %slice3A_373 : vector<65x13xf32> to vector<1x65x13xf32>
    tpu.vector_store %arg9[%swap3A_374, %swap3A_375, %swap3A_376], %swap3A_379 {strides = array<i32>} : memref<1x4224x13xf32, #tpu.memory_space<vmem>>, vector<1x65x13xf32>,
    %slice3A_380 = vector.extract_strided_slice %add3A_372 {offsets = [0, 13], sizes = [65, 3], strides = [1, 1]} : vector<65x16xf32> to vector<65x3xf32>
    %swap3A_381 = arith.constant 0 : index
    %swap3A_382 = arith.constant 845 : index
    %swap3A_383 = arith.constant 0 : index
    %swap3A_384 = vector.load %arg10[%swap3A_381, %swap3A_382, %swap3A_383] : memref<1x4224x3xf32, #tpu.memory_space<vmem>>, vector<1x65x3xf32>
    %swap3A_385 = vector.shape_cast %swap3A_384 : vector<1x65x3xf32> to vector<65x3xf32>
    %swap3A_386 = vector.shape_cast %slice3A_380 : vector<65x3xf32> to vector<1x65x3xf32>
    tpu.vector_store %arg10[%swap3A_381, %swap3A_382, %swap3A_383], %swap3A_386 {strides = array<i32>} : memref<1x4224x3xf32, #tpu.memory_space<vmem>>, vector<1x65x3xf32>,
    %slice3A_387 = vector.extract_strided_slice %dot_general3A_15 {offsets = [14, 0], sizes = [1, 512], strides = [1, 1]} : vector<64x512xf32> to vector<1x512xf32>
    %add3A_388 = vector.broadcast %slice3A_387 : vector<1x512xf32> to vector<65x512xf32>
    %add3A_389 = arith.addf %add3A_388, %add3A_33 : vector<65x512xf32>
    %max3A_390 = arith.constant 0.000000e+00 : f32
    %max3A_391 = vector.broadcast %max3A_390 : f32 to vector<65x512xf32>
    %max3A_392 = arith.maximumf %add3A_389, %max3A_391 : vector<65x512xf32>
    %convert_element_type3A_393 = arith.truncf %max3A_392 : vector<65x512xf32> to vector<65x512xbf16>
    %dot_general3A_394 = arith.constant dense<0.000000e+00> : vector<65x16xf32>
    %dot_general3A_395 = tpu.matmul %convert_element_type3A_393, %convert_element_type3A, %dot_general3A_394 {dimension_numbers = #tpu.dot_dimension_numbers<[1], [0], [0], [1], [0, 0, 1, 1], [], []>, transpose_lhs_hint = false} : vector<65x512xbf16>, vector<512x16xbf16>, vector<65x16xf32> -> vector<65x16xf32>
    %add3A_396 = vector.broadcast %get3A_39 : vector<1x16xf32> to vector<65x16xf32>
    %add3A_397 = arith.addf %dot_general3A_395, %add3A_396 : vector<65x16xf32>
    %slice3A_398 = vector.extract_strided_slice %add3A_397 {offsets = [0, 0], sizes = [65, 13], strides = [1, 1]} : vector<65x16xf32> to vector<65x13xf32>
    %swap3A_399 = arith.constant 0 : index
    %swap3A_400 = arith.constant 910 : index
    %swap3A_401 = arith.constant 0 : index
    %swap3A_402 = vector.load %arg9[%swap3A_399, %swap3A_400, %swap3A_401] : memref<1x4224x13xf32, #tpu.memory_space<vmem>>, vector<1x65x13xf32>
    %swap3A_403 = vector.shape_cast %swap3A_402 : vector<1x65x13xf32> to vector<65x13xf32>
    %swap3A_404 = vector.shape_cast %slice3A_398 : vector<65x13xf32> to vector<1x65x13xf32>
    tpu.vector_store %arg9[%swap3A_399, %swap3A_400, %swap3A_401], %swap3A_404 {strides = array<i32>} : memref<1x4224x13xf32, #tpu.memory_space<vmem>>, vector<1x65x13xf32>,
    %slice3A_405 = vector.extract_strided_slice %add3A_397 {offsets = [0, 13], sizes = [65, 3], strides = [1, 1]} : vector<65x16xf32> to vector<65x3xf32>
    %swap3A_406 = arith.constant 0 : index
    %swap3A_407 = arith.constant 910 : index
    %swap3A_408 = arith.constant 0 : index
    %swap3A_409 = vector.load %arg10[%swap3A_406, %swap3A_407, %swap3A_408] : memref<1x4224x3xf32, #tpu.memory_space<vmem>>, vector<1x65x3xf32>
    %swap3A_410 = vector.shape_cast %swap3A_409 : vector<1x65x3xf32> to vector<65x3xf32>
    %swap3A_411 = vector.shape_cast %slice3A_405 : vector<65x3xf32> to vector<1x65x3xf32>
    tpu.vector_store %arg10[%swap3A_406, %swap3A_407, %swap3A_408], %swap3A_411 {strides = array<i32>} : memref<1x4224x3xf32, #tpu.memory_space<vmem>>, vector<1x65x3xf32>,
    %slice3A_412 = vector.extract_strided_slice %dot_general3A_15 {offsets = [15, 0], sizes = [1, 512], strides = [1, 1]} : vector<64x512xf32> to vector<1x512xf32>
    %add3A_413 = vector.broadcast %slice3A_412 : vector<1x512xf32> to vector<65x512xf32>
    %add3A_414 = arith.addf %add3A_413, %add3A_33 : vector<65x512xf32>
    %max3A_415 = arith.constant 0.000000e+00 : f32
    %max3A_416 = vector.broadcast %max3A_415 : f32 to vector<65x512xf32>
    %max3A_417 = arith.maximumf %add3A_414, %max3A_416 : vector<65x512xf32>
    %convert_element_type3A_418 = arith.truncf %max3A_417 : vector<65x512xf32> to vector<65x512xbf16>
    %dot_general3A_419 = arith.constant dense<0.000000e+00> : vector<65x16xf32>
    %dot_general3A_420 = tpu.matmul %convert_element_type3A_418, %convert_element_type3A, %dot_general3A_419 {dimension_numbers = #tpu.dot_dimension_numbers<[1], [0], [0], [1], [0, 0, 1, 1], [], []>, transpose_lhs_hint = false} : vector<65x512xbf16>, vector<512x16xbf16>, vector<65x16xf32> -> vector<65x16xf32>
    %add3A_421 = vector.broadcast %get3A_39 : vector<1x16xf32> to vector<65x16xf32>
    %add3A_422 = arith.addf %dot_general3A_420, %add3A_421 : vector<65x16xf32>
    %slice3A_423 = vector.extract_strided_slice %add3A_422 {offsets = [0, 0], sizes = [65, 13], strides = [1, 1]} : vector<65x16xf32> to vector<65x13xf32>
    %swap3A_424 = arith.constant 0 : index
    %swap3A_425 = arith.constant 975 : index
    %swap3A_426 = arith.constant 0 : index
    %swap3A_427 = vector.load %arg9[%swap3A_424, %swap3A_425, %swap3A_426] : memref<1x4224x13xf32, #tpu.memory_space<vmem>>, vector<1x65x13xf32>
    %swap3A_428 = vector.shape_cast %swap3A_427 : vector<1x65x13xf32> to vector<65x13xf32>
    %swap3A_429 = vector.shape_cast %slice3A_423 : vector<65x13xf32> to vector<1x65x13xf32>
    tpu.vector_store %arg9[%swap3A_424, %swap3A_425, %swap3A_426], %swap3A_429 {strides = array<i32>} : memref<1x4224x13xf32, #tpu.memory_space<vmem>>, vector<1x65x13xf32>,
    %slice3A_430 = vector.extract_strided_slice %add3A_422 {offsets = [0, 13], sizes = [65, 3], strides = [1, 1]} : vector<65x16xf32> to vector<65x3xf32>
    %swap3A_431 = arith.constant 0 : index
    %swap3A_432 = arith.constant 975 : index
    %swap3A_433 = arith.constant 0 : index
    %swap3A_434 = vector.load %arg10[%swap3A_431, %swap3A_432, %swap3A_433] : memref<1x4224x3xf32, #tpu.memory_space<vmem>>, vector<1x65x3xf32>
    %swap3A_435 = vector.shape_cast %swap3A_434 : vector<1x65x3xf32> to vector<65x3xf32>
    %swap3A_436 = vector.shape_cast %slice3A_430 : vector<65x3xf32> to vector<1x65x3xf32>
    tpu.vector_store %arg10[%swap3A_431, %swap3A_432, %swap3A_433], %swap3A_436 {strides = array<i32>} : memref<1x4224x3xf32, #tpu.memory_space<vmem>>, vector<1x65x3xf32>,
    %slice3A_437 = vector.extract_strided_slice %dot_general3A_15 {offsets = [16, 0], sizes = [1, 512], strides = [1, 1]} : vector<64x512xf32> to vector<1x512xf32>
    %add3A_438 = vector.broadcast %slice3A_437 : vector<1x512xf32> to vector<65x512xf32>
    %add3A_439 = arith.addf %add3A_438, %add3A_33 : vector<65x512xf32>
    %max3A_440 = arith.constant 0.000000e+00 : f32
    %max3A_441 = vector.broadcast %max3A_440 : f32 to vector<65x512xf32>
    %max3A_442 = arith.maximumf %add3A_439, %max3A_441 : vector<65x512xf32>
    %convert_element_type3A_443 = arith.truncf %max3A_442 : vector<65x512xf32> to vector<65x512xbf16>
    %dot_general3A_444 = arith.constant dense<0.000000e+00> : vector<65x16xf32>
    %dot_general3A_445 = tpu.matmul %convert_element_type3A_443, %convert_element_type3A, %dot_general3A_444 {dimension_numbers = #tpu.dot_dimension_numbers<[1], [0], [0], [1], [0, 0, 1, 1], [], []>, transpose_lhs_hint = false} : vector<65x512xbf16>, vector<512x16xbf16>, vector<65x16xf32> -> vector<65x16xf32>
    %add3A_446 = vector.broadcast %get3A_39 : vector<1x16xf32> to vector<65x16xf32>
    %add3A_447 = arith.addf %dot_general3A_445, %add3A_446 : vector<65x16xf32>
    %slice3A_448 = vector.extract_strided_slice %add3A_447 {offsets = [0, 0], sizes = [65, 13], strides = [1, 1]} : vector<65x16xf32> to vector<65x13xf32>
    %swap3A_449 = arith.constant 0 : index
    %swap3A_450 = arith.constant 1040 : index
    %swap3A_451 = arith.constant 0 : index
    %swap3A_452 = vector.load %arg9[%swap3A_449, %swap3A_450, %swap3A_451] : memref<1x4224x13xf32, #tpu.memory_space<vmem>>, vector<1x65x13xf32>
    %swap3A_453 = vector.shape_cast %swap3A_452 : vector<1x65x13xf32> to vector<65x13xf32>
    %swap3A_454 = vector.shape_cast %slice3A_448 : vector<65x13xf32> to vector<1x65x13xf32>
    tpu.vector_store %arg9[%swap3A_449, %swap3A_450, %swap3A_451], %swap3A_454 {strides = array<i32>} : memref<1x4224x13xf32, #tpu.memory_space<vmem>>, vector<1x65x13xf32>,
    %slice3A_455 = vector.extract_strided_slice %add3A_447 {offsets = [0, 13], sizes = [65, 3], strides = [1, 1]} : vector<65x16xf32> to vector<65x3xf32>
    %swap3A_456 = arith.constant 0 : index
    %swap3A_457 = arith.constant 1040 : index
    %swap3A_458 = arith.constant 0 : index
    %swap3A_459 = vector.load %arg10[%swap3A_456, %swap3A_457, %swap3A_458] : memref<1x4224x3xf32, #tpu.memory_space<vmem>>, vector<1x65x3xf32>
    %swap3A_460 = vector.shape_cast %swap3A_459 : vector<1x65x3xf32> to vector<65x3xf32>
    %swap3A_461 = vector.shape_cast %slice3A_455 : vector<65x3xf32> to vector<1x65x3xf32>
    tpu.vector_store %arg10[%swap3A_456, %swap3A_457, %swap3A_458], %swap3A_461 {strides = array<i32>} : memref<1x4224x3xf32, #tpu.memory_space<vmem>>, vector<1x65x3xf32>,
    %slice3A_462 = vector.extract_strided_slice %dot_general3A_15 {offsets = [17, 0], sizes = [1, 512], strides = [1, 1]} : vector<64x512xf32> to vector<1x512xf32>
    %add3A_463 = vector.broadcast %slice3A_462 : vector<1x512xf32> to vector<65x512xf32>
    %add3A_464 = arith.addf %add3A_463, %add3A_33 : vector<65x512xf32>
    %max3A_465 = arith.constant 0.000000e+00 : f32
    %max3A_466 = vector.broadcast %max3A_465 : f32 to vector<65x512xf32>
    %max3A_467 = arith.maximumf %add3A_464, %max3A_466 : vector<65x512xf32>
    %convert_element_type3A_468 = arith.truncf %max3A_467 : vector<65x512xf32> to vector<65x512xbf16>
    %dot_general3A_469 = arith.constant dense<0.000000e+00> : vector<65x16xf32>
    %dot_general3A_470 = tpu.matmul %convert_element_type3A_468, %convert_element_type3A, %dot_general3A_469 {dimension_numbers = #tpu.dot_dimension_numbers<[1], [0], [0], [1], [0, 0, 1, 1], [], []>, transpose_lhs_hint = false} : vector<65x512xbf16>, vector<512x16xbf16>, vector<65x16xf32> -> vector<65x16xf32>
    %add3A_471 = vector.broadcast %get3A_39 : vector<1x16xf32> to vector<65x16xf32>
    %add3A_472 = arith.addf %dot_general3A_470, %add3A_471 : vector<65x16xf32>
    %slice3A_473 = vector.extract_strided_slice %add3A_472 {offsets = [0, 0], sizes = [65, 13], strides = [1, 1]} : vector<65x16xf32> to vector<65x13xf32>
    %swap3A_474 = arith.constant 0 : index
    %swap3A_475 = arith.constant 1105 : index
    %swap3A_476 = arith.constant 0 : index
    %swap3A_477 = vector.load %arg9[%swap3A_474, %swap3A_475, %swap3A_476] : memref<1x4224x13xf32, #tpu.memory_space<vmem>>, vector<1x65x13xf32>
    %swap3A_478 = vector.shape_cast %swap3A_477 : vector<1x65x13xf32> to vector<65x13xf32>
    %swap3A_479 = vector.shape_cast %slice3A_473 : vector<65x13xf32> to vector<1x65x13xf32>
    tpu.vector_store %arg9[%swap3A_474, %swap3A_475, %swap3A_476], %swap3A_479 {strides = array<i32>} : memref<1x4224x13xf32, #tpu.memory_space<vmem>>, vector<1x65x13xf32>,
    %slice3A_480 = vector.extract_strided_slice %add3A_472 {offsets = [0, 13], sizes = [65, 3], strides = [1, 1]} : vector<65x16xf32> to vector<65x3xf32>
    %swap3A_481 = arith.constant 0 : index
    %swap3A_482 = arith.constant 1105 : index
    %swap3A_483 = arith.constant 0 : index
    %swap3A_484 = vector.load %arg10[%swap3A_481, %swap3A_482, %swap3A_483] : memref<1x4224x3xf32, #tpu.memory_space<vmem>>, vector<1x65x3xf32>
    %swap3A_485 = vector.shape_cast %swap3A_484 : vector<1x65x3xf32> to vector<65x3xf32>
    %swap3A_486 = vector.shape_cast %slice3A_480 : vector<65x3xf32> to vector<1x65x3xf32>
    tpu.vector_store %arg10[%swap3A_481, %swap3A_482, %swap3A_483], %swap3A_486 {strides = array<i32>} : memref<1x4224x3xf32, #tpu.memory_space<vmem>>, vector<1x65x3xf32>,
    %slice3A_487 = vector.extract_strided_slice %dot_general3A_15 {offsets = [18, 0], sizes = [1, 512], strides = [1, 1]} : vector<64x512xf32> to vector<1x512xf32>
    %add3A_488 = vector.broadcast %slice3A_487 : vector<1x512xf32> to vector<65x512xf32>
    %add3A_489 = arith.addf %add3A_488, %add3A_33 : vector<65x512xf32>
    %max3A_490 = arith.constant 0.000000e+00 : f32
    %max3A_491 = vector.broadcast %max3A_490 : f32 to vector<65x512xf32>
    %max3A_492 = arith.maximumf %add3A_489, %max3A_491 : vector<65x512xf32>
    %convert_element_type3A_493 = arith.truncf %max3A_492 : vector<65x512xf32> to vector<65x512xbf16>
    %dot_general3A_494 = arith.constant dense<0.000000e+00> : vector<65x16xf32>
    %dot_general3A_495 = tpu.matmul %convert_element_type3A_493, %convert_element_type3A, %dot_general3A_494 {dimension_numbers = #tpu.dot_dimension_numbers<[1], [0], [0], [1], [0, 0, 1, 1], [], []>, transpose_lhs_hint = false} : vector<65x512xbf16>, vector<512x16xbf16>, vector<65x16xf32> -> vector<65x16xf32>
    %add3A_496 = vector.broadcast %get3A_39 : vector<1x16xf32> to vector<65x16xf32>
    %add3A_497 = arith.addf %dot_general3A_495, %add3A_496 : vector<65x16xf32>
    %slice3A_498 = vector.extract_strided_slice %add3A_497 {offsets = [0, 0], sizes = [65, 13], strides = [1, 1]} : vector<65x16xf32> to vector<65x13xf32>
    %swap3A_499 = arith.constant 0 : index
    %swap3A_500 = arith.constant 1170 : index
    %swap3A_501 = arith.constant 0 : index
    %swap3A_502 = vector.load %arg9[%swap3A_499, %swap3A_500, %swap3A_501] : memref<1x4224x13xf32, #tpu.memory_space<vmem>>, vector<1x65x13xf32>
    %swap3A_503 = vector.shape_cast %swap3A_502 : vector<1x65x13xf32> to vector<65x13xf32>
    %swap3A_504 = vector.shape_cast %slice3A_498 : vector<65x13xf32> to vector<1x65x13xf32>
    tpu.vector_store %arg9[%swap3A_499, %swap3A_500, %swap3A_501], %swap3A_504 {strides = array<i32>} : memref<1x4224x13xf32, #tpu.memory_space<vmem>>, vector<1x65x13xf32>,
    %slice3A_505 = vector.extract_strided_slice %add3A_497 {offsets = [0, 13], sizes = [65, 3], strides = [1, 1]} : vector<65x16xf32> to vector<65x3xf32>
    %swap3A_506 = arith.constant 0 : index
    %swap3A_507 = arith.constant 1170 : index
    %swap3A_508 = arith.constant 0 : index
    %swap3A_509 = vector.load %arg10[%swap3A_506, %swap3A_507, %swap3A_508] : memref<1x4224x3xf32, #tpu.memory_space<vmem>>, vector<1x65x3xf32>
    %swap3A_510 = vector.shape_cast %swap3A_509 : vector<1x65x3xf32> to vector<65x3xf32>
    %swap3A_511 = vector.shape_cast %slice3A_505 : vector<65x3xf32> to vector<1x65x3xf32>
    tpu.vector_store %arg10[%swap3A_506, %swap3A_507, %swap3A_508], %swap3A_511 {strides = array<i32>} : memref<1x4224x3xf32, #tpu.memory_space<vmem>>, vector<1x65x3xf32>,
    %slice3A_512 = vector.extract_strided_slice %dot_general3A_15 {offsets = [19, 0], sizes = [1, 512], strides = [1, 1]} : vector<64x512xf32> to vector<1x512xf32>
    %add3A_513 = vector.broadcast %slice3A_512 : vector<1x512xf32> to vector<65x512xf32>
    %add3A_514 = arith.addf %add3A_513, %add3A_33 : vector<65x512xf32>
    %max3A_515 = arith.constant 0.000000e+00 : f32
    %max3A_516 = vector.broadcast %max3A_515 : f32 to vector<65x512xf32>
    %max3A_517 = arith.maximumf %add3A_514, %max3A_516 : vector<65x512xf32>
    %convert_element_type3A_518 = arith.truncf %max3A_517 : vector<65x512xf32> to vector<65x512xbf16>
    %dot_general3A_519 = arith.constant dense<0.000000e+00> : vector<65x16xf32>
    %dot_general3A_520 = tpu.matmul %convert_element_type3A_518, %convert_element_type3A, %dot_general3A_519 {dimension_numbers = #tpu.dot_dimension_numbers<[1], [0], [0], [1], [0, 0, 1, 1], [], []>, transpose_lhs_hint = false} : vector<65x512xbf16>, vector<512x16xbf16>, vector<65x16xf32> -> vector<65x16xf32>
    %add3A_521 = vector.broadcast %get3A_39 : vector<1x16xf32> to vector<65x16xf32>
    %add3A_522 = arith.addf %dot_general3A_520, %add3A_521 : vector<65x16xf32>
    %slice3A_523 = vector.extract_strided_slice %add3A_522 {offsets = [0, 0], sizes = [65, 13], strides = [1, 1]} : vector<65x16xf32> to vector<65x13xf32>
    %swap3A_524 = arith.constant 0 : index
    %swap3A_525 = arith.constant 1235 : index
    %swap3A_526 = arith.constant 0 : index
    %swap3A_527 = vector.load %arg9[%swap3A_524, %swap3A_525, %swap3A_526] : memref<1x4224x13xf32, #tpu.memory_space<vmem>>, vector<1x65x13xf32>
    %swap3A_528 = vector.shape_cast %swap3A_527 : vector<1x65x13xf32> to vector<65x13xf32>
    %swap3A_529 = vector.shape_cast %slice3A_523 : vector<65x13xf32> to vector<1x65x13xf32>
    tpu.vector_store %arg9[%swap3A_524, %swap3A_525, %swap3A_526], %swap3A_529 {strides = array<i32>} : memref<1x4224x13xf32, #tpu.memory_space<vmem>>, vector<1x65x13xf32>,
    %slice3A_530 = vector.extract_strided_slice %add3A_522 {offsets = [0, 13], sizes = [65, 3], strides = [1, 1]} : vector<65x16xf32> to vector<65x3xf32>
    %swap3A_531 = arith.constant 0 : index
    %swap3A_532 = arith.constant 1235 : index
    %swap3A_533 = arith.constant 0 : index
    %swap3A_534 = vector.load %arg10[%swap3A_531, %swap3A_532, %swap3A_533] : memref<1x4224x3xf32, #tpu.memory_space<vmem>>, vector<1x65x3xf32>
    %swap3A_535 = vector.shape_cast %swap3A_534 : vector<1x65x3xf32> to vector<65x3xf32>
    %swap3A_536 = vector.shape_cast %slice3A_530 : vector<65x3xf32> to vector<1x65x3xf32>
    tpu.vector_store %arg10[%swap3A_531, %swap3A_532, %swap3A_533], %swap3A_536 {strides = array<i32>} : memref<1x4224x3xf32, #tpu.memory_space<vmem>>, vector<1x65x3xf32>,
    %slice3A_537 = vector.extract_strided_slice %dot_general3A_15 {offsets = [20, 0], sizes = [1, 512], strides = [1, 1]} : vector<64x512xf32> to vector<1x512xf32>
    %add3A_538 = vector.broadcast %slice3A_537 : vector<1x512xf32> to vector<65x512xf32>
    %add3A_539 = arith.addf %add3A_538, %add3A_33 : vector<65x512xf32>
    %max3A_540 = arith.constant 0.000000e+00 : f32
    %max3A_541 = vector.broadcast %max3A_540 : f32 to vector<65x512xf32>
    %max3A_542 = arith.maximumf %add3A_539, %max3A_541 : vector<65x512xf32>
    %convert_element_type3A_543 = arith.truncf %max3A_542 : vector<65x512xf32> to vector<65x512xbf16>
    %dot_general3A_544 = arith.constant dense<0.000000e+00> : vector<65x16xf32>
    %dot_general3A_545 = tpu.matmul %convert_element_type3A_543, %convert_element_type3A, %dot_general3A_544 {dimension_numbers = #tpu.dot_dimension_numbers<[1], [0], [0], [1], [0, 0, 1, 1], [], []>, transpose_lhs_hint = false} : vector<65x512xbf16>, vector<512x16xbf16>, vector<65x16xf32> -> vector<65x16xf32>
    %add3A_546 = vector.broadcast %get3A_39 : vector<1x16xf32> to vector<65x16xf32>
    %add3A_547 = arith.addf %dot_general3A_545, %add3A_546 : vector<65x16xf32>
    %slice3A_548 = vector.extract_strided_slice %add3A_547 {offsets = [0, 0], sizes = [65, 13], strides = [1, 1]} : vector<65x16xf32> to vector<65x13xf32>
    %swap3A_549 = arith.constant 0 : index
    %swap3A_550 = arith.constant 1300 : index
    %swap3A_551 = arith.constant 0 : index
    %swap3A_552 = vector.load %arg9[%swap3A_549, %swap3A_550, %swap3A_551] : memref<1x4224x13xf32, #tpu.memory_space<vmem>>, vector<1x65x13xf32>
    %swap3A_553 = vector.shape_cast %swap3A_552 : vector<1x65x13xf32> to vector<65x13xf32>
    %swap3A_554 = vector.shape_cast %slice3A_548 : vector<65x13xf32> to vector<1x65x13xf32>
    tpu.vector_store %arg9[%swap3A_549, %swap3A_550, %swap3A_551], %swap3A_554 {strides = array<i32>} : memref<1x4224x13xf32, #tpu.memory_space<vmem>>, vector<1x65x13xf32>,
    %slice3A_555 = vector.extract_strided_slice %add3A_547 {offsets = [0, 13], sizes = [65, 3], strides = [1, 1]} : vector<65x16xf32> to vector<65x3xf32>
    %swap3A_556 = arith.constant 0 : index
    %swap3A_557 = arith.constant 1300 : index
    %swap3A_558 = arith.constant 0 : index
    %swap3A_559 = vector.load %arg10[%swap3A_556, %swap3A_557, %swap3A_558] : memref<1x4224x3xf32, #tpu.memory_space<vmem>>, vector<1x65x3xf32>
    %swap3A_560 = vector.shape_cast %swap3A_559 : vector<1x65x3xf32> to vector<65x3xf32>
    %swap3A_561 = vector.shape_cast %slice3A_555 : vector<65x3xf32> to vector<1x65x3xf32>
    tpu.vector_store %arg10[%swap3A_556, %swap3A_557, %swap3A_558], %swap3A_561 {strides = array<i32>} : memref<1x4224x3xf32, #tpu.memory_space<vmem>>, vector<1x65x3xf32>,
    %slice3A_562 = vector.extract_strided_slice %dot_general3A_15 {offsets = [21, 0], sizes = [1, 512], strides = [1, 1]} : vector<64x512xf32> to vector<1x512xf32>
    %add3A_563 = vector.broadcast %slice3A_562 : vector<1x512xf32> to vector<65x512xf32>
    %add3A_564 = arith.addf %add3A_563, %add3A_33 : vector<65x512xf32>
    %max3A_565 = arith.constant 0.000000e+00 : f32
    %max3A_566 = vector.broadcast %max3A_565 : f32 to vector<65x512xf32>
    %max3A_567 = arith.maximumf %add3A_564, %max3A_566 : vector<65x512xf32>
    %convert_element_type3A_568 = arith.truncf %max3A_567 : vector<65x512xf32> to vector<65x512xbf16>
    %dot_general3A_569 = arith.constant dense<0.000000e+00> : vector<65x16xf32>
    %dot_general3A_570 = tpu.matmul %convert_element_type3A_568, %convert_element_type3A, %dot_general3A_569 {dimension_numbers = #tpu.dot_dimension_numbers<[1], [0], [0], [1], [0, 0, 1, 1], [], []>, transpose_lhs_hint = false} : vector<65x512xbf16>, vector<512x16xbf16>, vector<65x16xf32> -> vector<65x16xf32>
    %add3A_571 = vector.broadcast %get3A_39 : vector<1x16xf32> to vector<65x16xf32>
    %add3A_572 = arith.addf %dot_general3A_570, %add3A_571 : vector<65x16xf32>
    %slice3A_573 = vector.extract_strided_slice %add3A_572 {offsets = [0, 0], sizes = [65, 13], strides = [1, 1]} : vector<65x16xf32> to vector<65x13xf32>
    %swap3A_574 = arith.constant 0 : index
    %swap3A_575 = arith.constant 1365 : index
    %swap3A_576 = arith.constant 0 : index
    %swap3A_577 = vector.load %arg9[%swap3A_574, %swap3A_575, %swap3A_576] : memref<1x4224x13xf32, #tpu.memory_space<vmem>>, vector<1x65x13xf32>
    %swap3A_578 = vector.shape_cast %swap3A_577 : vector<1x65x13xf32> to vector<65x13xf32>
    %swap3A_579 = vector.shape_cast %slice3A_573 : vector<65x13xf32> to vector<1x65x13xf32>
    tpu.vector_store %arg9[%swap3A_574, %swap3A_575, %swap3A_576], %swap3A_579 {strides = array<i32>} : memref<1x4224x13xf32, #tpu.memory_space<vmem>>, vector<1x65x13xf32>,
    %slice3A_580 = vector.extract_strided_slice %add3A_572 {offsets = [0, 13], sizes = [65, 3], strides = [1, 1]} : vector<65x16xf32> to vector<65x3xf32>
    %swap3A_581 = arith.constant 0 : index
    %swap3A_582 = arith.constant 1365 : index
    %swap3A_583 = arith.constant 0 : index
    %swap3A_584 = vector.load %arg10[%swap3A_581, %swap3A_582, %swap3A_583] : memref<1x4224x3xf32, #tpu.memory_space<vmem>>, vector<1x65x3xf32>
    %swap3A_585 = vector.shape_cast %swap3A_584 : vector<1x65x3xf32> to vector<65x3xf32>
    %swap3A_586 = vector.shape_cast %slice3A_580 : vector<65x3xf32> to vector<1x65x3xf32>
    tpu.vector_store %arg10[%swap3A_581, %swap3A_582, %swap3A_583], %swap3A_586 {strides = array<i32>} : memref<1x4224x3xf32, #tpu.memory_space<vmem>>, vector<1x65x3xf32>,
    %slice3A_587 = vector.extract_strided_slice %dot_general3A_15 {offsets = [22, 0], sizes = [1, 512], strides = [1, 1]} : vector<64x512xf32> to vector<1x512xf32>
    %add3A_588 = vector.broadcast %slice3A_587 : vector<1x512xf32> to vector<65x512xf32>
    %add3A_589 = arith.addf %add3A_588, %add3A_33 : vector<65x512xf32>
    %max3A_590 = arith.constant 0.000000e+00 : f32
    %max3A_591 = vector.broadcast %max3A_590 : f32 to vector<65x512xf32>
    %max3A_592 = arith.maximumf %add3A_589, %max3A_591 : vector<65x512xf32>
    %convert_element_type3A_593 = arith.truncf %max3A_592 : vector<65x512xf32> to vector<65x512xbf16>
    %dot_general3A_594 = arith.constant dense<0.000000e+00> : vector<65x16xf32>
    %dot_general3A_595 = tpu.matmul %convert_element_type3A_593, %convert_element_type3A, %dot_general3A_594 {dimension_numbers = #tpu.dot_dimension_numbers<[1], [0], [0], [1], [0, 0, 1, 1], [], []>, transpose_lhs_hint = false} : vector<65x512xbf16>, vector<512x16xbf16>, vector<65x16xf32> -> vector<65x16xf32>
    %add3A_596 = vector.broadcast %get3A_39 : vector<1x16xf32> to vector<65x16xf32>
    %add3A_597 = arith.addf %dot_general3A_595, %add3A_596 : vector<65x16xf32>
    %slice3A_598 = vector.extract_strided_slice %add3A_597 {offsets = [0, 0], sizes = [65, 13], strides = [1, 1]} : vector<65x16xf32> to vector<65x13xf32>
    %swap3A_599 = arith.constant 0 : index
    %swap3A_600 = arith.constant 1430 : index
    %swap3A_601 = arith.constant 0 : index
    %swap3A_602 = vector.load %arg9[%swap3A_599, %swap3A_600, %swap3A_601] : memref<1x4224x13xf32, #tpu.memory_space<vmem>>, vector<1x65x13xf32>
    %swap3A_603 = vector.shape_cast %swap3A_602 : vector<1x65x13xf32> to vector<65x13xf32>
    %swap3A_604 = vector.shape_cast %slice3A_598 : vector<65x13xf32> to vector<1x65x13xf32>
    tpu.vector_store %arg9[%swap3A_599, %swap3A_600, %swap3A_601], %swap3A_604 {strides = array<i32>} : memref<1x4224x13xf32, #tpu.memory_space<vmem>>, vector<1x65x13xf32>,
    %slice3A_605 = vector.extract_strided_slice %add3A_597 {offsets = [0, 13], sizes = [65, 3], strides = [1, 1]} : vector<65x16xf32> to vector<65x3xf32>
    %swap3A_606 = arith.constant 0 : index
    %swap3A_607 = arith.constant 1430 : index
    %swap3A_608 = arith.constant 0 : index
    %swap3A_609 = vector.load %arg10[%swap3A_606, %swap3A_607, %swap3A_608] : memref<1x4224x3xf32, #tpu.memory_space<vmem>>, vector<1x65x3xf32>
    %swap3A_610 = vector.shape_cast %swap3A_609 : vector<1x65x3xf32> to vector<65x3xf32>
    %swap3A_611 = vector.shape_cast %slice3A_605 : vector<65x3xf32> to vector<1x65x3xf32>
    tpu.vector_store %arg10[%swap3A_606, %swap3A_607, %swap3A_608], %swap3A_611 {strides = array<i32>} : memref<1x4224x3xf32, #tpu.memory_space<vmem>>, vector<1x65x3xf32>,
    %slice3A_612 = vector.extract_strided_slice %dot_general3A_15 {offsets = [23, 0], sizes = [1, 512], strides = [1, 1]} : vector<64x512xf32> to vector<1x512xf32>
    %add3A_613 = vector.broadcast %slice3A_612 : vector<1x512xf32> to vector<65x512xf32>
    %add3A_614 = arith.addf %add3A_613, %add3A_33 : vector<65x512xf32>
    %max3A_615 = arith.constant 0.000000e+00 : f32
    %max3A_616 = vector.broadcast %max3A_615 : f32 to vector<65x512xf32>
    %max3A_617 = arith.maximumf %add3A_614, %max3A_616 : vector<65x512xf32>
    %convert_element_type3A_618 = arith.truncf %max3A_617 : vector<65x512xf32> to vector<65x512xbf16>
    %dot_general3A_619 = arith.constant dense<0.000000e+00> : vector<65x16xf32>
    %dot_general3A_620 = tpu.matmul %convert_element_type3A_618, %convert_element_type3A, %dot_general3A_619 {dimension_numbers = #tpu.dot_dimension_numbers<[1], [0], [0], [1], [0, 0, 1, 1], [], []>, transpose_lhs_hint = false} : vector<65x512xbf16>, vector<512x16xbf16>, vector<65x16xf32> -> vector<65x16xf32>
    %add3A_621 = vector.broadcast %get3A_39 : vector<1x16xf32> to vector<65x16xf32>
    %add3A_622 = arith.addf %dot_general3A_620, %add3A_621 : vector<65x16xf32>
    %slice3A_623 = vector.extract_strided_slice %add3A_622 {offsets = [0, 0], sizes = [65, 13], strides = [1, 1]} : vector<65x16xf32> to vector<65x13xf32>
    %swap3A_624 = arith.constant 0 : index
    %swap3A_625 = arith.constant 1495 : index
    %swap3A_626 = arith.constant 0 : index
    %swap3A_627 = vector.load %arg9[%swap3A_624, %swap3A_625, %swap3A_626] : memref<1x4224x13xf32, #tpu.memory_space<vmem>>, vector<1x65x13xf32>
    %swap3A_628 = vector.shape_cast %swap3A_627 : vector<1x65x13xf32> to vector<65x13xf32>
    %swap3A_629 = vector.shape_cast %slice3A_623 : vector<65x13xf32> to vector<1x65x13xf32>
    tpu.vector_store %arg9[%swap3A_624, %swap3A_625, %swap3A_626], %swap3A_629 {strides = array<i32>} : memref<1x4224x13xf32, #tpu.memory_space<vmem>>, vector<1x65x13xf32>,
    %slice3A_630 = vector.extract_strided_slice %add3A_622 {offsets = [0, 13], sizes = [65, 3], strides = [1, 1]} : vector<65x16xf32> to vector<65x3xf32>
    %swap3A_631 = arith.constant 0 : index
    %swap3A_632 = arith.constant 1495 : index
    %swap3A_633 = arith.constant 0 : index
    %swap3A_634 = vector.load %arg10[%swap3A_631, %swap3A_632, %swap3A_633] : memref<1x4224x3xf32, #tpu.memory_space<vmem>>, vector<1x65x3xf32>
    %swap3A_635 = vector.shape_cast %swap3A_634 : vector<1x65x3xf32> to vector<65x3xf32>
    %swap3A_636 = vector.shape_cast %slice3A_630 : vector<65x3xf32> to vector<1x65x3xf32>
    tpu.vector_store %arg10[%swap3A_631, %swap3A_632, %swap3A_633], %swap3A_636 {strides = array<i32>} : memref<1x4224x3xf32, #tpu.memory_space<vmem>>, vector<1x65x3xf32>,
    %slice3A_637 = vector.extract_strided_slice %dot_general3A_15 {offsets = [24, 0], sizes = [1, 512], strides = [1, 1]} : vector<64x512xf32> to vector<1x512xf32>
    %add3A_638 = vector.broadcast %slice3A_637 : vector<1x512xf32> to vector<65x512xf32>
    %add3A_639 = arith.addf %add3A_638, %add3A_33 : vector<65x512xf32>
    %max3A_640 = arith.constant 0.000000e+00 : f32
    %max3A_641 = vector.broadcast %max3A_640 : f32 to vector<65x512xf32>
    %max3A_642 = arith.maximumf %add3A_639, %max3A_641 : vector<65x512xf32>
    %convert_element_type3A_643 = arith.truncf %max3A_642 : vector<65x512xf32> to vector<65x512xbf16>
    %dot_general3A_644 = arith.constant dense<0.000000e+00> : vector<65x16xf32>
    %dot_general3A_645 = tpu.matmul %convert_element_type3A_643, %convert_element_type3A, %dot_general3A_644 {dimension_numbers = #tpu.dot_dimension_numbers<[1], [0], [0], [1], [0, 0, 1, 1], [], []>, transpose_lhs_hint = false} : vector<65x512xbf16>, vector<512x16xbf16>, vector<65x16xf32> -> vector<65x16xf32>
    %add3A_646 = vector.broadcast %get3A_39 : vector<1x16xf32> to vector<65x16xf32>
    %add3A_647 = arith.addf %dot_general3A_645, %add3A_646 : vector<65x16xf32>
    %slice3A_648 = vector.extract_strided_slice %add3A_647 {offsets = [0, 0], sizes = [65, 13], strides = [1, 1]} : vector<65x16xf32> to vector<65x13xf32>
    %swap3A_649 = arith.constant 0 : index
    %swap3A_650 = arith.constant 1560 : index
    %swap3A_651 = arith.constant 0 : index
    %swap3A_652 = vector.load %arg9[%swap3A_649, %swap3A_650, %swap3A_651] : memref<1x4224x13xf32, #tpu.memory_space<vmem>>, vector<1x65x13xf32>
    %swap3A_653 = vector.shape_cast %swap3A_652 : vector<1x65x13xf32> to vector<65x13xf32>
    %swap3A_654 = vector.shape_cast %slice3A_648 : vector<65x13xf32> to vector<1x65x13xf32>
    tpu.vector_store %arg9[%swap3A_649, %swap3A_650, %swap3A_651], %swap3A_654 {strides = array<i32>} : memref<1x4224x13xf32, #tpu.memory_space<vmem>>, vector<1x65x13xf32>,
    %slice3A_655 = vector.extract_strided_slice %add3A_647 {offsets = [0, 13], sizes = [65, 3], strides = [1, 1]} : vector<65x16xf32> to vector<65x3xf32>
    %swap3A_656 = arith.constant 0 : index
    %swap3A_657 = arith.constant 1560 : index
    %swap3A_658 = arith.constant 0 : index
    %swap3A_659 = vector.load %arg10[%swap3A_656, %swap3A_657, %swap3A_658] : memref<1x4224x3xf32, #tpu.memory_space<vmem>>, vector<1x65x3xf32>
    %swap3A_660 = vector.shape_cast %swap3A_659 : vector<1x65x3xf32> to vector<65x3xf32>
    %swap3A_661 = vector.shape_cast %slice3A_655 : vector<65x3xf32> to vector<1x65x3xf32>
    tpu.vector_store %arg10[%swap3A_656, %swap3A_657, %swap3A_658], %swap3A_661 {strides = array<i32>} : memref<1x4224x3xf32, #tpu.memory_space<vmem>>, vector<1x65x3xf32>,
    %slice3A_662 = vector.extract_strided_slice %dot_general3A_15 {offsets = [25, 0], sizes = [1, 512], strides = [1, 1]} : vector<64x512xf32> to vector<1x512xf32>
    %add3A_663 = vector.broadcast %slice3A_662 : vector<1x512xf32> to vector<65x512xf32>
    %add3A_664 = arith.addf %add3A_663, %add3A_33 : vector<65x512xf32>
    %max3A_665 = arith.constant 0.000000e+00 : f32
    %max3A_666 = vector.broadcast %max3A_665 : f32 to vector<65x512xf32>
    %max3A_667 = arith.maximumf %add3A_664, %max3A_666 : vector<65x512xf32>
    %convert_element_type3A_668 = arith.truncf %max3A_667 : vector<65x512xf32> to vector<65x512xbf16>
    %dot_general3A_669 = arith.constant dense<0.000000e+00> : vector<65x16xf32>
    %dot_general3A_670 = tpu.matmul %convert_element_type3A_668, %convert_element_type3A, %dot_general3A_669 {dimension_numbers = #tpu.dot_dimension_numbers<[1], [0], [0], [1], [0, 0, 1, 1], [], []>, transpose_lhs_hint = false} : vector<65x512xbf16>, vector<512x16xbf16>, vector<65x16xf32> -> vector<65x16xf32>
    %add3A_671 = vector.broadcast %get3A_39 : vector<1x16xf32> to vector<65x16xf32>
    %add3A_672 = arith.addf %dot_general3A_670, %add3A_671 : vector<65x16xf32>
    %slice3A_673 = vector.extract_strided_slice %add3A_672 {offsets = [0, 0], sizes = [65, 13], strides = [1, 1]} : vector<65x16xf32> to vector<65x13xf32>
    %swap3A_674 = arith.constant 0 : index
    %swap3A_675 = arith.constant 1625 : index
    %swap3A_676 = arith.constant 0 : index
    %swap3A_677 = vector.load %arg9[%swap3A_674, %swap3A_675, %swap3A_676] : memref<1x4224x13xf32, #tpu.memory_space<vmem>>, vector<1x65x13xf32>
    %swap3A_678 = vector.shape_cast %swap3A_677 : vector<1x65x13xf32> to vector<65x13xf32>
    %swap3A_679 = vector.shape_cast %slice3A_673 : vector<65x13xf32> to vector<1x65x13xf32>
    tpu.vector_store %arg9[%swap3A_674, %swap3A_675, %swap3A_676], %swap3A_679 {strides = array<i32>} : memref<1x4224x13xf32, #tpu.memory_space<vmem>>, vector<1x65x13xf32>,
    %slice3A_680 = vector.extract_strided_slice %add3A_672 {offsets = [0, 13], sizes = [65, 3], strides = [1, 1]} : vector<65x16xf32> to vector<65x3xf32>
    %swap3A_681 = arith.constant 0 : index
    %swap3A_682 = arith.constant 1625 : index
    %swap3A_683 = arith.constant 0 : index
    %swap3A_684 = vector.load %arg10[%swap3A_681, %swap3A_682, %swap3A_683] : memref<1x4224x3xf32, #tpu.memory_space<vmem>>, vector<1x65x3xf32>
    %swap3A_685 = vector.shape_cast %swap3A_684 : vector<1x65x3xf32> to vector<65x3xf32>
    %swap3A_686 = vector.shape_cast %slice3A_680 : vector<65x3xf32> to vector<1x65x3xf32>
    tpu.vector_store %arg10[%swap3A_681, %swap3A_682, %swap3A_683], %swap3A_686 {strides = array<i32>} : memref<1x4224x3xf32, #tpu.memory_space<vmem>>, vector<1x65x3xf32>,
    %slice3A_687 = vector.extract_strided_slice %dot_general3A_15 {offsets = [26, 0], sizes = [1, 512], strides = [1, 1]} : vector<64x512xf32> to vector<1x512xf32>
    %add3A_688 = vector.broadcast %slice3A_687 : vector<1x512xf32> to vector<65x512xf32>
    %add3A_689 = arith.addf %add3A_688, %add3A_33 : vector<65x512xf32>
    %max3A_690 = arith.constant 0.000000e+00 : f32
    %max3A_691 = vector.broadcast %max3A_690 : f32 to vector<65x512xf32>
    %max3A_692 = arith.maximumf %add3A_689, %max3A_691 : vector<65x512xf32>
    %convert_element_type3A_693 = arith.truncf %max3A_692 : vector<65x512xf32> to vector<65x512xbf16>
    %dot_general3A_694 = arith.constant dense<0.000000e+00> : vector<65x16xf32>
    %dot_general3A_695 = tpu.matmul %convert_element_type3A_693, %convert_element_type3A, %dot_general3A_694 {dimension_numbers = #tpu.dot_dimension_numbers<[1], [0], [0], [1], [0, 0, 1, 1], [], []>, transpose_lhs_hint = false} : vector<65x512xbf16>, vector<512x16xbf16>, vector<65x16xf32> -> vector<65x16xf32>
    %add3A_696 = vector.broadcast %get3A_39 : vector<1x16xf32> to vector<65x16xf32>
    %add3A_697 = arith.addf %dot_general3A_695, %add3A_696 : vector<65x16xf32>
    %slice3A_698 = vector.extract_strided_slice %add3A_697 {offsets = [0, 0], sizes = [65, 13], strides = [1, 1]} : vector<65x16xf32> to vector<65x13xf32>
    %swap3A_699 = arith.constant 0 : index
    %swap3A_700 = arith.constant 1690 : index
    %swap3A_701 = arith.constant 0 : index
    %swap3A_702 = vector.load %arg9[%swap3A_699, %swap3A_700, %swap3A_701] : memref<1x4224x13xf32, #tpu.memory_space<vmem>>, vector<1x65x13xf32>
    %swap3A_703 = vector.shape_cast %swap3A_702 : vector<1x65x13xf32> to vector<65x13xf32>
    %swap3A_704 = vector.shape_cast %slice3A_698 : vector<65x13xf32> to vector<1x65x13xf32>
    tpu.vector_store %arg9[%swap3A_699, %swap3A_700, %swap3A_701], %swap3A_704 {strides = array<i32>} : memref<1x4224x13xf32, #tpu.memory_space<vmem>>, vector<1x65x13xf32>,
    %slice3A_705 = vector.extract_strided_slice %add3A_697 {offsets = [0, 13], sizes = [65, 3], strides = [1, 1]} : vector<65x16xf32> to vector<65x3xf32>
    %swap3A_706 = arith.constant 0 : index
    %swap3A_707 = arith.constant 1690 : index
    %swap3A_708 = arith.constant 0 : index
    %swap3A_709 = vector.load %arg10[%swap3A_706, %swap3A_707, %swap3A_708] : memref<1x4224x3xf32, #tpu.memory_space<vmem>>, vector<1x65x3xf32>
    %swap3A_710 = vector.shape_cast %swap3A_709 : vector<1x65x3xf32> to vector<65x3xf32>
    %swap3A_711 = vector.shape_cast %slice3A_705 : vector<65x3xf32> to vector<1x65x3xf32>
    tpu.vector_store %arg10[%swap3A_706, %swap3A_707, %swap3A_708], %swap3A_711 {strides = array<i32>} : memref<1x4224x3xf32, #tpu.memory_space<vmem>>, vector<1x65x3xf32>,
    %slice3A_712 = vector.extract_strided_slice %dot_general3A_15 {offsets = [27, 0], sizes = [1, 512], strides = [1, 1]} : vector<64x512xf32> to vector<1x512xf32>
    %add3A_713 = vector.broadcast %slice3A_712 : vector<1x512xf32> to vector<65x512xf32>
    %add3A_714 = arith.addf %add3A_713, %add3A_33 : vector<65x512xf32>
    %max3A_715 = arith.constant 0.000000e+00 : f32
    %max3A_716 = vector.broadcast %max3A_715 : f32 to vector<65x512xf32>
    %max3A_717 = arith.maximumf %add3A_714, %max3A_716 : vector<65x512xf32>
    %convert_element_type3A_718 = arith.truncf %max3A_717 : vector<65x512xf32> to vector<65x512xbf16>
    %dot_general3A_719 = arith.constant dense<0.000000e+00> : vector<65x16xf32>
    %dot_general3A_720 = tpu.matmul %convert_element_type3A_718, %convert_element_type3A, %dot_general3A_719 {dimension_numbers = #tpu.dot_dimension_numbers<[1], [0], [0], [1], [0, 0, 1, 1], [], []>, transpose_lhs_hint = false} : vector<65x512xbf16>, vector<512x16xbf16>, vector<65x16xf32> -> vector<65x16xf32>
    %add3A_721 = vector.broadcast %get3A_39 : vector<1x16xf32> to vector<65x16xf32>
    %add3A_722 = arith.addf %dot_general3A_720, %add3A_721 : vector<65x16xf32>
    %slice3A_723 = vector.extract_strided_slice %add3A_722 {offsets = [0, 0], sizes = [65, 13], strides = [1, 1]} : vector<65x16xf32> to vector<65x13xf32>
    %swap3A_724 = arith.constant 0 : index
    %swap3A_725 = arith.constant 1755 : index
    %swap3A_726 = arith.constant 0 : index
    %swap3A_727 = vector.load %arg9[%swap3A_724, %swap3A_725, %swap3A_726] : memref<1x4224x13xf32, #tpu.memory_space<vmem>>, vector<1x65x13xf32>
    %swap3A_728 = vector.shape_cast %swap3A_727 : vector<1x65x13xf32> to vector<65x13xf32>
    %swap3A_729 = vector.shape_cast %slice3A_723 : vector<65x13xf32> to vector<1x65x13xf32>
    tpu.vector_store %arg9[%swap3A_724, %swap3A_725, %swap3A_726], %swap3A_729 {strides = array<i32>} : memref<1x4224x13xf32, #tpu.memory_space<vmem>>, vector<1x65x13xf32>,
    %slice3A_730 = vector.extract_strided_slice %add3A_722 {offsets = [0, 13], sizes = [65, 3], strides = [1, 1]} : vector<65x16xf32> to vector<65x3xf32>
    %swap3A_731 = arith.constant 0 : index
    %swap3A_732 = arith.constant 1755 : index
    %swap3A_733 = arith.constant 0 : index
    %swap3A_734 = vector.load %arg10[%swap3A_731, %swap3A_732, %swap3A_733] : memref<1x4224x3xf32, #tpu.memory_space<vmem>>, vector<1x65x3xf32>
    %swap3A_735 = vector.shape_cast %swap3A_734 : vector<1x65x3xf32> to vector<65x3xf32>
    %swap3A_736 = vector.shape_cast %slice3A_730 : vector<65x3xf32> to vector<1x65x3xf32>
    tpu.vector_store %arg10[%swap3A_731, %swap3A_732, %swap3A_733], %swap3A_736 {strides = array<i32>} : memref<1x4224x3xf32, #tpu.memory_space<vmem>>, vector<1x65x3xf32>,
    %slice3A_737 = vector.extract_strided_slice %dot_general3A_15 {offsets = [28, 0], sizes = [1, 512], strides = [1, 1]} : vector<64x512xf32> to vector<1x512xf32>
    %add3A_738 = vector.broadcast %slice3A_737 : vector<1x512xf32> to vector<65x512xf32>
    %add3A_739 = arith.addf %add3A_738, %add3A_33 : vector<65x512xf32>
    %max3A_740 = arith.constant 0.000000e+00 : f32
    %max3A_741 = vector.broadcast %max3A_740 : f32 to vector<65x512xf32>
    %max3A_742 = arith.maximumf %add3A_739, %max3A_741 : vector<65x512xf32>
    %convert_element_type3A_743 = arith.truncf %max3A_742 : vector<65x512xf32> to vector<65x512xbf16>
    %dot_general3A_744 = arith.constant dense<0.000000e+00> : vector<65x16xf32>
    %dot_general3A_745 = tpu.matmul %convert_element_type3A_743, %convert_element_type3A, %dot_general3A_744 {dimension_numbers = #tpu.dot_dimension_numbers<[1], [0], [0], [1], [0, 0, 1, 1], [], []>, transpose_lhs_hint = false} : vector<65x512xbf16>, vector<512x16xbf16>, vector<65x16xf32> -> vector<65x16xf32>
    %add3A_746 = vector.broadcast %get3A_39 : vector<1x16xf32> to vector<65x16xf32>
    %add3A_747 = arith.addf %dot_general3A_745, %add3A_746 : vector<65x16xf32>
    %slice3A_748 = vector.extract_strided_slice %add3A_747 {offsets = [0, 0], sizes = [65, 13], strides = [1, 1]} : vector<65x16xf32> to vector<65x13xf32>
    %swap3A_749 = arith.constant 0 : index
    %swap3A_750 = arith.constant 1820 : index
    %swap3A_751 = arith.constant 0 : index
    %swap3A_752 = vector.load %arg9[%swap3A_749, %swap3A_750, %swap3A_751] : memref<1x4224x13xf32, #tpu.memory_space<vmem>>, vector<1x65x13xf32>
    %swap3A_753 = vector.shape_cast %swap3A_752 : vector<1x65x13xf32> to vector<65x13xf32>
    %swap3A_754 = vector.shape_cast %slice3A_748 : vector<65x13xf32> to vector<1x65x13xf32>
    tpu.vector_store %arg9[%swap3A_749, %swap3A_750, %swap3A_751], %swap3A_754 {strides = array<i32>} : memref<1x4224x13xf32, #tpu.memory_space<vmem>>, vector<1x65x13xf32>,
    %slice3A_755 = vector.extract_strided_slice %add3A_747 {offsets = [0, 13], sizes = [65, 3], strides = [1, 1]} : vector<65x16xf32> to vector<65x3xf32>
    %swap3A_756 = arith.constant 0 : index
    %swap3A_757 = arith.constant 1820 : index
    %swap3A_758 = arith.constant 0 : index
    %swap3A_759 = vector.load %arg10[%swap3A_756, %swap3A_757, %swap3A_758] : memref<1x4224x3xf32, #tpu.memory_space<vmem>>, vector<1x65x3xf32>
    %swap3A_760 = vector.shape_cast %swap3A_759 : vector<1x65x3xf32> to vector<65x3xf32>
    %swap3A_761 = vector.shape_cast %slice3A_755 : vector<65x3xf32> to vector<1x65x3xf32>
    tpu.vector_store %arg10[%swap3A_756, %swap3A_757, %swap3A_758], %swap3A_761 {strides = array<i32>} : memref<1x4224x3xf32, #tpu.memory_space<vmem>>, vector<1x65x3xf32>,
    %slice3A_762 = vector.extract_strided_slice %dot_general3A_15 {offsets = [29, 0], sizes = [1, 512], strides = [1, 1]} : vector<64x512xf32> to vector<1x512xf32>
    %add3A_763 = vector.broadcast %slice3A_762 : vector<1x512xf32> to vector<65x512xf32>
    %add3A_764 = arith.addf %add3A_763, %add3A_33 : vector<65x512xf32>
    %max3A_765 = arith.constant 0.000000e+00 : f32
    %max3A_766 = vector.broadcast %max3A_765 : f32 to vector<65x512xf32>
    %max3A_767 = arith.maximumf %add3A_764, %max3A_766 : vector<65x512xf32>
    %convert_element_type3A_768 = arith.truncf %max3A_767 : vector<65x512xf32> to vector<65x512xbf16>
    %dot_general3A_769 = arith.constant dense<0.000000e+00> : vector<65x16xf32>
    %dot_general3A_770 = tpu.matmul %convert_element_type3A_768, %convert_element_type3A, %dot_general3A_769 {dimension_numbers = #tpu.dot_dimension_numbers<[1], [0], [0], [1], [0, 0, 1, 1], [], []>, transpose_lhs_hint = false} : vector<65x512xbf16>, vector<512x16xbf16>, vector<65x16xf32> -> vector<65x16xf32>
    %add3A_771 = vector.broadcast %get3A_39 : vector<1x16xf32> to vector<65x16xf32>
    %add3A_772 = arith.addf %dot_general3A_770, %add3A_771 : vector<65x16xf32>
    %slice3A_773 = vector.extract_strided_slice %add3A_772 {offsets = [0, 0], sizes = [65, 13], strides = [1, 1]} : vector<65x16xf32> to vector<65x13xf32>
    %swap3A_774 = arith.constant 0 : index
    %swap3A_775 = arith.constant 1885 : index
    %swap3A_776 = arith.constant 0 : index
    %swap3A_777 = vector.load %arg9[%swap3A_774, %swap3A_775, %swap3A_776] : memref<1x4224x13xf32, #tpu.memory_space<vmem>>, vector<1x65x13xf32>
    %swap3A_778 = vector.shape_cast %swap3A_777 : vector<1x65x13xf32> to vector<65x13xf32>
    %swap3A_779 = vector.shape_cast %slice3A_773 : vector<65x13xf32> to vector<1x65x13xf32>
    tpu.vector_store %arg9[%swap3A_774, %swap3A_775, %swap3A_776], %swap3A_779 {strides = array<i32>} : memref<1x4224x13xf32, #tpu.memory_space<vmem>>, vector<1x65x13xf32>,
    %slice3A_780 = vector.extract_strided_slice %add3A_772 {offsets = [0, 13], sizes = [65, 3], strides = [1, 1]} : vector<65x16xf32> to vector<65x3xf32>
    %swap3A_781 = arith.constant 0 : index
    %swap3A_782 = arith.constant 1885 : index
    %swap3A_783 = arith.constant 0 : index
    %swap3A_784 = vector.load %arg10[%swap3A_781, %swap3A_782, %swap3A_783] : memref<1x4224x3xf32, #tpu.memory_space<vmem>>, vector<1x65x3xf32>
    %swap3A_785 = vector.shape_cast %swap3A_784 : vector<1x65x3xf32> to vector<65x3xf32>
    %swap3A_786 = vector.shape_cast %slice3A_780 : vector<65x3xf32> to vector<1x65x3xf32>
    tpu.vector_store %arg10[%swap3A_781, %swap3A_782, %swap3A_783], %swap3A_786 {strides = array<i32>} : memref<1x4224x3xf32, #tpu.memory_space<vmem>>, vector<1x65x3xf32>,
    %slice3A_787 = vector.extract_strided_slice %dot_general3A_15 {offsets = [30, 0], sizes = [1, 512], strides = [1, 1]} : vector<64x512xf32> to vector<1x512xf32>
    %add3A_788 = vector.broadcast %slice3A_787 : vector<1x512xf32> to vector<65x512xf32>
    %add3A_789 = arith.addf %add3A_788, %add3A_33 : vector<65x512xf32>
    %max3A_790 = arith.constant 0.000000e+00 : f32
    %max3A_791 = vector.broadcast %max3A_790 : f32 to vector<65x512xf32>
    %max3A_792 = arith.maximumf %add3A_789, %max3A_791 : vector<65x512xf32>
    %convert_element_type3A_793 = arith.truncf %max3A_792 : vector<65x512xf32> to vector<65x512xbf16>
    %dot_general3A_794 = arith.constant dense<0.000000e+00> : vector<65x16xf32>
    %dot_general3A_795 = tpu.matmul %convert_element_type3A_793, %convert_element_type3A, %dot_general3A_794 {dimension_numbers = #tpu.dot_dimension_numbers<[1], [0], [0], [1], [0, 0, 1, 1], [], []>, transpose_lhs_hint = false} : vector<65x512xbf16>, vector<512x16xbf16>, vector<65x16xf32> -> vector<65x16xf32>
    %add3A_796 = vector.broadcast %get3A_39 : vector<1x16xf32> to vector<65x16xf32>
    %add3A_797 = arith.addf %dot_general3A_795, %add3A_796 : vector<65x16xf32>
    %slice3A_798 = vector.extract_strided_slice %add3A_797 {offsets = [0, 0], sizes = [65, 13], strides = [1, 1]} : vector<65x16xf32> to vector<65x13xf32>
    %swap3A_799 = arith.constant 0 : index
    %swap3A_800 = arith.constant 1950 : index
    %swap3A_801 = arith.constant 0 : index
    %swap3A_802 = vector.load %arg9[%swap3A_799, %swap3A_800, %swap3A_801] : memref<1x4224x13xf32, #tpu.memory_space<vmem>>, vector<1x65x13xf32>
    %swap3A_803 = vector.shape_cast %swap3A_802 : vector<1x65x13xf32> to vector<65x13xf32>
    %swap3A_804 = vector.shape_cast %slice3A_798 : vector<65x13xf32> to vector<1x65x13xf32>
    tpu.vector_store %arg9[%swap3A_799, %swap3A_800, %swap3A_801], %swap3A_804 {strides = array<i32>} : memref<1x4224x13xf32, #tpu.memory_space<vmem>>, vector<1x65x13xf32>,
    %slice3A_805 = vector.extract_strided_slice %add3A_797 {offsets = [0, 13], sizes = [65, 3], strides = [1, 1]} : vector<65x16xf32> to vector<65x3xf32>
    %swap3A_806 = arith.constant 0 : index
    %swap3A_807 = arith.constant 1950 : index
    %swap3A_808 = arith.constant 0 : index
    %swap3A_809 = vector.load %arg10[%swap3A_806, %swap3A_807, %swap3A_808] : memref<1x4224x3xf32, #tpu.memory_space<vmem>>, vector<1x65x3xf32>
    %swap3A_810 = vector.shape_cast %swap3A_809 : vector<1x65x3xf32> to vector<65x3xf32>
    %swap3A_811 = vector.shape_cast %slice3A_805 : vector<65x3xf32> to vector<1x65x3xf32>
    tpu.vector_store %arg10[%swap3A_806, %swap3A_807, %swap3A_808], %swap3A_811 {strides = array<i32>} : memref<1x4224x3xf32, #tpu.memory_space<vmem>>, vector<1x65x3xf32>,
    %slice3A_812 = vector.extract_strided_slice %dot_general3A_15 {offsets = [31, 0], sizes = [1, 512], strides = [1, 1]} : vector<64x512xf32> to vector<1x512xf32>
    %add3A_813 = vector.broadcast %slice3A_812 : vector<1x512xf32> to vector<65x512xf32>
    %add3A_814 = arith.addf %add3A_813, %add3A_33 : vector<65x512xf32>
    %max3A_815 = arith.constant 0.000000e+00 : f32
    %max3A_816 = vector.broadcast %max3A_815 : f32 to vector<65x512xf32>
    %max3A_817 = arith.maximumf %add3A_814, %max3A_816 : vector<65x512xf32>
    %convert_element_type3A_818 = arith.truncf %max3A_817 : vector<65x512xf32> to vector<65x512xbf16>
    %dot_general3A_819 = arith.constant dense<0.000000e+00> : vector<65x16xf32>
    %dot_general3A_820 = tpu.matmul %convert_element_type3A_818, %convert_element_type3A, %dot_general3A_819 {dimension_numbers = #tpu.dot_dimension_numbers<[1], [0], [0], [1], [0, 0, 1, 1], [], []>, transpose_lhs_hint = false} : vector<65x512xbf16>, vector<512x16xbf16>, vector<65x16xf32> -> vector<65x16xf32>
    %add3A_821 = vector.broadcast %get3A_39 : vector<1x16xf32> to vector<65x16xf32>
    %add3A_822 = arith.addf %dot_general3A_820, %add3A_821 : vector<65x16xf32>
    %slice3A_823 = vector.extract_strided_slice %add3A_822 {offsets = [0, 0], sizes = [65, 13], strides = [1, 1]} : vector<65x16xf32> to vector<65x13xf32>
    %swap3A_824 = arith.constant 0 : index
    %swap3A_825 = arith.constant 2015 : index
    %swap3A_826 = arith.constant 0 : index
    %swap3A_827 = vector.load %arg9[%swap3A_824, %swap3A_825, %swap3A_826] : memref<1x4224x13xf32, #tpu.memory_space<vmem>>, vector<1x65x13xf32>
    %swap3A_828 = vector.shape_cast %swap3A_827 : vector<1x65x13xf32> to vector<65x13xf32>
    %swap3A_829 = vector.shape_cast %slice3A_823 : vector<65x13xf32> to vector<1x65x13xf32>
    tpu.vector_store %arg9[%swap3A_824, %swap3A_825, %swap3A_826], %swap3A_829 {strides = array<i32>} : memref<1x4224x13xf32, #tpu.memory_space<vmem>>, vector<1x65x13xf32>,
    %slice3A_830 = vector.extract_strided_slice %add3A_822 {offsets = [0, 13], sizes = [65, 3], strides = [1, 1]} : vector<65x16xf32> to vector<65x3xf32>
    %swap3A_831 = arith.constant 0 : index
    %swap3A_832 = arith.constant 2015 : index
    %swap3A_833 = arith.constant 0 : index
    %swap3A_834 = vector.load %arg10[%swap3A_831, %swap3A_832, %swap3A_833] : memref<1x4224x3xf32, #tpu.memory_space<vmem>>, vector<1x65x3xf32>
    %swap3A_835 = vector.shape_cast %swap3A_834 : vector<1x65x3xf32> to vector<65x3xf32>
    %swap3A_836 = vector.shape_cast %slice3A_830 : vector<65x3xf32> to vector<1x65x3xf32>
    tpu.vector_store %arg10[%swap3A_831, %swap3A_832, %swap3A_833], %swap3A_836 {strides = array<i32>} : memref<1x4224x3xf32, #tpu.memory_space<vmem>>, vector<1x65x3xf32>,
    %slice3A_837 = vector.extract_strided_slice %dot_general3A_15 {offsets = [32, 0], sizes = [1, 512], strides = [1, 1]} : vector<64x512xf32> to vector<1x512xf32>
    %add3A_838 = vector.broadcast %slice3A_837 : vector<1x512xf32> to vector<65x512xf32>
    %add3A_839 = arith.addf %add3A_838, %add3A_33 : vector<65x512xf32>
    %max3A_840 = arith.constant 0.000000e+00 : f32
    %max3A_841 = vector.broadcast %max3A_840 : f32 to vector<65x512xf32>
    %max3A_842 = arith.maximumf %add3A_839, %max3A_841 : vector<65x512xf32>
    %convert_element_type3A_843 = arith.truncf %max3A_842 : vector<65x512xf32> to vector<65x512xbf16>
    %dot_general3A_844 = arith.constant dense<0.000000e+00> : vector<65x16xf32>
    %dot_general3A_845 = tpu.matmul %convert_element_type3A_843, %convert_element_type3A, %dot_general3A_844 {dimension_numbers = #tpu.dot_dimension_numbers<[1], [0], [0], [1], [0, 0, 1, 1], [], []>, transpose_lhs_hint = false} : vector<65x512xbf16>, vector<512x16xbf16>, vector<65x16xf32> -> vector<65x16xf32>
    %add3A_846 = vector.broadcast %get3A_39 : vector<1x16xf32> to vector<65x16xf32>
    %add3A_847 = arith.addf %dot_general3A_845, %add3A_846 : vector<65x16xf32>
    %slice3A_848 = vector.extract_strided_slice %add3A_847 {offsets = [0, 0], sizes = [65, 13], strides = [1, 1]} : vector<65x16xf32> to vector<65x13xf32>
    %swap3A_849 = arith.constant 0 : index
    %swap3A_850 = arith.constant 2080 : index
    %swap3A_851 = arith.constant 0 : index
    %swap3A_852 = vector.load %arg9[%swap3A_849, %swap3A_850, %swap3A_851] : memref<1x4224x13xf32, #tpu.memory_space<vmem>>, vector<1x65x13xf32>
    %swap3A_853 = vector.shape_cast %swap3A_852 : vector<1x65x13xf32> to vector<65x13xf32>
    %swap3A_854 = vector.shape_cast %slice3A_848 : vector<65x13xf32> to vector<1x65x13xf32>
    tpu.vector_store %arg9[%swap3A_849, %swap3A_850, %swap3A_851], %swap3A_854 {strides = array<i32>} : memref<1x4224x13xf32, #tpu.memory_space<vmem>>, vector<1x65x13xf32>,
    %slice3A_855 = vector.extract_strided_slice %add3A_847 {offsets = [0, 13], sizes = [65, 3], strides = [1, 1]} : vector<65x16xf32> to vector<65x3xf32>
    %swap3A_856 = arith.constant 0 : index
    %swap3A_857 = arith.constant 2080 : index
    %swap3A_858 = arith.constant 0 : index
    %swap3A_859 = vector.load %arg10[%swap3A_856, %swap3A_857, %swap3A_858] : memref<1x4224x3xf32, #tpu.memory_space<vmem>>, vector<1x65x3xf32>
    %swap3A_860 = vector.shape_cast %swap3A_859 : vector<1x65x3xf32> to vector<65x3xf32>
    %swap3A_861 = vector.shape_cast %slice3A_855 : vector<65x3xf32> to vector<1x65x3xf32>
    tpu.vector_store %arg10[%swap3A_856, %swap3A_857, %swap3A_858], %swap3A_861 {strides = array<i32>} : memref<1x4224x3xf32, #tpu.memory_space<vmem>>, vector<1x65x3xf32>,
    %slice3A_862 = vector.extract_strided_slice %dot_general3A_15 {offsets = [33, 0], sizes = [1, 512], strides = [1, 1]} : vector<64x512xf32> to vector<1x512xf32>
    %add3A_863 = vector.broadcast %slice3A_862 : vector<1x512xf32> to vector<65x512xf32>
    %add3A_864 = arith.addf %add3A_863, %add3A_33 : vector<65x512xf32>
    %max3A_865 = arith.constant 0.000000e+00 : f32
    %max3A_866 = vector.broadcast %max3A_865 : f32 to vector<65x512xf32>
    %max3A_867 = arith.maximumf %add3A_864, %max3A_866 : vector<65x512xf32>
    %convert_element_type3A_868 = arith.truncf %max3A_867 : vector<65x512xf32> to vector<65x512xbf16>
    %dot_general3A_869 = arith.constant dense<0.000000e+00> : vector<65x16xf32>
    %dot_general3A_870 = tpu.matmul %convert_element_type3A_868, %convert_element_type3A, %dot_general3A_869 {dimension_numbers = #tpu.dot_dimension_numbers<[1], [0], [0], [1], [0, 0, 1, 1], [], []>, transpose_lhs_hint = false} : vector<65x512xbf16>, vector<512x16xbf16>, vector<65x16xf32> -> vector<65x16xf32>
    %add3A_871 = vector.broadcast %get3A_39 : vector<1x16xf32> to vector<65x16xf32>
    %add3A_872 = arith.addf %dot_general3A_870, %add3A_871 : vector<65x16xf32>
    %slice3A_873 = vector.extract_strided_slice %add3A_872 {offsets = [0, 0], sizes = [65, 13], strides = [1, 1]} : vector<65x16xf32> to vector<65x13xf32>
    %swap3A_874 = arith.constant 0 : index
    %swap3A_875 = arith.constant 2145 : index
    %swap3A_876 = arith.constant 0 : index
    %swap3A_877 = vector.load %arg9[%swap3A_874, %swap3A_875, %swap3A_876] : memref<1x4224x13xf32, #tpu.memory_space<vmem>>, vector<1x65x13xf32>
    %swap3A_878 = vector.shape_cast %swap3A_877 : vector<1x65x13xf32> to vector<65x13xf32>
    %swap3A_879 = vector.shape_cast %slice3A_873 : vector<65x13xf32> to vector<1x65x13xf32>
    tpu.vector_store %arg9[%swap3A_874, %swap3A_875, %swap3A_876], %swap3A_879 {strides = array<i32>} : memref<1x4224x13xf32, #tpu.memory_space<vmem>>, vector<1x65x13xf32>,
    %slice3A_880 = vector.extract_strided_slice %add3A_872 {offsets = [0, 13], sizes = [65, 3], strides = [1, 1]} : vector<65x16xf32> to vector<65x3xf32>
    %swap3A_881 = arith.constant 0 : index
    %swap3A_882 = arith.constant 2145 : index
    %swap3A_883 = arith.constant 0 : index
    %swap3A_884 = vector.load %arg10[%swap3A_881, %swap3A_882, %swap3A_883] : memref<1x4224x3xf32, #tpu.memory_space<vmem>>, vector<1x65x3xf32>
    %swap3A_885 = vector.shape_cast %swap3A_884 : vector<1x65x3xf32> to vector<65x3xf32>
    %swap3A_886 = vector.shape_cast %slice3A_880 : vector<65x3xf32> to vector<1x65x3xf32>
    tpu.vector_store %arg10[%swap3A_881, %swap3A_882, %swap3A_883], %swap3A_886 {strides = array<i32>} : memref<1x4224x3xf32, #tpu.memory_space<vmem>>, vector<1x65x3xf32>,
    %slice3A_887 = vector.extract_strided_slice %dot_general3A_15 {offsets = [34, 0], sizes = [1, 512], strides = [1, 1]} : vector<64x512xf32> to vector<1x512xf32>
    %add3A_888 = vector.broadcast %slice3A_887 : vector<1x512xf32> to vector<65x512xf32>
    %add3A_889 = arith.addf %add3A_888, %add3A_33 : vector<65x512xf32>
    %max3A_890 = arith.constant 0.000000e+00 : f32
    %max3A_891 = vector.broadcast %max3A_890 : f32 to vector<65x512xf32>
    %max3A_892 = arith.maximumf %add3A_889, %max3A_891 : vector<65x512xf32>
    %convert_element_type3A_893 = arith.truncf %max3A_892 : vector<65x512xf32> to vector<65x512xbf16>
    %dot_general3A_894 = arith.constant dense<0.000000e+00> : vector<65x16xf32>
    %dot_general3A_895 = tpu.matmul %convert_element_type3A_893, %convert_element_type3A, %dot_general3A_894 {dimension_numbers = #tpu.dot_dimension_numbers<[1], [0], [0], [1], [0, 0, 1, 1], [], []>, transpose_lhs_hint = false} : vector<65x512xbf16>, vector<512x16xbf16>, vector<65x16xf32> -> vector<65x16xf32>
    %add3A_896 = vector.broadcast %get3A_39 : vector<1x16xf32> to vector<65x16xf32>
    %add3A_897 = arith.addf %dot_general3A_895, %add3A_896 : vector<65x16xf32>
    %slice3A_898 = vector.extract_strided_slice %add3A_897 {offsets = [0, 0], sizes = [65, 13], strides = [1, 1]} : vector<65x16xf32> to vector<65x13xf32>
    %swap3A_899 = arith.constant 0 : index
    %swap3A_900 = arith.constant 2210 : index
    %swap3A_901 = arith.constant 0 : index
    %swap3A_902 = vector.load %arg9[%swap3A_899, %swap3A_900, %swap3A_901] : memref<1x4224x13xf32, #tpu.memory_space<vmem>>, vector<1x65x13xf32>
    %swap3A_903 = vector.shape_cast %swap3A_902 : vector<1x65x13xf32> to vector<65x13xf32>
    %swap3A_904 = vector.shape_cast %slice3A_898 : vector<65x13xf32> to vector<1x65x13xf32>
    tpu.vector_store %arg9[%swap3A_899, %swap3A_900, %swap3A_901], %swap3A_904 {strides = array<i32>} : memref<1x4224x13xf32, #tpu.memory_space<vmem>>, vector<1x65x13xf32>,
    %slice3A_905 = vector.extract_strided_slice %add3A_897 {offsets = [0, 13], sizes = [65, 3], strides = [1, 1]} : vector<65x16xf32> to vector<65x3xf32>
    %swap3A_906 = arith.constant 0 : index
    %swap3A_907 = arith.constant 2210 : index
    %swap3A_908 = arith.constant 0 : index
    %swap3A_909 = vector.load %arg10[%swap3A_906, %swap3A_907, %swap3A_908] : memref<1x4224x3xf32, #tpu.memory_space<vmem>>, vector<1x65x3xf32>
    %swap3A_910 = vector.shape_cast %swap3A_909 : vector<1x65x3xf32> to vector<65x3xf32>
    %swap3A_911 = vector.shape_cast %slice3A_905 : vector<65x3xf32> to vector<1x65x3xf32>
    tpu.vector_store %arg10[%swap3A_906, %swap3A_907, %swap3A_908], %swap3A_911 {strides = array<i32>} : memref<1x4224x3xf32, #tpu.memory_space<vmem>>, vector<1x65x3xf32>,
    %slice3A_912 = vector.extract_strided_slice %dot_general3A_15 {offsets = [35, 0], sizes = [1, 512], strides = [1, 1]} : vector<64x512xf32> to vector<1x512xf32>
    %add3A_913 = vector.broadcast %slice3A_912 : vector<1x512xf32> to vector<65x512xf32>
    %add3A_914 = arith.addf %add3A_913, %add3A_33 : vector<65x512xf32>
    %max3A_915 = arith.constant 0.000000e+00 : f32
    %max3A_916 = vector.broadcast %max3A_915 : f32 to vector<65x512xf32>
    %max3A_917 = arith.maximumf %add3A_914, %max3A_916 : vector<65x512xf32>
    %convert_element_type3A_918 = arith.truncf %max3A_917 : vector<65x512xf32> to vector<65x512xbf16>
    %dot_general3A_919 = arith.constant dense<0.000000e+00> : vector<65x16xf32>
    %dot_general3A_920 = tpu.matmul %convert_element_type3A_918, %convert_element_type3A, %dot_general3A_919 {dimension_numbers = #tpu.dot_dimension_numbers<[1], [0], [0], [1], [0, 0, 1, 1], [], []>, transpose_lhs_hint = false} : vector<65x512xbf16>, vector<512x16xbf16>, vector<65x16xf32> -> vector<65x16xf32>
    %add3A_921 = vector.broadcast %get3A_39 : vector<1x16xf32> to vector<65x16xf32>
    %add3A_922 = arith.addf %dot_general3A_920, %add3A_921 : vector<65x16xf32>
    %slice3A_923 = vector.extract_strided_slice %add3A_922 {offsets = [0, 0], sizes = [65, 13], strides = [1, 1]} : vector<65x16xf32> to vector<65x13xf32>
    %swap3A_924 = arith.constant 0 : index
    %swap3A_925 = arith.constant 2275 : index
    %swap3A_926 = arith.constant 0 : index
    %swap3A_927 = vector.load %arg9[%swap3A_924, %swap3A_925, %swap3A_926] : memref<1x4224x13xf32, #tpu.memory_space<vmem>>, vector<1x65x13xf32>
    %swap3A_928 = vector.shape_cast %swap3A_927 : vector<1x65x13xf32> to vector<65x13xf32>
    %swap3A_929 = vector.shape_cast %slice3A_923 : vector<65x13xf32> to vector<1x65x13xf32>
    tpu.vector_store %arg9[%swap3A_924, %swap3A_925, %swap3A_926], %swap3A_929 {strides = array<i32>} : memref<1x4224x13xf32, #tpu.memory_space<vmem>>, vector<1x65x13xf32>,
    %slice3A_930 = vector.extract_strided_slice %add3A_922 {offsets = [0, 13], sizes = [65, 3], strides = [1, 1]} : vector<65x16xf32> to vector<65x3xf32>
    %swap3A_931 = arith.constant 0 : index
    %swap3A_932 = arith.constant 2275 : index
    %swap3A_933 = arith.constant 0 : index
    %swap3A_934 = vector.load %arg10[%swap3A_931, %swap3A_932, %swap3A_933] : memref<1x4224x3xf32, #tpu.memory_space<vmem>>, vector<1x65x3xf32>
    %swap3A_935 = vector.shape_cast %swap3A_934 : vector<1x65x3xf32> to vector<65x3xf32>
    %swap3A_936 = vector.shape_cast %slice3A_930 : vector<65x3xf32> to vector<1x65x3xf32>
    tpu.vector_store %arg10[%swap3A_931, %swap3A_932, %swap3A_933], %swap3A_936 {strides = array<i32>} : memref<1x4224x3xf32, #tpu.memory_space<vmem>>, vector<1x65x3xf32>,
    %slice3A_937 = vector.extract_strided_slice %dot_general3A_15 {offsets = [36, 0], sizes = [1, 512], strides = [1, 1]} : vector<64x512xf32> to vector<1x512xf32>
    %add3A_938 = vector.broadcast %slice3A_937 : vector<1x512xf32> to vector<65x512xf32>
    %add3A_939 = arith.addf %add3A_938, %add3A_33 : vector<65x512xf32>
    %max3A_940 = arith.constant 0.000000e+00 : f32
    %max3A_941 = vector.broadcast %max3A_940 : f32 to vector<65x512xf32>
    %max3A_942 = arith.maximumf %add3A_939, %max3A_941 : vector<65x512xf32>
    %convert_element_type3A_943 = arith.truncf %max3A_942 : vector<65x512xf32> to vector<65x512xbf16>
    %dot_general3A_944 = arith.constant dense<0.000000e+00> : vector<65x16xf32>
    %dot_general3A_945 = tpu.matmul %convert_element_type3A_943, %convert_element_type3A, %dot_general3A_944 {dimension_numbers = #tpu.dot_dimension_numbers<[1], [0], [0], [1], [0, 0, 1, 1], [], []>, transpose_lhs_hint = false} : vector<65x512xbf16>, vector<512x16xbf16>, vector<65x16xf32> -> vector<65x16xf32>
    %add3A_946 = vector.broadcast %get3A_39 : vector<1x16xf32> to vector<65x16xf32>
    %add3A_947 = arith.addf %dot_general3A_945, %add3A_946 : vector<65x16xf32>
    %slice3A_948 = vector.extract_strided_slice %add3A_947 {offsets = [0, 0], sizes = [65, 13], strides = [1, 1]} : vector<65x16xf32> to vector<65x13xf32>
    %swap3A_949 = arith.constant 0 : index
    %swap3A_950 = arith.constant 2340 : index
    %swap3A_951 = arith.constant 0 : index
    %swap3A_952 = vector.load %arg9[%swap3A_949, %swap3A_950, %swap3A_951] : memref<1x4224x13xf32, #tpu.memory_space<vmem>>, vector<1x65x13xf32>
    %swap3A_953 = vector.shape_cast %swap3A_952 : vector<1x65x13xf32> to vector<65x13xf32>
    %swap3A_954 = vector.shape_cast %slice3A_948 : vector<65x13xf32> to vector<1x65x13xf32>
    tpu.vector_store %arg9[%swap3A_949, %swap3A_950, %swap3A_951], %swap3A_954 {strides = array<i32>} : memref<1x4224x13xf32, #tpu.memory_space<vmem>>, vector<1x65x13xf32>,
    %slice3A_955 = vector.extract_strided_slice %add3A_947 {offsets = [0, 13], sizes = [65, 3], strides = [1, 1]} : vector<65x16xf32> to vector<65x3xf32>
    %swap3A_956 = arith.constant 0 : index
    %swap3A_957 = arith.constant 2340 : index
    %swap3A_958 = arith.constant 0 : index
    %swap3A_959 = vector.load %arg10[%swap3A_956, %swap3A_957, %swap3A_958] : memref<1x4224x3xf32, #tpu.memory_space<vmem>>, vector<1x65x3xf32>
    %swap3A_960 = vector.shape_cast %swap3A_959 : vector<1x65x3xf32> to vector<65x3xf32>
    %swap3A_961 = vector.shape_cast %slice3A_955 : vector<65x3xf32> to vector<1x65x3xf32>
    tpu.vector_store %arg10[%swap3A_956, %swap3A_957, %swap3A_958], %swap3A_961 {strides = array<i32>} : memref<1x4224x3xf32, #tpu.memory_space<vmem>>, vector<1x65x3xf32>,
    %slice3A_962 = vector.extract_strided_slice %dot_general3A_15 {offsets = [37, 0], sizes = [1, 512], strides = [1, 1]} : vector<64x512xf32> to vector<1x512xf32>
    %add3A_963 = vector.broadcast %slice3A_962 : vector<1x512xf32> to vector<65x512xf32>
    %add3A_964 = arith.addf %add3A_963, %add3A_33 : vector<65x512xf32>
    %max3A_965 = arith.constant 0.000000e+00 : f32
    %max3A_966 = vector.broadcast %max3A_965 : f32 to vector<65x512xf32>
    %max3A_967 = arith.maximumf %add3A_964, %max3A_966 : vector<65x512xf32>
    %convert_element_type3A_968 = arith.truncf %max3A_967 : vector<65x512xf32> to vector<65x512xbf16>
    %dot_general3A_969 = arith.constant dense<0.000000e+00> : vector<65x16xf32>
    %dot_general3A_970 = tpu.matmul %convert_element_type3A_968, %convert_element_type3A, %dot_general3A_969 {dimension_numbers = #tpu.dot_dimension_numbers<[1], [0], [0], [1], [0, 0, 1, 1], [], []>, transpose_lhs_hint = false} : vector<65x512xbf16>, vector<512x16xbf16>, vector<65x16xf32> -> vector<65x16xf32>
    %add3A_971 = vector.broadcast %get3A_39 : vector<1x16xf32> to vector<65x16xf32>
    %add3A_972 = arith.addf %dot_general3A_970, %add3A_971 : vector<65x16xf32>
    %slice3A_973 = vector.extract_strided_slice %add3A_972 {offsets = [0, 0], sizes = [65, 13], strides = [1, 1]} : vector<65x16xf32> to vector<65x13xf32>
    %swap3A_974 = arith.constant 0 : index
    %swap3A_975 = arith.constant 2405 : index
    %swap3A_976 = arith.constant 0 : index
    %swap3A_977 = vector.load %arg9[%swap3A_974, %swap3A_975, %swap3A_976] : memref<1x4224x13xf32, #tpu.memory_space<vmem>>, vector<1x65x13xf32>
    %swap3A_978 = vector.shape_cast %swap3A_977 : vector<1x65x13xf32> to vector<65x13xf32>
    %swap3A_979 = vector.shape_cast %slice3A_973 : vector<65x13xf32> to vector<1x65x13xf32>
    tpu.vector_store %arg9[%swap3A_974, %swap3A_975, %swap3A_976], %swap3A_979 {strides = array<i32>} : memref<1x4224x13xf32, #tpu.memory_space<vmem>>, vector<1x65x13xf32>,
    %slice3A_980 = vector.extract_strided_slice %add3A_972 {offsets = [0, 13], sizes = [65, 3], strides = [1, 1]} : vector<65x16xf32> to vector<65x3xf32>
    %swap3A_981 = arith.constant 0 : index
    %swap3A_982 = arith.constant 2405 : index
    %swap3A_983 = arith.constant 0 : index
    %swap3A_984 = vector.load %arg10[%swap3A_981, %swap3A_982, %swap3A_983] : memref<1x4224x3xf32, #tpu.memory_space<vmem>>, vector<1x65x3xf32>
    %swap3A_985 = vector.shape_cast %swap3A_984 : vector<1x65x3xf32> to vector<65x3xf32>
    %swap3A_986 = vector.shape_cast %slice3A_980 : vector<65x3xf32> to vector<1x65x3xf32>
    tpu.vector_store %arg10[%swap3A_981, %swap3A_982, %swap3A_983], %swap3A_986 {strides = array<i32>} : memref<1x4224x3xf32, #tpu.memory_space<vmem>>, vector<1x65x3xf32>,
    %slice3A_987 = vector.extract_strided_slice %dot_general3A_15 {offsets = [38, 0], sizes = [1, 512], strides = [1, 1]} : vector<64x512xf32> to vector<1x512xf32>
    %add3A_988 = vector.broadcast %slice3A_987 : vector<1x512xf32> to vector<65x512xf32>
    %add3A_989 = arith.addf %add3A_988, %add3A_33 : vector<65x512xf32>
    %max3A_990 = arith.constant 0.000000e+00 : f32
    %max3A_991 = vector.broadcast %max3A_990 : f32 to vector<65x512xf32>
    %max3A_992 = arith.maximumf %add3A_989, %max3A_991 : vector<65x512xf32>
    %convert_element_type3A_993 = arith.truncf %max3A_992 : vector<65x512xf32> to vector<65x512xbf16>
    %dot_general3A_994 = arith.constant dense<0.000000e+00> : vector<65x16xf32>
    %dot_general3A_995 = tpu.matmul %convert_element_type3A_993, %convert_element_type3A, %dot_general3A_994 {dimension_numbers = #tpu.dot_dimension_numbers<[1], [0], [0], [1], [0, 0, 1, 1], [], []>, transpose_lhs_hint = false} : vector<65x512xbf16>, vector<512x16xbf16>, vector<65x16xf32> -> vector<65x16xf32>
    %add3A_996 = vector.broadcast %get3A_39 : vector<1x16xf32> to vector<65x16xf32>
    %add3A_997 = arith.addf %dot_general3A_995, %add3A_996 : vector<65x16xf32>
    %slice3A_998 = vector.extract_strided_slice %add3A_997 {offsets = [0, 0], sizes = [65, 13], strides = [1, 1]} : vector<65x16xf32> to vector<65x13xf32>
    %swap3A_999 = arith.constant 0 : index
    %swap3A_1000 = arith.constant 2470 : index
    %swap3A_1001 = arith.constant 0 : index
    %swap3A_1002 = vector.load %arg9[%swap3A_999, %swap3A_1000, %swap3A_1001] : memref<1x4224x13xf32, #tpu.memory_space<vmem>>, vector<1x65x13xf32>
    %swap3A_1003 = vector.shape_cast %swap3A_1002 : vector<1x65x13xf32> to vector<65x13xf32>
    %swap3A_1004 = vector.shape_cast %slice3A_998 : vector<65x13xf32> to vector<1x65x13xf32>
    tpu.vector_store %arg9[%swap3A_999, %swap3A_1000, %swap3A_1001], %swap3A_1004 {strides = array<i32>} : memref<1x4224x13xf32, #tpu.memory_space<vmem>>, vector<1x65x13xf32>,
    %slice3A_1005 = vector.extract_strided_slice %add3A_997 {offsets = [0, 13], sizes = [65, 3], strides = [1, 1]} : vector<65x16xf32> to vector<65x3xf32>
    %swap3A_1006 = arith.constant 0 : index
    %swap3A_1007 = arith.constant 2470 : index
    %swap3A_1008 = arith.constant 0 : index
    %swap3A_1009 = vector.load %arg10[%swap3A_1006, %swap3A_1007, %swap3A_1008] : memref<1x4224x3xf32, #tpu.memory_space<vmem>>, vector<1x65x3xf32>
    %swap3A_1010 = vector.shape_cast %swap3A_1009 : vector<1x65x3xf32> to vector<65x3xf32>
    %swap3A_1011 = vector.shape_cast %slice3A_1005 : vector<65x3xf32> to vector<1x65x3xf32>
    tpu.vector_store %arg10[%swap3A_1006, %swap3A_1007, %swap3A_1008], %swap3A_1011 {strides = array<i32>} : memref<1x4224x3xf32, #tpu.memory_space<vmem>>, vector<1x65x3xf32>,
    %slice3A_1012 = vector.extract_strided_slice %dot_general3A_15 {offsets = [39, 0], sizes = [1, 512], strides = [1, 1]} : vector<64x512xf32> to vector<1x512xf32>
    %add3A_1013 = vector.broadcast %slice3A_1012 : vector<1x512xf32> to vector<65x512xf32>
    %add3A_1014 = arith.addf %add3A_1013, %add3A_33 : vector<65x512xf32>
    %max3A_1015 = arith.constant 0.000000e+00 : f32
    %max3A_1016 = vector.broadcast %max3A_1015 : f32 to vector<65x512xf32>
    %max3A_1017 = arith.maximumf %add3A_1014, %max3A_1016 : vector<65x512xf32>
    %convert_element_type3A_1018 = arith.truncf %max3A_1017 : vector<65x512xf32> to vector<65x512xbf16>
    %dot_general3A_1019 = arith.constant dense<0.000000e+00> : vector<65x16xf32>
    %dot_general3A_1020 = tpu.matmul %convert_element_type3A_1018, %convert_element_type3A, %dot_general3A_1019 {dimension_numbers = #tpu.dot_dimension_numbers<[1], [0], [0], [1], [0, 0, 1, 1], [], []>, transpose_lhs_hint = false} : vector<65x512xbf16>, vector<512x16xbf16>, vector<65x16xf32> -> vector<65x16xf32>
    %add3A_1021 = vector.broadcast %get3A_39 : vector<1x16xf32> to vector<65x16xf32>
    %add3A_1022 = arith.addf %dot_general3A_1020, %add3A_1021 : vector<65x16xf32>
    %slice3A_1023 = vector.extract_strided_slice %add3A_1022 {offsets = [0, 0], sizes = [65, 13], strides = [1, 1]} : vector<65x16xf32> to vector<65x13xf32>
    %swap3A_1024 = arith.constant 0 : index
    %swap3A_1025 = arith.constant 2535 : index
    %swap3A_1026 = arith.constant 0 : index
    %swap3A_1027 = vector.load %arg9[%swap3A_1024, %swap3A_1025, %swap3A_1026] : memref<1x4224x13xf32, #tpu.memory_space<vmem>>, vector<1x65x13xf32>
    %swap3A_1028 = vector.shape_cast %swap3A_1027 : vector<1x65x13xf32> to vector<65x13xf32>
    %swap3A_1029 = vector.shape_cast %slice3A_1023 : vector<65x13xf32> to vector<1x65x13xf32>
    tpu.vector_store %arg9[%swap3A_1024, %swap3A_1025, %swap3A_1026], %swap3A_1029 {strides = array<i32>} : memref<1x4224x13xf32, #tpu.memory_space<vmem>>, vector<1x65x13xf32>,
    %slice3A_1030 = vector.extract_strided_slice %add3A_1022 {offsets = [0, 13], sizes = [65, 3], strides = [1, 1]} : vector<65x16xf32> to vector<65x3xf32>
    %swap3A_1031 = arith.constant 0 : index
    %swap3A_1032 = arith.constant 2535 : index
    %swap3A_1033 = arith.constant 0 : index
    %swap3A_1034 = vector.load %arg10[%swap3A_1031, %swap3A_1032, %swap3A_1033] : memref<1x4224x3xf32, #tpu.memory_space<vmem>>, vector<1x65x3xf32>
    %swap3A_1035 = vector.shape_cast %swap3A_1034 : vector<1x65x3xf32> to vector<65x3xf32>
    %swap3A_1036 = vector.shape_cast %slice3A_1030 : vector<65x3xf32> to vector<1x65x3xf32>
    tpu.vector_store %arg10[%swap3A_1031, %swap3A_1032, %swap3A_1033], %swap3A_1036 {strides = array<i32>} : memref<1x4224x3xf32, #tpu.memory_space<vmem>>, vector<1x65x3xf32>,
    %slice3A_1037 = vector.extract_strided_slice %dot_general3A_15 {offsets = [40, 0], sizes = [1, 512], strides = [1, 1]} : vector<64x512xf32> to vector<1x512xf32>
    %add3A_1038 = vector.broadcast %slice3A_1037 : vector<1x512xf32> to vector<65x512xf32>
    %add3A_1039 = arith.addf %add3A_1038, %add3A_33 : vector<65x512xf32>
    %max3A_1040 = arith.constant 0.000000e+00 : f32
    %max3A_1041 = vector.broadcast %max3A_1040 : f32 to vector<65x512xf32>
    %max3A_1042 = arith.maximumf %add3A_1039, %max3A_1041 : vector<65x512xf32>
    %convert_element_type3A_1043 = arith.truncf %max3A_1042 : vector<65x512xf32> to vector<65x512xbf16>
    %dot_general3A_1044 = arith.constant dense<0.000000e+00> : vector<65x16xf32>
    %dot_general3A_1045 = tpu.matmul %convert_element_type3A_1043, %convert_element_type3A, %dot_general3A_1044 {dimension_numbers = #tpu.dot_dimension_numbers<[1], [0], [0], [1], [0, 0, 1, 1], [], []>, transpose_lhs_hint = false} : vector<65x512xbf16>, vector<512x16xbf16>, vector<65x16xf32> -> vector<65x16xf32>
    %add3A_1046 = vector.broadcast %get3A_39 : vector<1x16xf32> to vector<65x16xf32>
    %add3A_1047 = arith.addf %dot_general3A_1045, %add3A_1046 : vector<65x16xf32>
    %slice3A_1048 = vector.extract_strided_slice %add3A_1047 {offsets = [0, 0], sizes = [65, 13], strides = [1, 1]} : vector<65x16xf32> to vector<65x13xf32>
    %swap3A_1049 = arith.constant 0 : index
    %swap3A_1050 = arith.constant 2600 : index
    %swap3A_1051 = arith.constant 0 : index
    %swap3A_1052 = vector.load %arg9[%swap3A_1049, %swap3A_1050, %swap3A_1051] : memref<1x4224x13xf32, #tpu.memory_space<vmem>>, vector<1x65x13xf32>
    %swap3A_1053 = vector.shape_cast %swap3A_1052 : vector<1x65x13xf32> to vector<65x13xf32>
    %swap3A_1054 = vector.shape_cast %slice3A_1048 : vector<65x13xf32> to vector<1x65x13xf32>
    tpu.vector_store %arg9[%swap3A_1049, %swap3A_1050, %swap3A_1051], %swap3A_1054 {strides = array<i32>} : memref<1x4224x13xf32, #tpu.memory_space<vmem>>, vector<1x65x13xf32>,
    %slice3A_1055 = vector.extract_strided_slice %add3A_1047 {offsets = [0, 13], sizes = [65, 3], strides = [1, 1]} : vector<65x16xf32> to vector<65x3xf32>
    %swap3A_1056 = arith.constant 0 : index
    %swap3A_1057 = arith.constant 2600 : index
    %swap3A_1058 = arith.constant 0 : index
    %swap3A_1059 = vector.load %arg10[%swap3A_1056, %swap3A_1057, %swap3A_1058] : memref<1x4224x3xf32, #tpu.memory_space<vmem>>, vector<1x65x3xf32>
    %swap3A_1060 = vector.shape_cast %swap3A_1059 : vector<1x65x3xf32> to vector<65x3xf32>
    %swap3A_1061 = vector.shape_cast %slice3A_1055 : vector<65x3xf32> to vector<1x65x3xf32>
    tpu.vector_store %arg10[%swap3A_1056, %swap3A_1057, %swap3A_1058], %swap3A_1061 {strides = array<i32>} : memref<1x4224x3xf32, #tpu.memory_space<vmem>>, vector<1x65x3xf32>,
    %slice3A_1062 = vector.extract_strided_slice %dot_general3A_15 {offsets = [41, 0], sizes = [1, 512], strides = [1, 1]} : vector<64x512xf32> to vector<1x512xf32>
    %add3A_1063 = vector.broadcast %slice3A_1062 : vector<1x512xf32> to vector<65x512xf32>
    %add3A_1064 = arith.addf %add3A_1063, %add3A_33 : vector<65x512xf32>
    %max3A_1065 = arith.constant 0.000000e+00 : f32
    %max3A_1066 = vector.broadcast %max3A_1065 : f32 to vector<65x512xf32>
    %max3A_1067 = arith.maximumf %add3A_1064, %max3A_1066 : vector<65x512xf32>
    %convert_element_type3A_1068 = arith.truncf %max3A_1067 : vector<65x512xf32> to vector<65x512xbf16>
    %dot_general3A_1069 = arith.constant dense<0.000000e+00> : vector<65x16xf32>
    %dot_general3A_1070 = tpu.matmul %convert_element_type3A_1068, %convert_element_type3A, %dot_general3A_1069 {dimension_numbers = #tpu.dot_dimension_numbers<[1], [0], [0], [1], [0, 0, 1, 1], [], []>, transpose_lhs_hint = false} : vector<65x512xbf16>, vector<512x16xbf16>, vector<65x16xf32> -> vector<65x16xf32>
    %add3A_1071 = vector.broadcast %get3A_39 : vector<1x16xf32> to vector<65x16xf32>
    %add3A_1072 = arith.addf %dot_general3A_1070, %add3A_1071 : vector<65x16xf32>
    %slice3A_1073 = vector.extract_strided_slice %add3A_1072 {offsets = [0, 0], sizes = [65, 13], strides = [1, 1]} : vector<65x16xf32> to vector<65x13xf32>
    %swap3A_1074 = arith.constant 0 : index
    %swap3A_1075 = arith.constant 2665 : index
    %swap3A_1076 = arith.constant 0 : index
    %swap3A_1077 = vector.load %arg9[%swap3A_1074, %swap3A_1075, %swap3A_1076] : memref<1x4224x13xf32, #tpu.memory_space<vmem>>, vector<1x65x13xf32>
    %swap3A_1078 = vector.shape_cast %swap3A_1077 : vector<1x65x13xf32> to vector<65x13xf32>
    %swap3A_1079 = vector.shape_cast %slice3A_1073 : vector<65x13xf32> to vector<1x65x13xf32>
    tpu.vector_store %arg9[%swap3A_1074, %swap3A_1075, %swap3A_1076], %swap3A_1079 {strides = array<i32>} : memref<1x4224x13xf32, #tpu.memory_space<vmem>>, vector<1x65x13xf32>,
    %slice3A_1080 = vector.extract_strided_slice %add3A_1072 {offsets = [0, 13], sizes = [65, 3], strides = [1, 1]} : vector<65x16xf32> to vector<65x3xf32>
    %swap3A_1081 = arith.constant 0 : index
    %swap3A_1082 = arith.constant 2665 : index
    %swap3A_1083 = arith.constant 0 : index
    %swap3A_1084 = vector.load %arg10[%swap3A_1081, %swap3A_1082, %swap3A_1083] : memref<1x4224x3xf32, #tpu.memory_space<vmem>>, vector<1x65x3xf32>
    %swap3A_1085 = vector.shape_cast %swap3A_1084 : vector<1x65x3xf32> to vector<65x3xf32>
    %swap3A_1086 = vector.shape_cast %slice3A_1080 : vector<65x3xf32> to vector<1x65x3xf32>
    tpu.vector_store %arg10[%swap3A_1081, %swap3A_1082, %swap3A_1083], %swap3A_1086 {strides = array<i32>} : memref<1x4224x3xf32, #tpu.memory_space<vmem>>, vector<1x65x3xf32>,
    %slice3A_1087 = vector.extract_strided_slice %dot_general3A_15 {offsets = [42, 0], sizes = [1, 512], strides = [1, 1]} : vector<64x512xf32> to vector<1x512xf32>
    %add3A_1088 = vector.broadcast %slice3A_1087 : vector<1x512xf32> to vector<65x512xf32>
    %add3A_1089 = arith.addf %add3A_1088, %add3A_33 : vector<65x512xf32>
    %max3A_1090 = arith.constant 0.000000e+00 : f32
    %max3A_1091 = vector.broadcast %max3A_1090 : f32 to vector<65x512xf32>
    %max3A_1092 = arith.maximumf %add3A_1089, %max3A_1091 : vector<65x512xf32>
    %convert_element_type3A_1093 = arith.truncf %max3A_1092 : vector<65x512xf32> to vector<65x512xbf16>
    %dot_general3A_1094 = arith.constant dense<0.000000e+00> : vector<65x16xf32>
    %dot_general3A_1095 = tpu.matmul %convert_element_type3A_1093, %convert_element_type3A, %dot_general3A_1094 {dimension_numbers = #tpu.dot_dimension_numbers<[1], [0], [0], [1], [0, 0, 1, 1], [], []>, transpose_lhs_hint = false} : vector<65x512xbf16>, vector<512x16xbf16>, vector<65x16xf32> -> vector<65x16xf32>
    %add3A_1096 = vector.broadcast %get3A_39 : vector<1x16xf32> to vector<65x16xf32>
    %add3A_1097 = arith.addf %dot_general3A_1095, %add3A_1096 : vector<65x16xf32>
    %slice3A_1098 = vector.extract_strided_slice %add3A_1097 {offsets = [0, 0], sizes = [65, 13], strides = [1, 1]} : vector<65x16xf32> to vector<65x13xf32>
    %swap3A_1099 = arith.constant 0 : index
    %swap3A_1100 = arith.constant 2730 : index
    %swap3A_1101 = arith.constant 0 : index
    %swap3A_1102 = vector.load %arg9[%swap3A_1099, %swap3A_1100, %swap3A_1101] : memref<1x4224x13xf32, #tpu.memory_space<vmem>>, vector<1x65x13xf32>
    %swap3A_1103 = vector.shape_cast %swap3A_1102 : vector<1x65x13xf32> to vector<65x13xf32>
    %swap3A_1104 = vector.shape_cast %slice3A_1098 : vector<65x13xf32> to vector<1x65x13xf32>
    tpu.vector_store %arg9[%swap3A_1099, %swap3A_1100, %swap3A_1101], %swap3A_1104 {strides = array<i32>} : memref<1x4224x13xf32, #tpu.memory_space<vmem>>, vector<1x65x13xf32>,
    %slice3A_1105 = vector.extract_strided_slice %add3A_1097 {offsets = [0, 13], sizes = [65, 3], strides = [1, 1]} : vector<65x16xf32> to vector<65x3xf32>
    %swap3A_1106 = arith.constant 0 : index
    %swap3A_1107 = arith.constant 2730 : index
    %swap3A_1108 = arith.constant 0 : index
    %swap3A_1109 = vector.load %arg10[%swap3A_1106, %swap3A_1107, %swap3A_1108] : memref<1x4224x3xf32, #tpu.memory_space<vmem>>, vector<1x65x3xf32>
    %swap3A_1110 = vector.shape_cast %swap3A_1109 : vector<1x65x3xf32> to vector<65x3xf32>
    %swap3A_1111 = vector.shape_cast %slice3A_1105 : vector<65x3xf32> to vector<1x65x3xf32>
    tpu.vector_store %arg10[%swap3A_1106, %swap3A_1107, %swap3A_1108], %swap3A_1111 {strides = array<i32>} : memref<1x4224x3xf32, #tpu.memory_space<vmem>>, vector<1x65x3xf32>,
    %slice3A_1112 = vector.extract_strided_slice %dot_general3A_15 {offsets = [43, 0], sizes = [1, 512], strides = [1, 1]} : vector<64x512xf32> to vector<1x512xf32>
    %add3A_1113 = vector.broadcast %slice3A_1112 : vector<1x512xf32> to vector<65x512xf32>
    %add3A_1114 = arith.addf %add3A_1113, %add3A_33 : vector<65x512xf32>
    %max3A_1115 = arith.constant 0.000000e+00 : f32
    %max3A_1116 = vector.broadcast %max3A_1115 : f32 to vector<65x512xf32>
    %max3A_1117 = arith.maximumf %add3A_1114, %max3A_1116 : vector<65x512xf32>
    %convert_element_type3A_1118 = arith.truncf %max3A_1117 : vector<65x512xf32> to vector<65x512xbf16>
    %dot_general3A_1119 = arith.constant dense<0.000000e+00> : vector<65x16xf32>
    %dot_general3A_1120 = tpu.matmul %convert_element_type3A_1118, %convert_element_type3A, %dot_general3A_1119 {dimension_numbers = #tpu.dot_dimension_numbers<[1], [0], [0], [1], [0, 0, 1, 1], [], []>, transpose_lhs_hint = false} : vector<65x512xbf16>, vector<512x16xbf16>, vector<65x16xf32> -> vector<65x16xf32>
    %add3A_1121 = vector.broadcast %get3A_39 : vector<1x16xf32> to vector<65x16xf32>
    %add3A_1122 = arith.addf %dot_general3A_1120, %add3A_1121 : vector<65x16xf32>
    %slice3A_1123 = vector.extract_strided_slice %add3A_1122 {offsets = [0, 0], sizes = [65, 13], strides = [1, 1]} : vector<65x16xf32> to vector<65x13xf32>
    %swap3A_1124 = arith.constant 0 : index
    %swap3A_1125 = arith.constant 2795 : index
    %swap3A_1126 = arith.constant 0 : index
    %swap3A_1127 = vector.load %arg9[%swap3A_1124, %swap3A_1125, %swap3A_1126] : memref<1x4224x13xf32, #tpu.memory_space<vmem>>, vector<1x65x13xf32>
    %swap3A_1128 = vector.shape_cast %swap3A_1127 : vector<1x65x13xf32> to vector<65x13xf32>
    %swap3A_1129 = vector.shape_cast %slice3A_1123 : vector<65x13xf32> to vector<1x65x13xf32>
    tpu.vector_store %arg9[%swap3A_1124, %swap3A_1125, %swap3A_1126], %swap3A_1129 {strides = array<i32>} : memref<1x4224x13xf32, #tpu.memory_space<vmem>>, vector<1x65x13xf32>,
    %slice3A_1130 = vector.extract_strided_slice %add3A_1122 {offsets = [0, 13], sizes = [65, 3], strides = [1, 1]} : vector<65x16xf32> to vector<65x3xf32>
    %swap3A_1131 = arith.constant 0 : index
    %swap3A_1132 = arith.constant 2795 : index
    %swap3A_1133 = arith.constant 0 : index
    %swap3A_1134 = vector.load %arg10[%swap3A_1131, %swap3A_1132, %swap3A_1133] : memref<1x4224x3xf32, #tpu.memory_space<vmem>>, vector<1x65x3xf32>
    %swap3A_1135 = vector.shape_cast %swap3A_1134 : vector<1x65x3xf32> to vector<65x3xf32>
    %swap3A_1136 = vector.shape_cast %slice3A_1130 : vector<65x3xf32> to vector<1x65x3xf32>
    tpu.vector_store %arg10[%swap3A_1131, %swap3A_1132, %swap3A_1133], %swap3A_1136 {strides = array<i32>} : memref<1x4224x3xf32, #tpu.memory_space<vmem>>, vector<1x65x3xf32>,
    %slice3A_1137 = vector.extract_strided_slice %dot_general3A_15 {offsets = [44, 0], sizes = [1, 512], strides = [1, 1]} : vector<64x512xf32> to vector<1x512xf32>
    %add3A_1138 = vector.broadcast %slice3A_1137 : vector<1x512xf32> to vector<65x512xf32>
    %add3A_1139 = arith.addf %add3A_1138, %add3A_33 : vector<65x512xf32>
    %max3A_1140 = arith.constant 0.000000e+00 : f32
    %max3A_1141 = vector.broadcast %max3A_1140 : f32 to vector<65x512xf32>
    %max3A_1142 = arith.maximumf %add3A_1139, %max3A_1141 : vector<65x512xf32>
    %convert_element_type3A_1143 = arith.truncf %max3A_1142 : vector<65x512xf32> to vector<65x512xbf16>
    %dot_general3A_1144 = arith.constant dense<0.000000e+00> : vector<65x16xf32>
    %dot_general3A_1145 = tpu.matmul %convert_element_type3A_1143, %convert_element_type3A, %dot_general3A_1144 {dimension_numbers = #tpu.dot_dimension_numbers<[1], [0], [0], [1], [0, 0, 1, 1], [], []>, transpose_lhs_hint = false} : vector<65x512xbf16>, vector<512x16xbf16>, vector<65x16xf32> -> vector<65x16xf32>
    %add3A_1146 = vector.broadcast %get3A_39 : vector<1x16xf32> to vector<65x16xf32>
    %add3A_1147 = arith.addf %dot_general3A_1145, %add3A_1146 : vector<65x16xf32>
    %slice3A_1148 = vector.extract_strided_slice %add3A_1147 {offsets = [0, 0], sizes = [65, 13], strides = [1, 1]} : vector<65x16xf32> to vector<65x13xf32>
    %swap3A_1149 = arith.constant 0 : index
    %swap3A_1150 = arith.constant 2860 : index
    %swap3A_1151 = arith.constant 0 : index
    %swap3A_1152 = vector.load %arg9[%swap3A_1149, %swap3A_1150, %swap3A_1151] : memref<1x4224x13xf32, #tpu.memory_space<vmem>>, vector<1x65x13xf32>
    %swap3A_1153 = vector.shape_cast %swap3A_1152 : vector<1x65x13xf32> to vector<65x13xf32>
    %swap3A_1154 = vector.shape_cast %slice3A_1148 : vector<65x13xf32> to vector<1x65x13xf32>
    tpu.vector_store %arg9[%swap3A_1149, %swap3A_1150, %swap3A_1151], %swap3A_1154 {strides = array<i32>} : memref<1x4224x13xf32, #tpu.memory_space<vmem>>, vector<1x65x13xf32>,
    %slice3A_1155 = vector.extract_strided_slice %add3A_1147 {offsets = [0, 13], sizes = [65, 3], strides = [1, 1]} : vector<65x16xf32> to vector<65x3xf32>
    %swap3A_1156 = arith.constant 0 : index
    %swap3A_1157 = arith.constant 2860 : index
    %swap3A_1158 = arith.constant 0 : index
    %swap3A_1159 = vector.load %arg10[%swap3A_1156, %swap3A_1157, %swap3A_1158] : memref<1x4224x3xf32, #tpu.memory_space<vmem>>, vector<1x65x3xf32>
    %swap3A_1160 = vector.shape_cast %swap3A_1159 : vector<1x65x3xf32> to vector<65x3xf32>
    %swap3A_1161 = vector.shape_cast %slice3A_1155 : vector<65x3xf32> to vector<1x65x3xf32>
    tpu.vector_store %arg10[%swap3A_1156, %swap3A_1157, %swap3A_1158], %swap3A_1161 {strides = array<i32>} : memref<1x4224x3xf32, #tpu.memory_space<vmem>>, vector<1x65x3xf32>,
    %slice3A_1162 = vector.extract_strided_slice %dot_general3A_15 {offsets = [45, 0], sizes = [1, 512], strides = [1, 1]} : vector<64x512xf32> to vector<1x512xf32>
    %add3A_1163 = vector.broadcast %slice3A_1162 : vector<1x512xf32> to vector<65x512xf32>
    %add3A_1164 = arith.addf %add3A_1163, %add3A_33 : vector<65x512xf32>
    %max3A_1165 = arith.constant 0.000000e+00 : f32
    %max3A_1166 = vector.broadcast %max3A_1165 : f32 to vector<65x512xf32>
    %max3A_1167 = arith.maximumf %add3A_1164, %max3A_1166 : vector<65x512xf32>
    %convert_element_type3A_1168 = arith.truncf %max3A_1167 : vector<65x512xf32> to vector<65x512xbf16>
    %dot_general3A_1169 = arith.constant dense<0.000000e+00> : vector<65x16xf32>
    %dot_general3A_1170 = tpu.matmul %convert_element_type3A_1168, %convert_element_type3A, %dot_general3A_1169 {dimension_numbers = #tpu.dot_dimension_numbers<[1], [0], [0], [1], [0, 0, 1, 1], [], []>, transpose_lhs_hint = false} : vector<65x512xbf16>, vector<512x16xbf16>, vector<65x16xf32> -> vector<65x16xf32>
    %add3A_1171 = vector.broadcast %get3A_39 : vector<1x16xf32> to vector<65x16xf32>
    %add3A_1172 = arith.addf %dot_general3A_1170, %add3A_1171 : vector<65x16xf32>
    %slice3A_1173 = vector.extract_strided_slice %add3A_1172 {offsets = [0, 0], sizes = [65, 13], strides = [1, 1]} : vector<65x16xf32> to vector<65x13xf32>
    %swap3A_1174 = arith.constant 0 : index
    %swap3A_1175 = arith.constant 2925 : index
    %swap3A_1176 = arith.constant 0 : index
    %swap3A_1177 = vector.load %arg9[%swap3A_1174, %swap3A_1175, %swap3A_1176] : memref<1x4224x13xf32, #tpu.memory_space<vmem>>, vector<1x65x13xf32>
    %swap3A_1178 = vector.shape_cast %swap3A_1177 : vector<1x65x13xf32> to vector<65x13xf32>
    %swap3A_1179 = vector.shape_cast %slice3A_1173 : vector<65x13xf32> to vector<1x65x13xf32>
    tpu.vector_store %arg9[%swap3A_1174, %swap3A_1175, %swap3A_1176], %swap3A_1179 {strides = array<i32>} : memref<1x4224x13xf32, #tpu.memory_space<vmem>>, vector<1x65x13xf32>,
    %slice3A_1180 = vector.extract_strided_slice %add3A_1172 {offsets = [0, 13], sizes = [65, 3], strides = [1, 1]} : vector<65x16xf32> to vector<65x3xf32>
    %swap3A_1181 = arith.constant 0 : index
    %swap3A_1182 = arith.constant 2925 : index
    %swap3A_1183 = arith.constant 0 : index
    %swap3A_1184 = vector.load %arg10[%swap3A_1181, %swap3A_1182, %swap3A_1183] : memref<1x4224x3xf32, #tpu.memory_space<vmem>>, vector<1x65x3xf32>
    %swap3A_1185 = vector.shape_cast %swap3A_1184 : vector<1x65x3xf32> to vector<65x3xf32>
    %swap3A_1186 = vector.shape_cast %slice3A_1180 : vector<65x3xf32> to vector<1x65x3xf32>
    tpu.vector_store %arg10[%swap3A_1181, %swap3A_1182, %swap3A_1183], %swap3A_1186 {strides = array<i32>} : memref<1x4224x3xf32, #tpu.memory_space<vmem>>, vector<1x65x3xf32>,
    %slice3A_1187 = vector.extract_strided_slice %dot_general3A_15 {offsets = [46, 0], sizes = [1, 512], strides = [1, 1]} : vector<64x512xf32> to vector<1x512xf32>
    %add3A_1188 = vector.broadcast %slice3A_1187 : vector<1x512xf32> to vector<65x512xf32>
    %add3A_1189 = arith.addf %add3A_1188, %add3A_33 : vector<65x512xf32>
    %max3A_1190 = arith.constant 0.000000e+00 : f32
    %max3A_1191 = vector.broadcast %max3A_1190 : f32 to vector<65x512xf32>
    %max3A_1192 = arith.maximumf %add3A_1189, %max3A_1191 : vector<65x512xf32>
    %convert_element_type3A_1193 = arith.truncf %max3A_1192 : vector<65x512xf32> to vector<65x512xbf16>
    %dot_general3A_1194 = arith.constant dense<0.000000e+00> : vector<65x16xf32>
    %dot_general3A_1195 = tpu.matmul %convert_element_type3A_1193, %convert_element_type3A, %dot_general3A_1194 {dimension_numbers = #tpu.dot_dimension_numbers<[1], [0], [0], [1], [0, 0, 1, 1], [], []>, transpose_lhs_hint = false} : vector<65x512xbf16>, vector<512x16xbf16>, vector<65x16xf32> -> vector<65x16xf32>
    %add3A_1196 = vector.broadcast %get3A_39 : vector<1x16xf32> to vector<65x16xf32>
    %add3A_1197 = arith.addf %dot_general3A_1195, %add3A_1196 : vector<65x16xf32>
    %slice3A_1198 = vector.extract_strided_slice %add3A_1197 {offsets = [0, 0], sizes = [65, 13], strides = [1, 1]} : vector<65x16xf32> to vector<65x13xf32>
    %swap3A_1199 = arith.constant 0 : index
    %swap3A_1200 = arith.constant 2990 : index
    %swap3A_1201 = arith.constant 0 : index
    %swap3A_1202 = vector.load %arg9[%swap3A_1199, %swap3A_1200, %swap3A_1201] : memref<1x4224x13xf32, #tpu.memory_space<vmem>>, vector<1x65x13xf32>
    %swap3A_1203 = vector.shape_cast %swap3A_1202 : vector<1x65x13xf32> to vector<65x13xf32>
    %swap3A_1204 = vector.shape_cast %slice3A_1198 : vector<65x13xf32> to vector<1x65x13xf32>
    tpu.vector_store %arg9[%swap3A_1199, %swap3A_1200, %swap3A_1201], %swap3A_1204 {strides = array<i32>} : memref<1x4224x13xf32, #tpu.memory_space<vmem>>, vector<1x65x13xf32>,
    %slice3A_1205 = vector.extract_strided_slice %add3A_1197 {offsets = [0, 13], sizes = [65, 3], strides = [1, 1]} : vector<65x16xf32> to vector<65x3xf32>
    %swap3A_1206 = arith.constant 0 : index
    %swap3A_1207 = arith.constant 2990 : index
    %swap3A_1208 = arith.constant 0 : index
    %swap3A_1209 = vector.load %arg10[%swap3A_1206, %swap3A_1207, %swap3A_1208] : memref<1x4224x3xf32, #tpu.memory_space<vmem>>, vector<1x65x3xf32>
    %swap3A_1210 = vector.shape_cast %swap3A_1209 : vector<1x65x3xf32> to vector<65x3xf32>
    %swap3A_1211 = vector.shape_cast %slice3A_1205 : vector<65x3xf32> to vector<1x65x3xf32>
    tpu.vector_store %arg10[%swap3A_1206, %swap3A_1207, %swap3A_1208], %swap3A_1211 {strides = array<i32>} : memref<1x4224x3xf32, #tpu.memory_space<vmem>>, vector<1x65x3xf32>,
    %slice3A_1212 = vector.extract_strided_slice %dot_general3A_15 {offsets = [47, 0], sizes = [1, 512], strides = [1, 1]} : vector<64x512xf32> to vector<1x512xf32>
    %add3A_1213 = vector.broadcast %slice3A_1212 : vector<1x512xf32> to vector<65x512xf32>
    %add3A_1214 = arith.addf %add3A_1213, %add3A_33 : vector<65x512xf32>
    %max3A_1215 = arith.constant 0.000000e+00 : f32
    %max3A_1216 = vector.broadcast %max3A_1215 : f32 to vector<65x512xf32>
    %max3A_1217 = arith.maximumf %add3A_1214, %max3A_1216 : vector<65x512xf32>
    %convert_element_type3A_1218 = arith.truncf %max3A_1217 : vector<65x512xf32> to vector<65x512xbf16>
    %dot_general3A_1219 = arith.constant dense<0.000000e+00> : vector<65x16xf32>
    %dot_general3A_1220 = tpu.matmul %convert_element_type3A_1218, %convert_element_type3A, %dot_general3A_1219 {dimension_numbers = #tpu.dot_dimension_numbers<[1], [0], [0], [1], [0, 0, 1, 1], [], []>, transpose_lhs_hint = false} : vector<65x512xbf16>, vector<512x16xbf16>, vector<65x16xf32> -> vector<65x16xf32>
    %add3A_1221 = vector.broadcast %get3A_39 : vector<1x16xf32> to vector<65x16xf32>
    %add3A_1222 = arith.addf %dot_general3A_1220, %add3A_1221 : vector<65x16xf32>
    %slice3A_1223 = vector.extract_strided_slice %add3A_1222 {offsets = [0, 0], sizes = [65, 13], strides = [1, 1]} : vector<65x16xf32> to vector<65x13xf32>
    %swap3A_1224 = arith.constant 0 : index
    %swap3A_1225 = arith.constant 3055 : index
    %swap3A_1226 = arith.constant 0 : index
    %swap3A_1227 = vector.load %arg9[%swap3A_1224, %swap3A_1225, %swap3A_1226] : memref<1x4224x13xf32, #tpu.memory_space<vmem>>, vector<1x65x13xf32>
    %swap3A_1228 = vector.shape_cast %swap3A_1227 : vector<1x65x13xf32> to vector<65x13xf32>
    %swap3A_1229 = vector.shape_cast %slice3A_1223 : vector<65x13xf32> to vector<1x65x13xf32>
    tpu.vector_store %arg9[%swap3A_1224, %swap3A_1225, %swap3A_1226], %swap3A_1229 {strides = array<i32>} : memref<1x4224x13xf32, #tpu.memory_space<vmem>>, vector<1x65x13xf32>,
    %slice3A_1230 = vector.extract_strided_slice %add3A_1222 {offsets = [0, 13], sizes = [65, 3], strides = [1, 1]} : vector<65x16xf32> to vector<65x3xf32>
    %swap3A_1231 = arith.constant 0 : index
    %swap3A_1232 = arith.constant 3055 : index
    %swap3A_1233 = arith.constant 0 : index
    %swap3A_1234 = vector.load %arg10[%swap3A_1231, %swap3A_1232, %swap3A_1233] : memref<1x4224x3xf32, #tpu.memory_space<vmem>>, vector<1x65x3xf32>
    %swap3A_1235 = vector.shape_cast %swap3A_1234 : vector<1x65x3xf32> to vector<65x3xf32>
    %swap3A_1236 = vector.shape_cast %slice3A_1230 : vector<65x3xf32> to vector<1x65x3xf32>
    tpu.vector_store %arg10[%swap3A_1231, %swap3A_1232, %swap3A_1233], %swap3A_1236 {strides = array<i32>} : memref<1x4224x3xf32, #tpu.memory_space<vmem>>, vector<1x65x3xf32>,
    %slice3A_1237 = vector.extract_strided_slice %dot_general3A_15 {offsets = [48, 0], sizes = [1, 512], strides = [1, 1]} : vector<64x512xf32> to vector<1x512xf32>
    %add3A_1238 = vector.broadcast %slice3A_1237 : vector<1x512xf32> to vector<65x512xf32>
    %add3A_1239 = arith.addf %add3A_1238, %add3A_33 : vector<65x512xf32>
    %max3A_1240 = arith.constant 0.000000e+00 : f32
    %max3A_1241 = vector.broadcast %max3A_1240 : f32 to vector<65x512xf32>
    %max3A_1242 = arith.maximumf %add3A_1239, %max3A_1241 : vector<65x512xf32>
    %convert_element_type3A_1243 = arith.truncf %max3A_1242 : vector<65x512xf32> to vector<65x512xbf16>
    %dot_general3A_1244 = arith.constant dense<0.000000e+00> : vector<65x16xf32>
    %dot_general3A_1245 = tpu.matmul %convert_element_type3A_1243, %convert_element_type3A, %dot_general3A_1244 {dimension_numbers = #tpu.dot_dimension_numbers<[1], [0], [0], [1], [0, 0, 1, 1], [], []>, transpose_lhs_hint = false} : vector<65x512xbf16>, vector<512x16xbf16>, vector<65x16xf32> -> vector<65x16xf32>
    %add3A_1246 = vector.broadcast %get3A_39 : vector<1x16xf32> to vector<65x16xf32>
    %add3A_1247 = arith.addf %dot_general3A_1245, %add3A_1246 : vector<65x16xf32>
    %slice3A_1248 = vector.extract_strided_slice %add3A_1247 {offsets = [0, 0], sizes = [65, 13], strides = [1, 1]} : vector<65x16xf32> to vector<65x13xf32>
    %swap3A_1249 = arith.constant 0 : index
    %swap3A_1250 = arith.constant 3120 : index
    %swap3A_1251 = arith.constant 0 : index
    %swap3A_1252 = vector.load %arg9[%swap3A_1249, %swap3A_1250, %swap3A_1251] : memref<1x4224x13xf32, #tpu.memory_space<vmem>>, vector<1x65x13xf32>
    %swap3A_1253 = vector.shape_cast %swap3A_1252 : vector<1x65x13xf32> to vector<65x13xf32>
    %swap3A_1254 = vector.shape_cast %slice3A_1248 : vector<65x13xf32> to vector<1x65x13xf32>
    tpu.vector_store %arg9[%swap3A_1249, %swap3A_1250, %swap3A_1251], %swap3A_1254 {strides = array<i32>} : memref<1x4224x13xf32, #tpu.memory_space<vmem>>, vector<1x65x13xf32>,
    %slice3A_1255 = vector.extract_strided_slice %add3A_1247 {offsets = [0, 13], sizes = [65, 3], strides = [1, 1]} : vector<65x16xf32> to vector<65x3xf32>
    %swap3A_1256 = arith.constant 0 : index
    %swap3A_1257 = arith.constant 3120 : index
    %swap3A_1258 = arith.constant 0 : index
    %swap3A_1259 = vector.load %arg10[%swap3A_1256, %swap3A_1257, %swap3A_1258] : memref<1x4224x3xf32, #tpu.memory_space<vmem>>, vector<1x65x3xf32>
    %swap3A_1260 = vector.shape_cast %swap3A_1259 : vector<1x65x3xf32> to vector<65x3xf32>
    %swap3A_1261 = vector.shape_cast %slice3A_1255 : vector<65x3xf32> to vector<1x65x3xf32>
    tpu.vector_store %arg10[%swap3A_1256, %swap3A_1257, %swap3A_1258], %swap3A_1261 {strides = array<i32>} : memref<1x4224x3xf32, #tpu.memory_space<vmem>>, vector<1x65x3xf32>,
    %slice3A_1262 = vector.extract_strided_slice %dot_general3A_15 {offsets = [49, 0], sizes = [1, 512], strides = [1, 1]} : vector<64x512xf32> to vector<1x512xf32>
    %add3A_1263 = vector.broadcast %slice3A_1262 : vector<1x512xf32> to vector<65x512xf32>
    %add3A_1264 = arith.addf %add3A_1263, %add3A_33 : vector<65x512xf32>
    %max3A_1265 = arith.constant 0.000000e+00 : f32
    %max3A_1266 = vector.broadcast %max3A_1265 : f32 to vector<65x512xf32>
    %max3A_1267 = arith.maximumf %add3A_1264, %max3A_1266 : vector<65x512xf32>
    %convert_element_type3A_1268 = arith.truncf %max3A_1267 : vector<65x512xf32> to vector<65x512xbf16>
    %dot_general3A_1269 = arith.constant dense<0.000000e+00> : vector<65x16xf32>
    %dot_general3A_1270 = tpu.matmul %convert_element_type3A_1268, %convert_element_type3A, %dot_general3A_1269 {dimension_numbers = #tpu.dot_dimension_numbers<[1], [0], [0], [1], [0, 0, 1, 1], [], []>, transpose_lhs_hint = false} : vector<65x512xbf16>, vector<512x16xbf16>, vector<65x16xf32> -> vector<65x16xf32>
    %add3A_1271 = vector.broadcast %get3A_39 : vector<1x16xf32> to vector<65x16xf32>
    %add3A_1272 = arith.addf %dot_general3A_1270, %add3A_1271 : vector<65x16xf32>
    %slice3A_1273 = vector.extract_strided_slice %add3A_1272 {offsets = [0, 0], sizes = [65, 13], strides = [1, 1]} : vector<65x16xf32> to vector<65x13xf32>
    %swap3A_1274 = arith.constant 0 : index
    %swap3A_1275 = arith.constant 3185 : index
    %swap3A_1276 = arith.constant 0 : index
    %swap3A_1277 = vector.load %arg9[%swap3A_1274, %swap3A_1275, %swap3A_1276] : memref<1x4224x13xf32, #tpu.memory_space<vmem>>, vector<1x65x13xf32>
    %swap3A_1278 = vector.shape_cast %swap3A_1277 : vector<1x65x13xf32> to vector<65x13xf32>
    %swap3A_1279 = vector.shape_cast %slice3A_1273 : vector<65x13xf32> to vector<1x65x13xf32>
    tpu.vector_store %arg9[%swap3A_1274, %swap3A_1275, %swap3A_1276], %swap3A_1279 {strides = array<i32>} : memref<1x4224x13xf32, #tpu.memory_space<vmem>>, vector<1x65x13xf32>,
    %slice3A_1280 = vector.extract_strided_slice %add3A_1272 {offsets = [0, 13], sizes = [65, 3], strides = [1, 1]} : vector<65x16xf32> to vector<65x3xf32>
    %swap3A_1281 = arith.constant 0 : index
    %swap3A_1282 = arith.constant 3185 : index
    %swap3A_1283 = arith.constant 0 : index
    %swap3A_1284 = vector.load %arg10[%swap3A_1281, %swap3A_1282, %swap3A_1283] : memref<1x4224x3xf32, #tpu.memory_space<vmem>>, vector<1x65x3xf32>
    %swap3A_1285 = vector.shape_cast %swap3A_1284 : vector<1x65x3xf32> to vector<65x3xf32>
    %swap3A_1286 = vector.shape_cast %slice3A_1280 : vector<65x3xf32> to vector<1x65x3xf32>
    tpu.vector_store %arg10[%swap3A_1281, %swap3A_1282, %swap3A_1283], %swap3A_1286 {strides = array<i32>} : memref<1x4224x3xf32, #tpu.memory_space<vmem>>, vector<1x65x3xf32>,
    %slice3A_1287 = vector.extract_strided_slice %dot_general3A_15 {offsets = [50, 0], sizes = [1, 512], strides = [1, 1]} : vector<64x512xf32> to vector<1x512xf32>
    %add3A_1288 = vector.broadcast %slice3A_1287 : vector<1x512xf32> to vector<65x512xf32>
    %add3A_1289 = arith.addf %add3A_1288, %add3A_33 : vector<65x512xf32>
    %max3A_1290 = arith.constant 0.000000e+00 : f32
    %max3A_1291 = vector.broadcast %max3A_1290 : f32 to vector<65x512xf32>
    %max3A_1292 = arith.maximumf %add3A_1289, %max3A_1291 : vector<65x512xf32>
    %convert_element_type3A_1293 = arith.truncf %max3A_1292 : vector<65x512xf32> to vector<65x512xbf16>
    %dot_general3A_1294 = arith.constant dense<0.000000e+00> : vector<65x16xf32>
    %dot_general3A_1295 = tpu.matmul %convert_element_type3A_1293, %convert_element_type3A, %dot_general3A_1294 {dimension_numbers = #tpu.dot_dimension_numbers<[1], [0], [0], [1], [0, 0, 1, 1], [], []>, transpose_lhs_hint = false} : vector<65x512xbf16>, vector<512x16xbf16>, vector<65x16xf32> -> vector<65x16xf32>
    %add3A_1296 = vector.broadcast %get3A_39 : vector<1x16xf32> to vector<65x16xf32>
    %add3A_1297 = arith.addf %dot_general3A_1295, %add3A_1296 : vector<65x16xf32>
    %slice3A_1298 = vector.extract_strided_slice %add3A_1297 {offsets = [0, 0], sizes = [65, 13], strides = [1, 1]} : vector<65x16xf32> to vector<65x13xf32>
    %swap3A_1299 = arith.constant 0 : index
    %swap3A_1300 = arith.constant 3250 : index
    %swap3A_1301 = arith.constant 0 : index
    %swap3A_1302 = vector.load %arg9[%swap3A_1299, %swap3A_1300, %swap3A_1301] : memref<1x4224x13xf32, #tpu.memory_space<vmem>>, vector<1x65x13xf32>
    %swap3A_1303 = vector.shape_cast %swap3A_1302 : vector<1x65x13xf32> to vector<65x13xf32>
    %swap3A_1304 = vector.shape_cast %slice3A_1298 : vector<65x13xf32> to vector<1x65x13xf32>
    tpu.vector_store %arg9[%swap3A_1299, %swap3A_1300, %swap3A_1301], %swap3A_1304 {strides = array<i32>} : memref<1x4224x13xf32, #tpu.memory_space<vmem>>, vector<1x65x13xf32>,
    %slice3A_1305 = vector.extract_strided_slice %add3A_1297 {offsets = [0, 13], sizes = [65, 3], strides = [1, 1]} : vector<65x16xf32> to vector<65x3xf32>
    %swap3A_1306 = arith.constant 0 : index
    %swap3A_1307 = arith.constant 3250 : index
    %swap3A_1308 = arith.constant 0 : index
    %swap3A_1309 = vector.load %arg10[%swap3A_1306, %swap3A_1307, %swap3A_1308] : memref<1x4224x3xf32, #tpu.memory_space<vmem>>, vector<1x65x3xf32>
    %swap3A_1310 = vector.shape_cast %swap3A_1309 : vector<1x65x3xf32> to vector<65x3xf32>
    %swap3A_1311 = vector.shape_cast %slice3A_1305 : vector<65x3xf32> to vector<1x65x3xf32>
    tpu.vector_store %arg10[%swap3A_1306, %swap3A_1307, %swap3A_1308], %swap3A_1311 {strides = array<i32>} : memref<1x4224x3xf32, #tpu.memory_space<vmem>>, vector<1x65x3xf32>,
    %slice3A_1312 = vector.extract_strided_slice %dot_general3A_15 {offsets = [51, 0], sizes = [1, 512], strides = [1, 1]} : vector<64x512xf32> to vector<1x512xf32>
    %add3A_1313 = vector.broadcast %slice3A_1312 : vector<1x512xf32> to vector<65x512xf32>
    %add3A_1314 = arith.addf %add3A_1313, %add3A_33 : vector<65x512xf32>
    %max3A_1315 = arith.constant 0.000000e+00 : f32
    %max3A_1316 = vector.broadcast %max3A_1315 : f32 to vector<65x512xf32>
    %max3A_1317 = arith.maximumf %add3A_1314, %max3A_1316 : vector<65x512xf32>
    %convert_element_type3A_1318 = arith.truncf %max3A_1317 : vector<65x512xf32> to vector<65x512xbf16>
    %dot_general3A_1319 = arith.constant dense<0.000000e+00> : vector<65x16xf32>
    %dot_general3A_1320 = tpu.matmul %convert_element_type3A_1318, %convert_element_type3A, %dot_general3A_1319 {dimension_numbers = #tpu.dot_dimension_numbers<[1], [0], [0], [1], [0, 0, 1, 1], [], []>, transpose_lhs_hint = false} : vector<65x512xbf16>, vector<512x16xbf16>, vector<65x16xf32> -> vector<65x16xf32>
    %add3A_1321 = vector.broadcast %get3A_39 : vector<1x16xf32> to vector<65x16xf32>
    %add3A_1322 = arith.addf %dot_general3A_1320, %add3A_1321 : vector<65x16xf32>
    %slice3A_1323 = vector.extract_strided_slice %add3A_1322 {offsets = [0, 0], sizes = [65, 13], strides = [1, 1]} : vector<65x16xf32> to vector<65x13xf32>
    %swap3A_1324 = arith.constant 0 : index
    %swap3A_1325 = arith.constant 3315 : index
    %swap3A_1326 = arith.constant 0 : index
    %swap3A_1327 = vector.load %arg9[%swap3A_1324, %swap3A_1325, %swap3A_1326] : memref<1x4224x13xf32, #tpu.memory_space<vmem>>, vector<1x65x13xf32>
    %swap3A_1328 = vector.shape_cast %swap3A_1327 : vector<1x65x13xf32> to vector<65x13xf32>
    %swap3A_1329 = vector.shape_cast %slice3A_1323 : vector<65x13xf32> to vector<1x65x13xf32>
    tpu.vector_store %arg9[%swap3A_1324, %swap3A_1325, %swap3A_1326], %swap3A_1329 {strides = array<i32>} : memref<1x4224x13xf32, #tpu.memory_space<vmem>>, vector<1x65x13xf32>,
    %slice3A_1330 = vector.extract_strided_slice %add3A_1322 {offsets = [0, 13], sizes = [65, 3], strides = [1, 1]} : vector<65x16xf32> to vector<65x3xf32>
    %swap3A_1331 = arith.constant 0 : index
    %swap3A_1332 = arith.constant 3315 : index
    %swap3A_1333 = arith.constant 0 : index
    %swap3A_1334 = vector.load %arg10[%swap3A_1331, %swap3A_1332, %swap3A_1333] : memref<1x4224x3xf32, #tpu.memory_space<vmem>>, vector<1x65x3xf32>
    %swap3A_1335 = vector.shape_cast %swap3A_1334 : vector<1x65x3xf32> to vector<65x3xf32>
    %swap3A_1336 = vector.shape_cast %slice3A_1330 : vector<65x3xf32> to vector<1x65x3xf32>
    tpu.vector_store %arg10[%swap3A_1331, %swap3A_1332, %swap3A_1333], %swap3A_1336 {strides = array<i32>} : memref<1x4224x3xf32, #tpu.memory_space<vmem>>, vector<1x65x3xf32>,
    %slice3A_1337 = vector.extract_strided_slice %dot_general3A_15 {offsets = [52, 0], sizes = [1, 512], strides = [1, 1]} : vector<64x512xf32> to vector<1x512xf32>
    %add3A_1338 = vector.broadcast %slice3A_1337 : vector<1x512xf32> to vector<65x512xf32>
    %add3A_1339 = arith.addf %add3A_1338, %add3A_33 : vector<65x512xf32>
    %max3A_1340 = arith.constant 0.000000e+00 : f32
    %max3A_1341 = vector.broadcast %max3A_1340 : f32 to vector<65x512xf32>
    %max3A_1342 = arith.maximumf %add3A_1339, %max3A_1341 : vector<65x512xf32>
    %convert_element_type3A_1343 = arith.truncf %max3A_1342 : vector<65x512xf32> to vector<65x512xbf16>
    %dot_general3A_1344 = arith.constant dense<0.000000e+00> : vector<65x16xf32>
    %dot_general3A_1345 = tpu.matmul %convert_element_type3A_1343, %convert_element_type3A, %dot_general3A_1344 {dimension_numbers = #tpu.dot_dimension_numbers<[1], [0], [0], [1], [0, 0, 1, 1], [], []>, transpose_lhs_hint = false} : vector<65x512xbf16>, vector<512x16xbf16>, vector<65x16xf32> -> vector<65x16xf32>
    %add3A_1346 = vector.broadcast %get3A_39 : vector<1x16xf32> to vector<65x16xf32>
    %add3A_1347 = arith.addf %dot_general3A_1345, %add3A_1346 : vector<65x16xf32>
    %slice3A_1348 = vector.extract_strided_slice %add3A_1347 {offsets = [0, 0], sizes = [65, 13], strides = [1, 1]} : vector<65x16xf32> to vector<65x13xf32>
    %swap3A_1349 = arith.constant 0 : index
    %swap3A_1350 = arith.constant 3380 : index
    %swap3A_1351 = arith.constant 0 : index
    %swap3A_1352 = vector.load %arg9[%swap3A_1349, %swap3A_1350, %swap3A_1351] : memref<1x4224x13xf32, #tpu.memory_space<vmem>>, vector<1x65x13xf32>
    %swap3A_1353 = vector.shape_cast %swap3A_1352 : vector<1x65x13xf32> to vector<65x13xf32>
    %swap3A_1354 = vector.shape_cast %slice3A_1348 : vector<65x13xf32> to vector<1x65x13xf32>
    tpu.vector_store %arg9[%swap3A_1349, %swap3A_1350, %swap3A_1351], %swap3A_1354 {strides = array<i32>} : memref<1x4224x13xf32, #tpu.memory_space<vmem>>, vector<1x65x13xf32>,
    %slice3A_1355 = vector.extract_strided_slice %add3A_1347 {offsets = [0, 13], sizes = [65, 3], strides = [1, 1]} : vector<65x16xf32> to vector<65x3xf32>
    %swap3A_1356 = arith.constant 0 : index
    %swap3A_1357 = arith.constant 3380 : index
    %swap3A_1358 = arith.constant 0 : index
    %swap3A_1359 = vector.load %arg10[%swap3A_1356, %swap3A_1357, %swap3A_1358] : memref<1x4224x3xf32, #tpu.memory_space<vmem>>, vector<1x65x3xf32>
    %swap3A_1360 = vector.shape_cast %swap3A_1359 : vector<1x65x3xf32> to vector<65x3xf32>
    %swap3A_1361 = vector.shape_cast %slice3A_1355 : vector<65x3xf32> to vector<1x65x3xf32>
    tpu.vector_store %arg10[%swap3A_1356, %swap3A_1357, %swap3A_1358], %swap3A_1361 {strides = array<i32>} : memref<1x4224x3xf32, #tpu.memory_space<vmem>>, vector<1x65x3xf32>,
    %slice3A_1362 = vector.extract_strided_slice %dot_general3A_15 {offsets = [53, 0], sizes = [1, 512], strides = [1, 1]} : vector<64x512xf32> to vector<1x512xf32>
    %add3A_1363 = vector.broadcast %slice3A_1362 : vector<1x512xf32> to vector<65x512xf32>
    %add3A_1364 = arith.addf %add3A_1363, %add3A_33 : vector<65x512xf32>
    %max3A_1365 = arith.constant 0.000000e+00 : f32
    %max3A_1366 = vector.broadcast %max3A_1365 : f32 to vector<65x512xf32>
    %max3A_1367 = arith.maximumf %add3A_1364, %max3A_1366 : vector<65x512xf32>
    %convert_element_type3A_1368 = arith.truncf %max3A_1367 : vector<65x512xf32> to vector<65x512xbf16>
    %dot_general3A_1369 = arith.constant dense<0.000000e+00> : vector<65x16xf32>
    %dot_general3A_1370 = tpu.matmul %convert_element_type3A_1368, %convert_element_type3A, %dot_general3A_1369 {dimension_numbers = #tpu.dot_dimension_numbers<[1], [0], [0], [1], [0, 0, 1, 1], [], []>, transpose_lhs_hint = false} : vector<65x512xbf16>, vector<512x16xbf16>, vector<65x16xf32> -> vector<65x16xf32>
    %add3A_1371 = vector.broadcast %get3A_39 : vector<1x16xf32> to vector<65x16xf32>
    %add3A_1372 = arith.addf %dot_general3A_1370, %add3A_1371 : vector<65x16xf32>
    %slice3A_1373 = vector.extract_strided_slice %add3A_1372 {offsets = [0, 0], sizes = [65, 13], strides = [1, 1]} : vector<65x16xf32> to vector<65x13xf32>
    %swap3A_1374 = arith.constant 0 : index
    %swap3A_1375 = arith.constant 3445 : index
    %swap3A_1376 = arith.constant 0 : index
    %swap3A_1377 = vector.load %arg9[%swap3A_1374, %swap3A_1375, %swap3A_1376] : memref<1x4224x13xf32, #tpu.memory_space<vmem>>, vector<1x65x13xf32>
    %swap3A_1378 = vector.shape_cast %swap3A_1377 : vector<1x65x13xf32> to vector<65x13xf32>
    %swap3A_1379 = vector.shape_cast %slice3A_1373 : vector<65x13xf32> to vector<1x65x13xf32>
    tpu.vector_store %arg9[%swap3A_1374, %swap3A_1375, %swap3A_1376], %swap3A_1379 {strides = array<i32>} : memref<1x4224x13xf32, #tpu.memory_space<vmem>>, vector<1x65x13xf32>,
    %slice3A_1380 = vector.extract_strided_slice %add3A_1372 {offsets = [0, 13], sizes = [65, 3], strides = [1, 1]} : vector<65x16xf32> to vector<65x3xf32>
    %swap3A_1381 = arith.constant 0 : index
    %swap3A_1382 = arith.constant 3445 : index
    %swap3A_1383 = arith.constant 0 : index
    %swap3A_1384 = vector.load %arg10[%swap3A_1381, %swap3A_1382, %swap3A_1383] : memref<1x4224x3xf32, #tpu.memory_space<vmem>>, vector<1x65x3xf32>
    %swap3A_1385 = vector.shape_cast %swap3A_1384 : vector<1x65x3xf32> to vector<65x3xf32>
    %swap3A_1386 = vector.shape_cast %slice3A_1380 : vector<65x3xf32> to vector<1x65x3xf32>
    tpu.vector_store %arg10[%swap3A_1381, %swap3A_1382, %swap3A_1383], %swap3A_1386 {strides = array<i32>} : memref<1x4224x3xf32, #tpu.memory_space<vmem>>, vector<1x65x3xf32>,
    %slice3A_1387 = vector.extract_strided_slice %dot_general3A_15 {offsets = [54, 0], sizes = [1, 512], strides = [1, 1]} : vector<64x512xf32> to vector<1x512xf32>
    %add3A_1388 = vector.broadcast %slice3A_1387 : vector<1x512xf32> to vector<65x512xf32>
    %add3A_1389 = arith.addf %add3A_1388, %add3A_33 : vector<65x512xf32>
    %max3A_1390 = arith.constant 0.000000e+00 : f32
    %max3A_1391 = vector.broadcast %max3A_1390 : f32 to vector<65x512xf32>
    %max3A_1392 = arith.maximumf %add3A_1389, %max3A_1391 : vector<65x512xf32>
    %convert_element_type3A_1393 = arith.truncf %max3A_1392 : vector<65x512xf32> to vector<65x512xbf16>
    %dot_general3A_1394 = arith.constant dense<0.000000e+00> : vector<65x16xf32>
    %dot_general3A_1395 = tpu.matmul %convert_element_type3A_1393, %convert_element_type3A, %dot_general3A_1394 {dimension_numbers = #tpu.dot_dimension_numbers<[1], [0], [0], [1], [0, 0, 1, 1], [], []>, transpose_lhs_hint = false} : vector<65x512xbf16>, vector<512x16xbf16>, vector<65x16xf32> -> vector<65x16xf32>
    %add3A_1396 = vector.broadcast %get3A_39 : vector<1x16xf32> to vector<65x16xf32>
    %add3A_1397 = arith.addf %dot_general3A_1395, %add3A_1396 : vector<65x16xf32>
    %slice3A_1398 = vector.extract_strided_slice %add3A_1397 {offsets = [0, 0], sizes = [65, 13], strides = [1, 1]} : vector<65x16xf32> to vector<65x13xf32>
    %swap3A_1399 = arith.constant 0 : index
    %swap3A_1400 = arith.constant 3510 : index
    %swap3A_1401 = arith.constant 0 : index
    %swap3A_1402 = vector.load %arg9[%swap3A_1399, %swap3A_1400, %swap3A_1401] : memref<1x4224x13xf32, #tpu.memory_space<vmem>>, vector<1x65x13xf32>
    %swap3A_1403 = vector.shape_cast %swap3A_1402 : vector<1x65x13xf32> to vector<65x13xf32>
    %swap3A_1404 = vector.shape_cast %slice3A_1398 : vector<65x13xf32> to vector<1x65x13xf32>
    tpu.vector_store %arg9[%swap3A_1399, %swap3A_1400, %swap3A_1401], %swap3A_1404 {strides = array<i32>} : memref<1x4224x13xf32, #tpu.memory_space<vmem>>, vector<1x65x13xf32>,
    %slice3A_1405 = vector.extract_strided_slice %add3A_1397 {offsets = [0, 13], sizes = [65, 3], strides = [1, 1]} : vector<65x16xf32> to vector<65x3xf32>
    %swap3A_1406 = arith.constant 0 : index
    %swap3A_1407 = arith.constant 3510 : index
    %swap3A_1408 = arith.constant 0 : index
    %swap3A_1409 = vector.load %arg10[%swap3A_1406, %swap3A_1407, %swap3A_1408] : memref<1x4224x3xf32, #tpu.memory_space<vmem>>, vector<1x65x3xf32>
    %swap3A_1410 = vector.shape_cast %swap3A_1409 : vector<1x65x3xf32> to vector<65x3xf32>
    %swap3A_1411 = vector.shape_cast %slice3A_1405 : vector<65x3xf32> to vector<1x65x3xf32>
    tpu.vector_store %arg10[%swap3A_1406, %swap3A_1407, %swap3A_1408], %swap3A_1411 {strides = array<i32>} : memref<1x4224x3xf32, #tpu.memory_space<vmem>>, vector<1x65x3xf32>,
    %slice3A_1412 = vector.extract_strided_slice %dot_general3A_15 {offsets = [55, 0], sizes = [1, 512], strides = [1, 1]} : vector<64x512xf32> to vector<1x512xf32>
    %add3A_1413 = vector.broadcast %slice3A_1412 : vector<1x512xf32> to vector<65x512xf32>
    %add3A_1414 = arith.addf %add3A_1413, %add3A_33 : vector<65x512xf32>
    %max3A_1415 = arith.constant 0.000000e+00 : f32
    %max3A_1416 = vector.broadcast %max3A_1415 : f32 to vector<65x512xf32>
    %max3A_1417 = arith.maximumf %add3A_1414, %max3A_1416 : vector<65x512xf32>
    %convert_element_type3A_1418 = arith.truncf %max3A_1417 : vector<65x512xf32> to vector<65x512xbf16>
    %dot_general3A_1419 = arith.constant dense<0.000000e+00> : vector<65x16xf32>
    %dot_general3A_1420 = tpu.matmul %convert_element_type3A_1418, %convert_element_type3A, %dot_general3A_1419 {dimension_numbers = #tpu.dot_dimension_numbers<[1], [0], [0], [1], [0, 0, 1, 1], [], []>, transpose_lhs_hint = false} : vector<65x512xbf16>, vector<512x16xbf16>, vector<65x16xf32> -> vector<65x16xf32>
    %add3A_1421 = vector.broadcast %get3A_39 : vector<1x16xf32> to vector<65x16xf32>
    %add3A_1422 = arith.addf %dot_general3A_1420, %add3A_1421 : vector<65x16xf32>
    %slice3A_1423 = vector.extract_strided_slice %add3A_1422 {offsets = [0, 0], sizes = [65, 13], strides = [1, 1]} : vector<65x16xf32> to vector<65x13xf32>
    %swap3A_1424 = arith.constant 0 : index
    %swap3A_1425 = arith.constant 3575 : index
    %swap3A_1426 = arith.constant 0 : index
    %swap3A_1427 = vector.load %arg9[%swap3A_1424, %swap3A_1425, %swap3A_1426] : memref<1x4224x13xf32, #tpu.memory_space<vmem>>, vector<1x65x13xf32>
    %swap3A_1428 = vector.shape_cast %swap3A_1427 : vector<1x65x13xf32> to vector<65x13xf32>
    %swap3A_1429 = vector.shape_cast %slice3A_1423 : vector<65x13xf32> to vector<1x65x13xf32>
    tpu.vector_store %arg9[%swap3A_1424, %swap3A_1425, %swap3A_1426], %swap3A_1429 {strides = array<i32>} : memref<1x4224x13xf32, #tpu.memory_space<vmem>>, vector<1x65x13xf32>,
    %slice3A_1430 = vector.extract_strided_slice %add3A_1422 {offsets = [0, 13], sizes = [65, 3], strides = [1, 1]} : vector<65x16xf32> to vector<65x3xf32>
    %swap3A_1431 = arith.constant 0 : index
    %swap3A_1432 = arith.constant 3575 : index
    %swap3A_1433 = arith.constant 0 : index
    %swap3A_1434 = vector.load %arg10[%swap3A_1431, %swap3A_1432, %swap3A_1433] : memref<1x4224x3xf32, #tpu.memory_space<vmem>>, vector<1x65x3xf32>
    %swap3A_1435 = vector.shape_cast %swap3A_1434 : vector<1x65x3xf32> to vector<65x3xf32>
    %swap3A_1436 = vector.shape_cast %slice3A_1430 : vector<65x3xf32> to vector<1x65x3xf32>
    tpu.vector_store %arg10[%swap3A_1431, %swap3A_1432, %swap3A_1433], %swap3A_1436 {strides = array<i32>} : memref<1x4224x3xf32, #tpu.memory_space<vmem>>, vector<1x65x3xf32>,
    %slice3A_1437 = vector.extract_strided_slice %dot_general3A_15 {offsets = [56, 0], sizes = [1, 512], strides = [1, 1]} : vector<64x512xf32> to vector<1x512xf32>
    %add3A_1438 = vector.broadcast %slice3A_1437 : vector<1x512xf32> to vector<65x512xf32>
    %add3A_1439 = arith.addf %add3A_1438, %add3A_33 : vector<65x512xf32>
    %max3A_1440 = arith.constant 0.000000e+00 : f32
    %max3A_1441 = vector.broadcast %max3A_1440 : f32 to vector<65x512xf32>
    %max3A_1442 = arith.maximumf %add3A_1439, %max3A_1441 : vector<65x512xf32>
    %convert_element_type3A_1443 = arith.truncf %max3A_1442 : vector<65x512xf32> to vector<65x512xbf16>
    %dot_general3A_1444 = arith.constant dense<0.000000e+00> : vector<65x16xf32>
    %dot_general3A_1445 = tpu.matmul %convert_element_type3A_1443, %convert_element_type3A, %dot_general3A_1444 {dimension_numbers = #tpu.dot_dimension_numbers<[1], [0], [0], [1], [0, 0, 1, 1], [], []>, transpose_lhs_hint = false} : vector<65x512xbf16>, vector<512x16xbf16>, vector<65x16xf32> -> vector<65x16xf32>
    %add3A_1446 = vector.broadcast %get3A_39 : vector<1x16xf32> to vector<65x16xf32>
    %add3A_1447 = arith.addf %dot_general3A_1445, %add3A_1446 : vector<65x16xf32>
    %slice3A_1448 = vector.extract_strided_slice %add3A_1447 {offsets = [0, 0], sizes = [65, 13], strides = [1, 1]} : vector<65x16xf32> to vector<65x13xf32>
    %swap3A_1449 = arith.constant 0 : index
    %swap3A_1450 = arith.constant 3640 : index
    %swap3A_1451 = arith.constant 0 : index
    %swap3A_1452 = vector.load %arg9[%swap3A_1449, %swap3A_1450, %swap3A_1451] : memref<1x4224x13xf32, #tpu.memory_space<vmem>>, vector<1x65x13xf32>
    %swap3A_1453 = vector.shape_cast %swap3A_1452 : vector<1x65x13xf32> to vector<65x13xf32>
    %swap3A_1454 = vector.shape_cast %slice3A_1448 : vector<65x13xf32> to vector<1x65x13xf32>
    tpu.vector_store %arg9[%swap3A_1449, %swap3A_1450, %swap3A_1451], %swap3A_1454 {strides = array<i32>} : memref<1x4224x13xf32, #tpu.memory_space<vmem>>, vector<1x65x13xf32>,
    %slice3A_1455 = vector.extract_strided_slice %add3A_1447 {offsets = [0, 13], sizes = [65, 3], strides = [1, 1]} : vector<65x16xf32> to vector<65x3xf32>
    %swap3A_1456 = arith.constant 0 : index
    %swap3A_1457 = arith.constant 3640 : index
    %swap3A_1458 = arith.constant 0 : index
    %swap3A_1459 = vector.load %arg10[%swap3A_1456, %swap3A_1457, %swap3A_1458] : memref<1x4224x3xf32, #tpu.memory_space<vmem>>, vector<1x65x3xf32>
    %swap3A_1460 = vector.shape_cast %swap3A_1459 : vector<1x65x3xf32> to vector<65x3xf32>
    %swap3A_1461 = vector.shape_cast %slice3A_1455 : vector<65x3xf32> to vector<1x65x3xf32>
    tpu.vector_store %arg10[%swap3A_1456, %swap3A_1457, %swap3A_1458], %swap3A_1461 {strides = array<i32>} : memref<1x4224x3xf32, #tpu.memory_space<vmem>>, vector<1x65x3xf32>,
    %slice3A_1462 = vector.extract_strided_slice %dot_general3A_15 {offsets = [57, 0], sizes = [1, 512], strides = [1, 1]} : vector<64x512xf32> to vector<1x512xf32>
    %add3A_1463 = vector.broadcast %slice3A_1462 : vector<1x512xf32> to vector<65x512xf32>
    %add3A_1464 = arith.addf %add3A_1463, %add3A_33 : vector<65x512xf32>
    %max3A_1465 = arith.constant 0.000000e+00 : f32
    %max3A_1466 = vector.broadcast %max3A_1465 : f32 to vector<65x512xf32>
    %max3A_1467 = arith.maximumf %add3A_1464, %max3A_1466 : vector<65x512xf32>
    %convert_element_type3A_1468 = arith.truncf %max3A_1467 : vector<65x512xf32> to vector<65x512xbf16>
    %dot_general3A_1469 = arith.constant dense<0.000000e+00> : vector<65x16xf32>
    %dot_general3A_1470 = tpu.matmul %convert_element_type3A_1468, %convert_element_type3A, %dot_general3A_1469 {dimension_numbers = #tpu.dot_dimension_numbers<[1], [0], [0], [1], [0, 0, 1, 1], [], []>, transpose_lhs_hint = false} : vector<65x512xbf16>, vector<512x16xbf16>, vector<65x16xf32> -> vector<65x16xf32>
    %add3A_1471 = vector.broadcast %get3A_39 : vector<1x16xf32> to vector<65x16xf32>
    %add3A_1472 = arith.addf %dot_general3A_1470, %add3A_1471 : vector<65x16xf32>
    %slice3A_1473 = vector.extract_strided_slice %add3A_1472 {offsets = [0, 0], sizes = [65, 13], strides = [1, 1]} : vector<65x16xf32> to vector<65x13xf32>
    %swap3A_1474 = arith.constant 0 : index
    %swap3A_1475 = arith.constant 3705 : index
    %swap3A_1476 = arith.constant 0 : index
    %swap3A_1477 = vector.load %arg9[%swap3A_1474, %swap3A_1475, %swap3A_1476] : memref<1x4224x13xf32, #tpu.memory_space<vmem>>, vector<1x65x13xf32>
    %swap3A_1478 = vector.shape_cast %swap3A_1477 : vector<1x65x13xf32> to vector<65x13xf32>
    %swap3A_1479 = vector.shape_cast %slice3A_1473 : vector<65x13xf32> to vector<1x65x13xf32>
    tpu.vector_store %arg9[%swap3A_1474, %swap3A_1475, %swap3A_1476], %swap3A_1479 {strides = array<i32>} : memref<1x4224x13xf32, #tpu.memory_space<vmem>>, vector<1x65x13xf32>,
    %slice3A_1480 = vector.extract_strided_slice %add3A_1472 {offsets = [0, 13], sizes = [65, 3], strides = [1, 1]} : vector<65x16xf32> to vector<65x3xf32>
    %swap3A_1481 = arith.constant 0 : index
    %swap3A_1482 = arith.constant 3705 : index
    %swap3A_1483 = arith.constant 0 : index
    %swap3A_1484 = vector.load %arg10[%swap3A_1481, %swap3A_1482, %swap3A_1483] : memref<1x4224x3xf32, #tpu.memory_space<vmem>>, vector<1x65x3xf32>
    %swap3A_1485 = vector.shape_cast %swap3A_1484 : vector<1x65x3xf32> to vector<65x3xf32>
    %swap3A_1486 = vector.shape_cast %slice3A_1480 : vector<65x3xf32> to vector<1x65x3xf32>
    tpu.vector_store %arg10[%swap3A_1481, %swap3A_1482, %swap3A_1483], %swap3A_1486 {strides = array<i32>} : memref<1x4224x3xf32, #tpu.memory_space<vmem>>, vector<1x65x3xf32>,
    %slice3A_1487 = vector.extract_strided_slice %dot_general3A_15 {offsets = [58, 0], sizes = [1, 512], strides = [1, 1]} : vector<64x512xf32> to vector<1x512xf32>
    %add3A_1488 = vector.broadcast %slice3A_1487 : vector<1x512xf32> to vector<65x512xf32>
    %add3A_1489 = arith.addf %add3A_1488, %add3A_33 : vector<65x512xf32>
    %max3A_1490 = arith.constant 0.000000e+00 : f32
    %max3A_1491 = vector.broadcast %max3A_1490 : f32 to vector<65x512xf32>
    %max3A_1492 = arith.maximumf %add3A_1489, %max3A_1491 : vector<65x512xf32>
    %convert_element_type3A_1493 = arith.truncf %max3A_1492 : vector<65x512xf32> to vector<65x512xbf16>
    %dot_general3A_1494 = arith.constant dense<0.000000e+00> : vector<65x16xf32>
    %dot_general3A_1495 = tpu.matmul %convert_element_type3A_1493, %convert_element_type3A, %dot_general3A_1494 {dimension_numbers = #tpu.dot_dimension_numbers<[1], [0], [0], [1], [0, 0, 1, 1], [], []>, transpose_lhs_hint = false} : vector<65x512xbf16>, vector<512x16xbf16>, vector<65x16xf32> -> vector<65x16xf32>
    %add3A_1496 = vector.broadcast %get3A_39 : vector<1x16xf32> to vector<65x16xf32>
    %add3A_1497 = arith.addf %dot_general3A_1495, %add3A_1496 : vector<65x16xf32>
    %slice3A_1498 = vector.extract_strided_slice %add3A_1497 {offsets = [0, 0], sizes = [65, 13], strides = [1, 1]} : vector<65x16xf32> to vector<65x13xf32>
    %swap3A_1499 = arith.constant 0 : index
    %swap3A_1500 = arith.constant 3770 : index
    %swap3A_1501 = arith.constant 0 : index
    %swap3A_1502 = vector.load %arg9[%swap3A_1499, %swap3A_1500, %swap3A_1501] : memref<1x4224x13xf32, #tpu.memory_space<vmem>>, vector<1x65x13xf32>
    %swap3A_1503 = vector.shape_cast %swap3A_1502 : vector<1x65x13xf32> to vector<65x13xf32>
    %swap3A_1504 = vector.shape_cast %slice3A_1498 : vector<65x13xf32> to vector<1x65x13xf32>
    tpu.vector_store %arg9[%swap3A_1499, %swap3A_1500, %swap3A_1501], %swap3A_1504 {strides = array<i32>} : memref<1x4224x13xf32, #tpu.memory_space<vmem>>, vector<1x65x13xf32>,
    %slice3A_1505 = vector.extract_strided_slice %add3A_1497 {offsets = [0, 13], sizes = [65, 3], strides = [1, 1]} : vector<65x16xf32> to vector<65x3xf32>
    %swap3A_1506 = arith.constant 0 : index
    %swap3A_1507 = arith.constant 3770 : index
    %swap3A_1508 = arith.constant 0 : index
    %swap3A_1509 = vector.load %arg10[%swap3A_1506, %swap3A_1507, %swap3A_1508] : memref<1x4224x3xf32, #tpu.memory_space<vmem>>, vector<1x65x3xf32>
    %swap3A_1510 = vector.shape_cast %swap3A_1509 : vector<1x65x3xf32> to vector<65x3xf32>
    %swap3A_1511 = vector.shape_cast %slice3A_1505 : vector<65x3xf32> to vector<1x65x3xf32>
    tpu.vector_store %arg10[%swap3A_1506, %swap3A_1507, %swap3A_1508], %swap3A_1511 {strides = array<i32>} : memref<1x4224x3xf32, #tpu.memory_space<vmem>>, vector<1x65x3xf32>,
    %slice3A_1512 = vector.extract_strided_slice %dot_general3A_15 {offsets = [59, 0], sizes = [1, 512], strides = [1, 1]} : vector<64x512xf32> to vector<1x512xf32>
    %add3A_1513 = vector.broadcast %slice3A_1512 : vector<1x512xf32> to vector<65x512xf32>
    %add3A_1514 = arith.addf %add3A_1513, %add3A_33 : vector<65x512xf32>
    %max3A_1515 = arith.constant 0.000000e+00 : f32
    %max3A_1516 = vector.broadcast %max3A_1515 : f32 to vector<65x512xf32>
    %max3A_1517 = arith.maximumf %add3A_1514, %max3A_1516 : vector<65x512xf32>
    %convert_element_type3A_1518 = arith.truncf %max3A_1517 : vector<65x512xf32> to vector<65x512xbf16>
    %dot_general3A_1519 = arith.constant dense<0.000000e+00> : vector<65x16xf32>
    %dot_general3A_1520 = tpu.matmul %convert_element_type3A_1518, %convert_element_type3A, %dot_general3A_1519 {dimension_numbers = #tpu.dot_dimension_numbers<[1], [0], [0], [1], [0, 0, 1, 1], [], []>, transpose_lhs_hint = false} : vector<65x512xbf16>, vector<512x16xbf16>, vector<65x16xf32> -> vector<65x16xf32>
    %add3A_1521 = vector.broadcast %get3A_39 : vector<1x16xf32> to vector<65x16xf32>
    %add3A_1522 = arith.addf %dot_general3A_1520, %add3A_1521 : vector<65x16xf32>
    %slice3A_1523 = vector.extract_strided_slice %add3A_1522 {offsets = [0, 0], sizes = [65, 13], strides = [1, 1]} : vector<65x16xf32> to vector<65x13xf32>
    %swap3A_1524 = arith.constant 0 : index
    %swap3A_1525 = arith.constant 3835 : index
    %swap3A_1526 = arith.constant 0 : index
    %swap3A_1527 = vector.load %arg9[%swap3A_1524, %swap3A_1525, %swap3A_1526] : memref<1x4224x13xf32, #tpu.memory_space<vmem>>, vector<1x65x13xf32>
    %swap3A_1528 = vector.shape_cast %swap3A_1527 : vector<1x65x13xf32> to vector<65x13xf32>
    %swap3A_1529 = vector.shape_cast %slice3A_1523 : vector<65x13xf32> to vector<1x65x13xf32>
    tpu.vector_store %arg9[%swap3A_1524, %swap3A_1525, %swap3A_1526], %swap3A_1529 {strides = array<i32>} : memref<1x4224x13xf32, #tpu.memory_space<vmem>>, vector<1x65x13xf32>,
    %slice3A_1530 = vector.extract_strided_slice %add3A_1522 {offsets = [0, 13], sizes = [65, 3], strides = [1, 1]} : vector<65x16xf32> to vector<65x3xf32>
    %swap3A_1531 = arith.constant 0 : index
    %swap3A_1532 = arith.constant 3835 : index
    %swap3A_1533 = arith.constant 0 : index
    %swap3A_1534 = vector.load %arg10[%swap3A_1531, %swap3A_1532, %swap3A_1533] : memref<1x4224x3xf32, #tpu.memory_space<vmem>>, vector<1x65x3xf32>
    %swap3A_1535 = vector.shape_cast %swap3A_1534 : vector<1x65x3xf32> to vector<65x3xf32>
    %swap3A_1536 = vector.shape_cast %slice3A_1530 : vector<65x3xf32> to vector<1x65x3xf32>
    tpu.vector_store %arg10[%swap3A_1531, %swap3A_1532, %swap3A_1533], %swap3A_1536 {strides = array<i32>} : memref<1x4224x3xf32, #tpu.memory_space<vmem>>, vector<1x65x3xf32>,
    %slice3A_1537 = vector.extract_strided_slice %dot_general3A_15 {offsets = [60, 0], sizes = [1, 512], strides = [1, 1]} : vector<64x512xf32> to vector<1x512xf32>
    %add3A_1538 = vector.broadcast %slice3A_1537 : vector<1x512xf32> to vector<65x512xf32>
    %add3A_1539 = arith.addf %add3A_1538, %add3A_33 : vector<65x512xf32>
    %max3A_1540 = arith.constant 0.000000e+00 : f32
    %max3A_1541 = vector.broadcast %max3A_1540 : f32 to vector<65x512xf32>
    %max3A_1542 = arith.maximumf %add3A_1539, %max3A_1541 : vector<65x512xf32>
    %convert_element_type3A_1543 = arith.truncf %max3A_1542 : vector<65x512xf32> to vector<65x512xbf16>
    %dot_general3A_1544 = arith.constant dense<0.000000e+00> : vector<65x16xf32>
    %dot_general3A_1545 = tpu.matmul %convert_element_type3A_1543, %convert_element_type3A, %dot_general3A_1544 {dimension_numbers = #tpu.dot_dimension_numbers<[1], [0], [0], [1], [0, 0, 1, 1], [], []>, transpose_lhs_hint = false} : vector<65x512xbf16>, vector<512x16xbf16>, vector<65x16xf32> -> vector<65x16xf32>
    %add3A_1546 = vector.broadcast %get3A_39 : vector<1x16xf32> to vector<65x16xf32>
    %add3A_1547 = arith.addf %dot_general3A_1545, %add3A_1546 : vector<65x16xf32>
    %slice3A_1548 = vector.extract_strided_slice %add3A_1547 {offsets = [0, 0], sizes = [65, 13], strides = [1, 1]} : vector<65x16xf32> to vector<65x13xf32>
    %swap3A_1549 = arith.constant 0 : index
    %swap3A_1550 = arith.constant 3900 : index
    %swap3A_1551 = arith.constant 0 : index
    %swap3A_1552 = vector.load %arg9[%swap3A_1549, %swap3A_1550, %swap3A_1551] : memref<1x4224x13xf32, #tpu.memory_space<vmem>>, vector<1x65x13xf32>
    %swap3A_1553 = vector.shape_cast %swap3A_1552 : vector<1x65x13xf32> to vector<65x13xf32>
    %swap3A_1554 = vector.shape_cast %slice3A_1548 : vector<65x13xf32> to vector<1x65x13xf32>
    tpu.vector_store %arg9[%swap3A_1549, %swap3A_1550, %swap3A_1551], %swap3A_1554 {strides = array<i32>} : memref<1x4224x13xf32, #tpu.memory_space<vmem>>, vector<1x65x13xf32>,
    %slice3A_1555 = vector.extract_strided_slice %add3A_1547 {offsets = [0, 13], sizes = [65, 3], strides = [1, 1]} : vector<65x16xf32> to vector<65x3xf32>
    %swap3A_1556 = arith.constant 0 : index
    %swap3A_1557 = arith.constant 3900 : index
    %swap3A_1558 = arith.constant 0 : index
    %swap3A_1559 = vector.load %arg10[%swap3A_1556, %swap3A_1557, %swap3A_1558] : memref<1x4224x3xf32, #tpu.memory_space<vmem>>, vector<1x65x3xf32>
    %swap3A_1560 = vector.shape_cast %swap3A_1559 : vector<1x65x3xf32> to vector<65x3xf32>
    %swap3A_1561 = vector.shape_cast %slice3A_1555 : vector<65x3xf32> to vector<1x65x3xf32>
    tpu.vector_store %arg10[%swap3A_1556, %swap3A_1557, %swap3A_1558], %swap3A_1561 {strides = array<i32>} : memref<1x4224x3xf32, #tpu.memory_space<vmem>>, vector<1x65x3xf32>,
    %slice3A_1562 = vector.extract_strided_slice %dot_general3A_15 {offsets = [61, 0], sizes = [1, 512], strides = [1, 1]} : vector<64x512xf32> to vector<1x512xf32>
    %add3A_1563 = vector.broadcast %slice3A_1562 : vector<1x512xf32> to vector<65x512xf32>
    %add3A_1564 = arith.addf %add3A_1563, %add3A_33 : vector<65x512xf32>
    %max3A_1565 = arith.constant 0.000000e+00 : f32
    %max3A_1566 = vector.broadcast %max3A_1565 : f32 to vector<65x512xf32>
    %max3A_1567 = arith.maximumf %add3A_1564, %max3A_1566 : vector<65x512xf32>
    %convert_element_type3A_1568 = arith.truncf %max3A_1567 : vector<65x512xf32> to vector<65x512xbf16>
    %dot_general3A_1569 = arith.constant dense<0.000000e+00> : vector<65x16xf32>
    %dot_general3A_1570 = tpu.matmul %convert_element_type3A_1568, %convert_element_type3A, %dot_general3A_1569 {dimension_numbers = #tpu.dot_dimension_numbers<[1], [0], [0], [1], [0, 0, 1, 1], [], []>, transpose_lhs_hint = false} : vector<65x512xbf16>, vector<512x16xbf16>, vector<65x16xf32> -> vector<65x16xf32>
    %add3A_1571 = vector.broadcast %get3A_39 : vector<1x16xf32> to vector<65x16xf32>
    %add3A_1572 = arith.addf %dot_general3A_1570, %add3A_1571 : vector<65x16xf32>
    %slice3A_1573 = vector.extract_strided_slice %add3A_1572 {offsets = [0, 0], sizes = [65, 13], strides = [1, 1]} : vector<65x16xf32> to vector<65x13xf32>
    %swap3A_1574 = arith.constant 0 : index
    %swap3A_1575 = arith.constant 3965 : index
    %swap3A_1576 = arith.constant 0 : index
    %swap3A_1577 = vector.load %arg9[%swap3A_1574, %swap3A_1575, %swap3A_1576] : memref<1x4224x13xf32, #tpu.memory_space<vmem>>, vector<1x65x13xf32>
    %swap3A_1578 = vector.shape_cast %swap3A_1577 : vector<1x65x13xf32> to vector<65x13xf32>
    %swap3A_1579 = vector.shape_cast %slice3A_1573 : vector<65x13xf32> to vector<1x65x13xf32>
    tpu.vector_store %arg9[%swap3A_1574, %swap3A_1575, %swap3A_1576], %swap3A_1579 {strides = array<i32>} : memref<1x4224x13xf32, #tpu.memory_space<vmem>>, vector<1x65x13xf32>,
    %slice3A_1580 = vector.extract_strided_slice %add3A_1572 {offsets = [0, 13], sizes = [65, 3], strides = [1, 1]} : vector<65x16xf32> to vector<65x3xf32>
    %swap3A_1581 = arith.constant 0 : index
    %swap3A_1582 = arith.constant 3965 : index
    %swap3A_1583 = arith.constant 0 : index
    %swap3A_1584 = vector.load %arg10[%swap3A_1581, %swap3A_1582, %swap3A_1583] : memref<1x4224x3xf32, #tpu.memory_space<vmem>>, vector<1x65x3xf32>
    %swap3A_1585 = vector.shape_cast %swap3A_1584 : vector<1x65x3xf32> to vector<65x3xf32>
    %swap3A_1586 = vector.shape_cast %slice3A_1580 : vector<65x3xf32> to vector<1x65x3xf32>
    tpu.vector_store %arg10[%swap3A_1581, %swap3A_1582, %swap3A_1583], %swap3A_1586 {strides = array<i32>} : memref<1x4224x3xf32, #tpu.memory_space<vmem>>, vector<1x65x3xf32>,
    %slice3A_1587 = vector.extract_strided_slice %dot_general3A_15 {offsets = [62, 0], sizes = [1, 512], strides = [1, 1]} : vector<64x512xf32> to vector<1x512xf32>
    %add3A_1588 = vector.broadcast %slice3A_1587 : vector<1x512xf32> to vector<65x512xf32>
    %add3A_1589 = arith.addf %add3A_1588, %add3A_33 : vector<65x512xf32>
    %max3A_1590 = arith.constant 0.000000e+00 : f32
    %max3A_1591 = vector.broadcast %max3A_1590 : f32 to vector<65x512xf32>
    %max3A_1592 = arith.maximumf %add3A_1589, %max3A_1591 : vector<65x512xf32>
    %convert_element_type3A_1593 = arith.truncf %max3A_1592 : vector<65x512xf32> to vector<65x512xbf16>
    %dot_general3A_1594 = arith.constant dense<0.000000e+00> : vector<65x16xf32>
    %dot_general3A_1595 = tpu.matmul %convert_element_type3A_1593, %convert_element_type3A, %dot_general3A_1594 {dimension_numbers = #tpu.dot_dimension_numbers<[1], [0], [0], [1], [0, 0, 1, 1], [], []>, transpose_lhs_hint = false} : vector<65x512xbf16>, vector<512x16xbf16>, vector<65x16xf32> -> vector<65x16xf32>
    %add3A_1596 = vector.broadcast %get3A_39 : vector<1x16xf32> to vector<65x16xf32>
    %add3A_1597 = arith.addf %dot_general3A_1595, %add3A_1596 : vector<65x16xf32>
    %slice3A_1598 = vector.extract_strided_slice %add3A_1597 {offsets = [0, 0], sizes = [65, 13], strides = [1, 1]} : vector<65x16xf32> to vector<65x13xf32>
    %swap3A_1599 = arith.constant 0 : index
    %swap3A_1600 = arith.constant 4030 : index
    %swap3A_1601 = arith.constant 0 : index
    %swap3A_1602 = vector.load %arg9[%swap3A_1599, %swap3A_1600, %swap3A_1601] : memref<1x4224x13xf32, #tpu.memory_space<vmem>>, vector<1x65x13xf32>
    %swap3A_1603 = vector.shape_cast %swap3A_1602 : vector<1x65x13xf32> to vector<65x13xf32>
    %swap3A_1604 = vector.shape_cast %slice3A_1598 : vector<65x13xf32> to vector<1x65x13xf32>
    tpu.vector_store %arg9[%swap3A_1599, %swap3A_1600, %swap3A_1601], %swap3A_1604 {strides = array<i32>} : memref<1x4224x13xf32, #tpu.memory_space<vmem>>, vector<1x65x13xf32>,
    %slice3A_1605 = vector.extract_strided_slice %add3A_1597 {offsets = [0, 13], sizes = [65, 3], strides = [1, 1]} : vector<65x16xf32> to vector<65x3xf32>
    %swap3A_1606 = arith.constant 0 : index
    %swap3A_1607 = arith.constant 4030 : index
    %swap3A_1608 = arith.constant 0 : index
    %swap3A_1609 = vector.load %arg10[%swap3A_1606, %swap3A_1607, %swap3A_1608] : memref<1x4224x3xf32, #tpu.memory_space<vmem>>, vector<1x65x3xf32>
    %swap3A_1610 = vector.shape_cast %swap3A_1609 : vector<1x65x3xf32> to vector<65x3xf32>
    %swap3A_1611 = vector.shape_cast %slice3A_1605 : vector<65x3xf32> to vector<1x65x3xf32>
    tpu.vector_store %arg10[%swap3A_1606, %swap3A_1607, %swap3A_1608], %swap3A_1611 {strides = array<i32>} : memref<1x4224x3xf32, #tpu.memory_space<vmem>>, vector<1x65x3xf32>,
    %slice3A_1612 = vector.extract_strided_slice %dot_general3A_15 {offsets = [63, 0], sizes = [1, 512], strides = [1, 1]} : vector<64x512xf32> to vector<1x512xf32>
    %add3A_1613 = vector.broadcast %slice3A_1612 : vector<1x512xf32> to vector<65x512xf32>
    %add3A_1614 = arith.addf %add3A_1613, %add3A_33 : vector<65x512xf32>
    %max3A_1615 = arith.constant 0.000000e+00 : f32
    %max3A_1616 = vector.broadcast %max3A_1615 : f32 to vector<65x512xf32>
    %max3A_1617 = arith.maximumf %add3A_1614, %max3A_1616 : vector<65x512xf32>
    %convert_element_type3A_1618 = arith.truncf %max3A_1617 : vector<65x512xf32> to vector<65x512xbf16>
    %dot_general3A_1619 = arith.constant dense<0.000000e+00> : vector<65x16xf32>
    %dot_general3A_1620 = tpu.matmul %convert_element_type3A_1618, %convert_element_type3A, %dot_general3A_1619 {dimension_numbers = #tpu.dot_dimension_numbers<[1], [0], [0], [1], [0, 0, 1, 1], [], []>, transpose_lhs_hint = false} : vector<65x512xbf16>, vector<512x16xbf16>, vector<65x16xf32> -> vector<65x16xf32>
    %add3A_1621 = vector.broadcast %get3A_39 : vector<1x16xf32> to vector<65x16xf32>
    %add3A_1622 = arith.addf %dot_general3A_1620, %add3A_1621 : vector<65x16xf32>
    %slice3A_1623 = vector.extract_strided_slice %add3A_1622 {offsets = [0, 0], sizes = [65, 13], strides = [1, 1]} : vector<65x16xf32> to vector<65x13xf32>
    %swap3A_1624 = arith.constant 0 : index
    %swap3A_1625 = arith.constant 4095 : index
    %swap3A_1626 = arith.constant 0 : index
    %swap3A_1627 = vector.load %arg9[%swap3A_1624, %swap3A_1625, %swap3A_1626] : memref<1x4224x13xf32, #tpu.memory_space<vmem>>, vector<1x65x13xf32>
    %swap3A_1628 = vector.shape_cast %swap3A_1627 : vector<1x65x13xf32> to vector<65x13xf32>
    %swap3A_1629 = vector.shape_cast %slice3A_1623 : vector<65x13xf32> to vector<1x65x13xf32>
    tpu.vector_store %arg9[%swap3A_1624, %swap3A_1625, %swap3A_1626], %swap3A_1629 {strides = array<i32>} : memref<1x4224x13xf32, #tpu.memory_space<vmem>>, vector<1x65x13xf32>,
    %slice3A_1630 = vector.extract_strided_slice %add3A_1622 {offsets = [0, 13], sizes = [65, 3], strides = [1, 1]} : vector<65x16xf32> to vector<65x3xf32>
    %swap3A_1631 = arith.constant 0 : index
    %swap3A_1632 = arith.constant 4095 : index
    %swap3A_1633 = arith.constant 0 : index
    %swap3A_1634 = vector.load %arg10[%swap3A_1631, %swap3A_1632, %swap3A_1633] : memref<1x4224x3xf32, #tpu.memory_space<vmem>>, vector<1x65x3xf32>
    %swap3A_1635 = vector.shape_cast %swap3A_1634 : vector<1x65x3xf32> to vector<65x3xf32>
    %swap3A_1636 = vector.shape_cast %slice3A_1630 : vector<65x3xf32> to vector<1x65x3xf32>
    tpu.vector_store %arg10[%swap3A_1631, %swap3A_1632, %swap3A_1633], %swap3A_1636 {strides = array<i32>} : memref<1x4224x3xf32, #tpu.memory_space<vmem>>, vector<1x65x3xf32>,
    %slice3A_1637 = vector.extract_strided_slice %add3A_33 {offsets = [0, 0], sizes = [64, 512], strides = [1, 1]} : vector<65x512xf32> to vector<64x512xf32>
    %add3A_1638 = vector.broadcast %dot_general3A_22 : vector<1x512xf32> to vector<64x512xf32>
    %add3A_1639 = arith.addf %add3A_1638, %slice3A_1637 : vector<64x512xf32>
    %max3A_1640 = arith.constant 0.000000e+00 : f32
    %max3A_1641 = vector.broadcast %max3A_1640 : f32 to vector<64x512xf32>
    %max3A_1642 = arith.maximumf %add3A_1639, %max3A_1641 : vector<64x512xf32>
    %convert_element_type3A_1643 = arith.truncf %max3A_1642 : vector<64x512xf32> to vector<64x512xbf16>
    %dot_general3A_1644 = arith.constant dense<0.000000e+00> : vector<64x16xf32>
    %dot_general3A_1645 = tpu.matmul %convert_element_type3A_1643, %convert_element_type3A, %dot_general3A_1644 {dimension_numbers = #tpu.dot_dimension_numbers<[1], [0], [0], [1], [0, 0, 1, 1], [], []>, transpose_lhs_hint = false} : vector<64x512xbf16>, vector<512x16xbf16>, vector<64x16xf32> -> vector<64x16xf32>
    %add3A_1646 = vector.broadcast %get3A_39 : vector<1x16xf32> to vector<64x16xf32>
    %add3A_1647 = arith.addf %dot_general3A_1645, %add3A_1646 : vector<64x16xf32>
    %slice3A_1648 = vector.extract_strided_slice %add3A_1647 {offsets = [0, 0], sizes = [64, 13], strides = [1, 1]} : vector<64x16xf32> to vector<64x13xf32>
    %swap3A_1649 = arith.constant 0 : index
    %swap3A_1650 = arith.constant 4160 : index
    %swap3A_1651 = arith.constant 0 : index
    %swap3A_1652 = vector.load %arg9[%swap3A_1649, %swap3A_1650, %swap3A_1651] : memref<1x4224x13xf32, #tpu.memory_space<vmem>>, vector<1x64x13xf32>
    %swap3A_1653 = vector.shape_cast %swap3A_1652 : vector<1x64x13xf32> to vector<64x13xf32>
    %swap3A_1654 = vector.shape_cast %slice3A_1648 : vector<64x13xf32> to vector<1x64x13xf32>
    tpu.vector_store %arg9[%swap3A_1649, %swap3A_1650, %swap3A_1651], %swap3A_1654 {strides = array<i32>} : memref<1x4224x13xf32, #tpu.memory_space<vmem>>, vector<1x64x13xf32>,
    %slice3A_1655 = vector.extract_strided_slice %add3A_1647 {offsets = [0, 13], sizes = [64, 3], strides = [1, 1]} : vector<64x16xf32> to vector<64x3xf32>
    %swap3A_1656 = arith.constant 0 : index
    %swap3A_1657 = arith.constant 4160 : index
    %swap3A_1658 = arith.constant 0 : index
    %swap3A_1659 = vector.load %arg10[%swap3A_1656, %swap3A_1657, %swap3A_1658] : memref<1x4224x3xf32, #tpu.memory_space<vmem>>, vector<1x64x3xf32>
    %swap3A_1660 = vector.shape_cast %swap3A_1659 : vector<1x64x3xf32> to vector<64x3xf32>
    %swap3A_1661 = vector.shape_cast %slice3A_1655 : vector<64x3xf32> to vector<1x64x3xf32>
    tpu.vector_store %arg10[%swap3A_1656, %swap3A_1657, %swap3A_1658], %swap3A_1661 {strides = array<i32>} : memref<1x4224x3xf32, #tpu.memory_space<vmem>>, vector<1x64x3xf32>,
    return
  }
  func.func @transform_0(%arg0: i32) -> (i32, i32, i32) {
    %c0_i32 = arith.constant 0 : i32
    %c0_i32_0 = arith.constant 0 : i32
    %c0_i32_1 = arith.constant 0 : i32
    return %arg0, %c0_i32, %c0_i32_0 : i32, i32, i32
  }
  func.func @transform_1(%arg0: i32) -> (i32, i32, i32) {
    %add3A = arith.constant 8 : i32
    %add3A_0 = arith.addi %arg0, %add3A : i32
    %c0_i32 = arith.constant 0 : i32
    %c0_i32_1 = arith.constant 0 : i32
    %c0_i32_2 = arith.constant 0 : i32
    return %add3A_0, %c0_i32, %c0_i32_1 : i32, i32, i32
  }
  func.func @transform_2(%arg0: i32) -> (i32, i32, i32) {
    %c0_i32 = arith.constant 0 : i32
    %c0_i32_0 = arith.constant 0 : i32
    %c0_i32_1 = arith.constant 0 : i32
    return %arg0, %c0_i32, %c0_i32_0 : i32, i32, i32
  }
  func.func @transform_3(%arg0: i32) -> (i32, i32, i32) {
    %c0_i32 = arith.constant 0 : i32
    %c0_i32_0 = arith.constant 0 : i32
    %c0_i32_1 = arith.constant 0 : i32
    return %arg0, %c0_i32, %c0_i32_0 : i32, i32, i32
  }
  func.func @transform_4(%arg0: i32) -> (i32, i32) {
    %c0_i32 = arith.constant 0 : i32
    %c0_i32_0 = arith.constant 0 : i32
    %c0_i32_1 = arith.constant 0 : i32
    return %c0_i32, %c0_i32_0 : i32, i32
  }
  func.func @transform_5(%arg0: i32) -> (i32, i32) {
    %c0_i32 = arith.constant 0 : i32
    %c0_i32_0 = arith.constant 0 : i32
    %c0_i32_1 = arith.constant 0 : i32
    return %c0_i32, %c0_i32_0 : i32, i32
  }
  func.func @transform_6(%arg0: i32) -> (i32, i32) {
    %c0_i32 = arith.constant 0 : i32
    %c0_i32_0 = arith.constant 0 : i32
    %c0_i32_1 = arith.constant 0 : i32
    return %c0_i32, %c0_i32_0 : i32, i32
  }
  func.func @transform_7(%arg0: i32) -> (i32, i32) {
    %c0_i32 = arith.constant 0 : i32
    %c0_i32_0 = arith.constant 0 : i32
    %c0_i32_1 = arith.constant 0 : i32
    return %c0_i32, %c0_i32_0 : i32, i32
  }
  func.func @transform_8(%arg0: i32) -> (i32, i32, i32) {
    %c0_i32 = arith.constant 0 : i32
    %c0_i32_0 = arith.constant 0 : i32
    %c0_i32_1 = arith.constant 0 : i32
    return %arg0, %c0_i32, %c0_i32_0 : i32, i32, i32
  }
  func.func @transform_9(%arg0: i32) -> (i32, i32, i32) {
    %c0_i32 = arith.constant 0 : i32
    %c0_i32_0 = arith.constant 0 : i32
    %c0_i32_1 = arith.constant 0 : i32
    return %arg0, %c0_i32, %c0_i32_0 : i32, i32, i32
  }
}

</mosaic_0001>

<sc_bundles>
// kernel: kernel.5.cloned.1.call-start
scs
__scs_entry_jumppad:
0x0: {  	(pc) =	sbr.rel $0x88, $3  }
0x1: {  	(tag) =	ssettag $0x0;
	lr =	simm.s32 $0x1  }
0x2: {  	[smem:$0x3F96] =	sst lr;
	_ =	strace $0xD0000000  }
0x3: {  	_ = 	snop  }
0x4: {  	_ = 	snop  }
0x5: {  	_ = 	snop  }
0x6: {  	_ = 	snop  }
0x7: {  	_ = 	snop  }
__scs_overlays_trampoline_lowered:
0x8: {  	[smem:$0x3FA5] =	sst s0  }
0x9: {  	[smem:$0x3FA6] =	sst s1  }
0xa: {  	[smem:$0x3FA7] =	sst s2  }
0xb: {  	[smem:$0x3FA8] =	sst s3  }
0xc: {  	[smem:$0x3FA9] =	sst s4  }
0xd: {  	[smem:$0x3FAA] =	sst s5  }
0xe: {  	[smem:$0x3FAB] =	sst s6  }
0xf: {  	[smem:$0x3FAC] =	sst s7  }
0x10: {  	[smem:$0x3FAD] =	sst s8  }
0x11: {  	[smem:$0x3FAE] =	sst s9;
	s0 =	simm.s32 @!p0 $0x0  }
0x12: {  	s1 =	sld [smem:$0x3F94];
	s0 =	simm.s32 @p0 $0x1  }
0x13: {  	[smem:$0x3FAF] =	sst s0;
	s0 =	simm.s32 @!p1 $0x0  }
0x14: {  	s2 =	sld [smem:$0x3F93];
	s0 =	simm.s32 @p1 $0x1  }
0x15: {  	[smem:$0x3FB0] =	sst s0;
	s0 =	simm.s32 @!p2 $0x0  }
0x16: {  	s3 =	sld [smem:$0x3FDB];
	s0 =	simm.s32 @p2 $0x1  }
0x17: {  	s4 =	simm.s32 $0x1BF5;
	[smem:$0x3FB2] =	sst s0  }
0x18: {  	s0 =	sld [smem:$0x3F95];
	_ =	swait.ge [sflag:s4], $0x0  }
0x19: {  	s7 =	sld [smem:$0x3F96]  }
0x1a: {  	s8 =	sadd.s32 $0xFFFFE003, lr  }
0x1b: {  	s9 =	sadd.s32 $0xFFFFFEF7, lr;
	s5 =	simm.s32 $0xFFFFFFFF;
	p2 =	slt.u32 s8, $0xFFFFF086  }
0x1c: {  	p1 =	slt.u32 s9, $0xF7A;
	s5 =	simm.s32 @!p2 $0x0  }
0x1d: {  	s5 =	simm.s32 @p1 $0x1;
	p0 =	seq.s32 s7, s2  }
0x1e: {  	s7 =	smul.u32 @!p0 $0xF7A, s2;
	p2 =	seq.s32 @!p0 s5, $0x0  }
0x1f: {  	s9 =	smul.u32 $0xF7A, s1;
	s8 =	simm.s32 @!p0 $0x1BF5;
	p2 =	por !p2, p0  }
0x20: {  	[sflag:s8] =	ssyncset.s32 @!p0 $0xFFFFF086;
	s6 =	sadd.s32 @!p0 s3, s7;
	s7 =	simm.s32 @!p0 $0x108  }
0x21: {  	s3 =	sadd.s32 s3, s9;
	s6 =	sadd.s32 @!p0 $0x88, s6;
	s7 =	simm.s32 @p2 $0x1082  }
0x22: {  	[simem:s7], [sflag:s8] =	dma.local @!p0 [hbm:s6], $0xF7A  }
0x23: {  	s9 =	sor.u32 $0xD0000000, s2;
	s6 =	simm.s32 $0x108;
	_ =	swait.ge @!p0 [sflag:s8], $0x0  }
0x24: {  	s3 =	sadd.s32 $0x88, s3;
	s6 =	simm.s32 @!p1 $0x1082;
	[sflag:s4] =	ssyncset.s32 $0xFFFFF086  }
0x25: {  	[simem:s6], [sflag:s4] =	dma.local [hbm:s3], $0xF7A  }
0x26: {  	[smem:$0x3F96] =	sst s1;
	(tag) =	ssettag s2;
	_ =	strace s9  }
0x27: {  	s1 =	sld [smem:$0x3FA6]  }
0x28: {  	s2 =	sld [smem:$0x3FA7]  }
0x29: {  	s4 =	sld [smem:$0x3FA9]  }
0x2a: {  	p0 =	seq.s32 s5, $0x0;
	s5 =	sld [smem:$0x3FAA]  }
0x2b: {  	s6 =	sld [smem:$0x3FAB]  }
0x2c: {  	s7 =	sld [smem:$0x3FAC]  }
0x2d: {  	s3 =	simm.s32 $0x108;
	s8 =	sld [smem:$0x3FAD]  }
0x2e: {  	s3 =	simm.s32 @!p0 $0x1082;
	s9 =	sld [smem:$0x3FAE]  }
0x2f: {  	lr =	sadd.s32 s0, s3;
	s0 =	sld [smem:$0x3FA5]  }
0x30: {  	s3 =	sld [smem:$0x3FA8]  }
0x31: {  	[smem:$0x3FB1] =	sst s10  }
0x32: {  	s10 =	sld [smem:$0x3FAF];
	_ =	sdelay $0x3  }
0x33: {  	p0 =	seq.s32 s10, $0x1;
	s10 =	sld [smem:$0x3FB1];
	_ =	sdelay $0x3  }
0x34: {  	[smem:$0x3FB1] =	sst s10  }
0x35: {  	s10 =	sld [smem:$0x3FB0];
	_ =	sdelay $0x3  }
0x36: {  	p1 =	seq.s32 s10, $0x1;
	s10 =	sld [smem:$0x3FB1];
	_ =	sdelay $0x3  }
0x37: {  	[smem:$0x3FB1] =	sst s10  }
0x38: {  	s10 =	sld [smem:$0x3FB2]  }
0x39: {  	_ = 	snop;
	(pc) =	sbr.ind lr, $3  }
0x3a: {  	_ = 	snop  }
0x3b: {  	_ = 	snop  }
0x3c: {  	p2 =	seq.s32 s10, $0x1;
	s10 =	sld [smem:$0x3FB1]  }
0x3d: {  	_ =	shalt  }
0x3e: {  	_ =	shalt  }
0x3f: {  	_ =	shalt  }
0x40: {  	_ =	shalt  }
0x41: {  	_ =	shalt  }
0x42: {  	_ =	shalt  }
0x43: {  	_ =	shalt  }
0x44: {  	_ =	shalt  }
0x45: {  	_ =	shalt  }
0x46: {  	_ =	shalt  }
0x47: {  	_ =	shalt  }
0x48: {  	_ =	shalt  }
0x49: {  	_ =	shalt  }
0x4a: {  	_ =	shalt  }
0x4b: {  	_ =	shalt  }
0x4c: {  	_ =	shalt  }
0x4d: {  	_ =	shalt  }
0x4e: {  	_ =	shalt  }
0x4f: {  	_ =	shalt  }
0x50: {  	_ =	shalt  }
0x51: {  	_ =	shalt  }
0x52: {  	_ =	shalt  }
0x53: {  	_ =	shalt  }
0x54: {  	_ =	shalt  }
0x55: {  	_ =	shalt  }
0x56: {  	_ =	shalt  }
0x57: {  	_ =	shalt  }
0x58: {  	_ =	shalt  }
0x59: {  	_ =	shalt  }
0x5a: {  	_ =	shalt  }
0x5b: {  	_ =	shalt  }
0x5c: {  	_ =	shalt  }
0x5d: {  	_ =	shalt  }
0x5e: {  	_ =	shalt  }
0x5f: {  	_ =	shalt  }
0x60: {  	_ =	shalt  }
0x61: {  	_ =	shalt  }
0x62: {  	_ =	shalt  }
0x63: {  	_ =	shalt  }
0x64: {  	_ =	shalt  }
0x65: {  	_ =	shalt  }
0x66: {  	_ =	shalt  }
0x67: {  	_ =	shalt  }
0x68: {  	_ =	shalt  }
0x69: {  	_ =	shalt  }
0x6a: {  	_ =	shalt  }
0x6b: {  	_ =	shalt  }
0x6c: {  	_ =	shalt  }
0x6d: {  	_ =	shalt  }
0x6e: {  	_ =	shalt  }
0x6f: {  	_ =	shalt  }
0x70: {  	_ =	shalt  }
0x71: {  	_ =	shalt  }
0x72: {  	_ =	shalt  }
0x73: {  	_ =	shalt  }
0x74: {  	_ =	shalt  }
0x75: {  	_ =	shalt  }
0x76: {  	_ =	shalt  }
0x77: {  	_ =	shalt  }
0x78: {  	_ =	shalt  }
0x79: {  	_ =	shalt  }
0x7a: {  	_ =	shalt  }
0x7b: {  	_ =	shalt  }
0x7c: {  	_ =	shalt  }
0x7d: {  	_ =	shalt  }
0x7e: {  	_ =	shalt  }
0x7f: {  	_ =	shalt  }
0x80: {  	_ =	shalt  }
0x81: {  	_ =	shalt  }
0x82: {  	_ =	shalt  }
0x83: {  	_ =	shalt  }
0x84: {  	_ =	shalt  }
0x85: {  	_ =	shalt  }
0x86: {  	_ =	shalt  }
0x87: {  	_ =	shalt  }
.Lfunc_end0:
.L_simem_size_0:
called_computation_lowered:
.L_overlay_start_0:
0x88: {  	s2 =	sld [smem:$0x3FD9]  }
0x89: {  	s3 =	sld [smem:$0x3FFE];
	_ =	sdelay $0x1  }
0x8a: {  	s1 =	srdreg.scid  }
0x8b: {  	s0 =	sand.u32 $0x1, s1  }
0x8c: {  	s14 =	sshll.u32 s0, $0xA;
	s2 =	sadd.s32 s3, s2  }
0x8d: {  	s2 =	sadd.s32 s2, s14  }
0x8e: {  	[smem:$0x3FBD] =	sst s2  }
0x8f: {  	_ = 	snop  }
0x90: {  	s2 =	sld [smem:$0x3FD0];
	_ =	sdelay $0x2  }
0x91: {  	s4 =	simm.s32 $0xA;
	s5 =	simm.s32 $0x10;
	s15 =	sld [smem:$0x3FC7]  }
0x92: {  	[smem:s5], [sflag:s4] =	dma.local [hbm:s2], $0x1  }
0x93: {  	_ =	swait.eq [sflag:s4], $0x1  }
0x94: {  	[sflag:s4] =	ssyncset.done $0x0  }
0x95: {  	[sflag:s4] =	ssyncadd.s32 $0xFFFFFFFF  }
0x96: {  	s16 =	sld [smem:$0x13];
	(tm) =	ssettm $0x1  }
0x97: {  	s17 =	sld [smem:$0x3FFB];
	_ =	sdelay $0x3  }
0x98: {  	_ =	strace s17  }
0x99: {  	s4 =	sld [smem:$0x3FFC];
	_ =	sdelay $0x3  }
0x9a: {  	_ =	strace s4  }
0x9b: {  	s4 =	sld [smem:$0x3FFD];
	_ =	sdelay $0x3  }
0x9c: {  	_ =	strace s4  }
0x9d: {  	_ =	strace $0x8FFFFFFF  }
0x9e: {  	s18 =	sld [smem:$0x3FDB];
	_ =	sdelay $0x1  }
0x9f: {  	s19 =	simm.s32 $_scs_section_size  }
0xa0: {  	s6 =	simm.s32 $_size__tile_overlayer_lowered;
	s7 =	simm.s32 $_tile_overlayer_lowered  }
0xa1: {  	s22 =	simm.s32 $0x1BFF;
	s21 =	sshll.u32 s7, $0x1;
	s4 =	sadd.s32 s19, s18  }
0xa2: {  	s8 =	simm.s32 $0x0;
	s20 =	sshll.u32 s6, $0x1;
	s6 =	sadd.s32 s21, s4  }
0xa3: {  	[timem:s8], [sflag:s22] =	dma.local [hbm:s6], s20  }
0xa4: {  	_ =	swait.ge [sflag:s22], s20  }
0xa5: {  	s5 =	ssub.s32 $0x0, s20;
	[sflag:s22] =	ssyncset.done $0x0  }
0xa6: {  	[sflag:s22] =	ssyncadd.s32 s5;
	_ =	sdelay $0x1  }
0xa7: {  	s23 =	simm.s32 $0x1B8B  }
0xa8: {  	_ =	swait.ge [sflag:s23], $0x1  }
0xa9: {  	[sflag:s23] =	ssyncset.done $0x0  }
0xaa: {  	s25 =	simm.s32 $0x1B8E;
	s24 =	sld [smem:$0x3FFE];
	[sflag:s23] =	ssyncadd.s32 $0xFFFFFFFF  }
0xab: {  	s26 =	simm.s32 $execute0_lowered;
	[smem:$0x3FD2] =	sst s25  }
0xac: {  	s6 =	sshll.u32 s26, $0x1;
	_ =	strace $0x80000046;
	[dreg:$0x1] =	wrdreg $0xFFFFFFFF  }
0xad: {  	s28 =	simm.s32 $_size_execute0_lowered;
	s4 =	sadd.s32 s4, s6;
	[dreg:$0x0] =	wrdreg $0x0  }
0xae: {  	s6 =	sshll.u32 s28, $0x1;
	[dreg:$0x2] =	wrdreg s4  }
0xaf: {  	[dreg:$0x3] =	wrdreg s6  }
0xb0: {  	[dreg:$0x4] =	wrdreg $0xC0  }
0xb1: {  	_ =	task [dreg:s8], $0x5FFFF  }
0xb2: {  	[dreg:$0x1] =	wrdreg $0xFFFFFFFF  }
0xb3: {  	[dreg:$0x0] =	wrdreg $0x60  }
0xb4: {  	[dreg:$0x2] =	wrdreg s15  }
0xb5: {  	[dreg:$0x3] =	wrdreg s16  }
0xb6: {  	[dreg:$0x4] =	wrdreg s24  }
0xb7: {  	[dreg:$0x5] =	wrdreg $0x9  }
0xb8: {  	_ =	task.clear_ibuf [dreg:s8], $0x6FFFF;
	_ =	strace $0x90000046  }
0xb9: {  	s29 =	simm.s32 $0x9;
	_ =	strace $0x80000048  }
0xba: {  	_ =	swait.ge [sflag:s29], $0x1  }
0xbb: {  	[sflag:s29] =	ssyncadd.s32 $0xFFFFFFFF  }
0xbc: {  	_ =	strace $0x90000048  }
0xbd: {  	_ =	sfence  }
0xbe: {  	s30 =	sld [smem:$0x0];
	_ =	sdelay $0x2  }
0xbf: {  	s31 =	sshll.u32 s1, $0xD;
	s1 =	sshrl.u32 s1, $0x2  }
0xc0: {  	s3 =	sand.u32 $0x4000, s31;
	s1 =	sadd.s32 s1, s30  }
0xc1: {  	s0 =	sor.u32 s3, s0;
	s1 =	sshll.u32 s1, $0x11  }
0xc2: {  	s0 =	sor.u32 s1, s0  }
0xc3: {  	s0 =	sadd.s32 $0x8F2B, s0  }
0xc4: {  	[sflag:s0] =	ssyncadd.remote.s32 $0x1  }
0xc5: {  	_ =	sfence.sel $0xFFFF  }
0xc6: {  	[dreg:$0x0] =	wrdreg $0xFFFFFFFF;
	(pc) =	sbr.abs _section_cstart, $3  }
0xc7: {  	[dreg:$0x1] =	wrdreg $0xFFFFFFFF  }
0xc8: {  	_ =	task.clear_ibuf [dreg:s8], $0x2FFFF;
	_ =	strace $0x9FFFFFFF  }
0xc9: {  	(tm) =	ssettm $0x7FFFFFFF  }
tec
execute0_lowered:
.L_overlay_start_1:
0x0: {  	(tag) =	ssettag $0x1  }
0x1: {  	s1 =	rddreg [dreg:$0x0]  }
0x2: {  	s4 =	rddreg [dreg:$0x1]  }
0x3: {  	s5 =	rddreg [dreg:$0x2];
	s3 =	srdreg.scid  }
0x4: {  	s0 =	rddreg [dreg:$0x3];
	s2 =	stileid.u32  }
0x5: {  	s10 =	simm.s32 $0x880;
	s11 =	simm.s32 $0x1080;
	s12 =	simm.s32 $0x1880  }
0x6: {  	s13 =	simm.s32 $0x2080;
	s14 =	simm.s32 $0x2880;
	s15 =	simm.s32 $0x3080  }
0x7: {  	s16 =	simm.s32 $0x3880;
	s17 =	simm.s32 $0x1;
	s6 =	sand.u32 $0x1, s3  }
0x8: {  	s3 =	simm.s32 $0x0;
	s7 =	sshll.u32 s2, $0x6;
	s8 =	sshll.u32 s6, $0x5  }
0x9: {  	[smem:$0x7FF] =	sst s3;
	s6 =	ssub.s32 $0x2, s6;
	s7 =	sor.u32 s8, s7  }
0xa: {  	_ =	strace $0x80000047;
	s31 =	sshrl.u32 s6, $0x1;
	s8 =	sshll.u32 s7, $0x6  }
0xb: {  	v2 =	vlaneseq.u32;
	s7 =	sshrl.u32 s7, $0x3;
	s9 =	ssub.s32 s6, s31;
	s8 =	sadd.s32 s8, s5  }
0xc: {  	vm0 =	vmmov $0xffff;
	v1 =	vshrl.u32 v2, $0x3;
	s4 =	sadd.s32 s4, s7;
	s5 =	sadd.s32 $0x100, s1;
	s7 =	smax.u32 s9, $0x1  }
0xd: {  	v0 =	vand.u32 $0x7, v2;
	v2 =	vor.u32 $0x8, v2;
	v1 =	vmul.u32 $0x8, v1;
	s9 =	simm.s32 $0x80;
	s6 =	sadd.s32 $0x1C00, s8;
	s8 =	simm.s32 $0x2  }
.LBB2_1:
0xe: {  	[tilespmem:s3], [sflag:$0x2] =	stream.linear.gather [hbm4b:s4+s3], $0x20, $0x38;
	[tilespmem:$0x4080] =	vst v63  }
0xf: {  	_ =	swait.ge [sflag:s8], $0x20  }
0x10: {  	[sflag:s8] =	ssyncset.done $0x0  }
0x11: {  	[sflag:s8] =	ssyncadd.s32 $0xFFFFFFE0  }
0x12: {  	v3 =	vld [tilespmem:$0x0];
	_ =	sdelay $0x4  }
0x13: {  	v4 =	vshll.u32 v3, $0x2  }
0x14: {  	v3 =	vand.u32 $0x7, v3;
	v4 =	vand.u32 $0xFFFFFFE0, v4  }
0x15: {  	v3 =	vor.u32 v3, v4  }
0x16: {  	v4 =	vperm.xlane v3, v0;
	_ =	sdelay $0x1  }
0x17: {  	v4 =	vadd.s32 v1, v4;
	_ =	sdelay $0x1  }
0x18: {  	v3 =	vperm.xlane v3, v2;
	_ =	sdelay $0x1  }
0x19: {  	v3 =	vadd.s32 v1, v3  }
0x1a: {  	[tilespmem:s9], [sflag:$0x1] =	stream.indirect_vreg.gather [hbm4b:s1+s3], $0x80, v4, vm0, $0xb8;
	[tilespmem:$0x4080] =	vst v63  }
0x1b: {  	_ = 	snop  }
0x1c: {  	[tilespmem:s10], [sflag:$0x1] =	stream.indirect_vreg.gather [hbm4b:s5+s3], $0x80, v4, vm0, $0xb8;
	[tilespmem:$0x4080] =	vst v63  }
0x1d: {  	_ = 	snop  }
0x1e: {  	[tilespmem:s11], [sflag:$0x1] =	stream.indirect_vreg.gather [hbm4b:s1+s3], $0x80, v3, vm0, $0xb8;
	[tilespmem:$0x4080] =	vst v63  }
0x1f: {  	_ = 	snop  }
0x20: {  	[tilespmem:s12], [sflag:$0x1] =	stream.indirect_vreg.gather [hbm4b:s5+s3], $0x80, v3, vm0, $0xb8;
	[tilespmem:$0x4080] =	vst v63  }
0x21: {  	v3 =	vld [tilespmem:$0x10];
	_ =	sdelay $0x4  }
0x22: {  	v63 =	vshll.u32 v3, $0x2  }
0x23: {  	v3 =	vand.u32 $0x7, v3;
	v4 =	vand.u32 $0xFFFFFFE0, v63  }
0x24: {  	v3 =	vor.u32 v3, v4  }
0x25: {  	v4 =	vperm.xlane v3, v0;
	_ =	sdelay $0x1  }
0x26: {  	v4 =	vadd.s32 v1, v4;
	_ =	sdelay $0x1  }
0x27: {  	v3 =	vperm.xlane v3, v2;
	_ =	sdelay $0x1  }
0x28: {  	v3 =	vadd.s32 v1, v3  }
0x29: {  	[tilespmem:s13], [sflag:$0x1] =	stream.indirect_vreg.gather [hbm4b:s1+s3], $0x80, v4, vm0, $0xb8;
	[tilespmem:$0x4080] =	vst v63  }
0x2a: {  	_ = 	snop  }
0x2b: {  	[tilespmem:s14], [sflag:$0x1] =	stream.indirect_vreg.gather [hbm4b:s5+s3], $0x80, v4, vm0, $0xb8;
	[tilespmem:$0x4080] =	vst v63  }
0x2c: {  	_ = 	snop  }
0x2d: {  	[tilespmem:s15], [sflag:$0x1] =	stream.indirect_vreg.gather [hbm4b:s1+s3], $0x80, v3, vm0, $0xb8;
	[tilespmem:$0x4080] =	vst v63  }
0x2e: {  	_ = 	snop  }
0x2f: {  	[tilespmem:s16], [sflag:$0x1] =	stream.indirect_vreg.gather [hbm4b:s5+s3], $0x80, v3, vm0, $0xb8;
	[tilespmem:$0x4080] =	vst v63  }
0x30: {  	_ =	swait.ge [sflag:s17], $0x4000  }
0x31: {  	p0 =	sne.s32 s7, $0x1;
	[sflag:s17] =	ssyncset.done $0x0  }
.Ltmp0:
0x32: {  	[sflag:s17] =	ssyncadd.s32 $0xFFFFC000;
	(pc) =	sbr.rel @p0 .LBB2_1-.Ltmp0, $4  }
0x33: {  	[hbm4b:s6+s3] =	stream.linear.scatter [tilespmem:s9], [sflag:$0x2], $0x4000, $0x38;
	[tilespmem:$0x4080] =	vst v63  }
0x34: {  	_ =	swait.ge [sflag:s8], $0x4000  }
0x35: {  	[sflag:s8] =	ssyncset.done $0x0  }
0x36: {  	s7 =	sadd.s32 $0xFFFFFFFF, s7;
	[sflag:s8] =	ssyncadd.s32 $0xFFFFC000  }
0x37: {  	_ =	sfence.sel $0x180000  }
0x38: {  	[bflag:$0x0] =	sbarrier.arrive $0xFFFF  }
0x39: {  	p0 =	sne.s32 s2, $0x0;
	_ =	strace $0x90000047  }
0x3a: {  	s0 =	sadd.s32 @!p0 $0x100000, s0;
	[bflag:$0x2] =	sbarrier.arrive $0xFFFF  }
0x3b: {  	[sflag:s0] =	ssyncadd.tile.s32 @!p0 $0x1;
	_ =	shalt  }
.Lfunc_end2:
_tile_overlayer_lowered:
.L_overlay_start_2:
0x3c: {  	(tag) =	ssettag $0x2  }
0x3d: {  	s0 =	rddreg [dreg:$0x0];
	s2 =	stileid.u32  }
0x3e: {  	s1 =	rddreg [dreg:$0x1];
	p0 =	sne.s32 s2, $0x0  }
0x3f: {  	s3 =	rddreg [dreg:$0x2];
	[bflag:$0x3] =	sbarrier.arrive $0xFFFF;
	s2 =	simm.s32 @!p0 $0x1C02  }
0x40: {  	[timem:s3], [sflag:s2] =	dma.local @!p0 [hbm:s0], s1  }
0x41: {  	s0 =	simm.s32 @!p0 $0x2  }
0x42: {  	_ =	swait.ge @!p0 [sflag:s0], s1  }
0x43: {  	s1 =	ssub.s32 @!p0 $0x0, s1;
	[sflag:s0] =	ssyncset.done @!p0 $0x0  }
0x44: {  	[sflag:s0] =	ssyncadd.s32 @!p0 s1  }
0x45: {  	[bflag:$0x3] =	sbarrier.arrive $0xFFFF  }
0x46: {  	_ =	shalt  }

</sc_bundles>
